<compile_context>
chip_gen: v7x
topology: tpu7x:2x2x1
jax: 0.10.2.dev20260603
libtpu: 0.0.44.dev20260713+nightly
codegen_flags: <defaults>
</compile_context>

<pallas_src>
import functools

import jax
import jax.numpy as jnp
from jax import lax
from jax.experimental import pallas as pl
from jax.experimental.pallas import tpu as pltpu
from jax.experimental.pallas import tpu_sc as plsc

NN = 10000
EE = 320000
HH = 128
NC = 2
NS = 16
NW = NC * NS
NPAD = 10240
EPW = 10240
CH = 80
NCHUNK = EPW // CH
RPS = NPAD // NS
BLK = 1000
GRID = NN // BLK

_mesh = plsc.VectorSubcoreMesh(core_axis_name="c", subcore_axis_name="s")



def _deg_body(dsts, zeros1, out, degsh, dstv, onesv):
    c = lax.axis_index("c")
    s = lax.axis_index("s")
    wid = c * NS + s
    for j in range(CH // 16):
        onesv[pl.ds(16 * j, 16)] = jnp.ones((16,), jnp.float32)
    pltpu.sync_copy(zeros1.at[pl.ds(s * RPS, RPS)], degsh.at[pl.ds(s * RPS, RPS)])
    pltpu.sync_copy(dsts.at[wid], dstv)
    plsc.subcore_barrier()

    def chunk(i, carry):
        pltpu.sync_copy(onesv, degsh.at[dstv.at[i]], add=True)
        return carry

    lax.fori_loop(0, NCHUNK, chunk, 0)
    plsc.subcore_barrier()
    pltpu.sync_copy(degsh.at[pl.ds(s * RPS, RPS)], out.at[c, pl.ds(s * RPS, RPS)])


def _deg_call(dst, zeros1):
    kfn = pl.kernel(
        _deg_body,
        out_type=jax.ShapeDtypeStruct((NC, NPAD), jnp.float32),
        mesh=_mesh,
        scratch_types=[
            pltpu.VMEM_SHARED((NPAD,), jnp.float32),
            pltpu.VMEM((NCHUNK, CH), jnp.int32),
            pltpu.VMEM((CH,), jnp.float32),
        ],
    )
    return kfn(dst, zeros1)


def _edge_body(table, packed, zeros2, out, accsh, pk, s0v, d0v, s1v, d1v,
               rows0, rows1, sem0, sem1):
    c = lax.axis_index("c")
    s = lax.axis_index("s")
    wid = c * NS + s
    pltpu.sync_copy(zeros2.at[pl.ds(s * RPS, RPS)], accsh.at[pl.ds(s * RPS, RPS)])
    pltpu.sync_copy(packed.at[wid], pk)
    plsc.subcore_barrier()

    def unpack(i, sv, dv):
        for j in range(CH // 16):
            p = pk[i, pl.ds(16 * j, 16)]
            sv[pl.ds(16 * j, 16)] = lax.shift_right_logical(p, 14)
            dv[pl.ds(16 * j, 16)] = lax.bitwise_and(p, 16383)

    unpack(0, s0v, d0v)
    pltpu.async_copy(table.at[s0v], rows0, sem0)
    unpack(1, s1v, d1v)
    pltpu.async_copy(table.at[s1v], rows1, sem1)

    def body(k, carry):
        i0 = 2 * k
        pltpu.make_async_copy(table.at[s0v], rows0, sem0).wait()
        pltpu.sync_copy(rows0, accsh.at[d0v], add=True)
        unpack(lax.rem(i0 + 2, NCHUNK), s0v, d0v)
        pltpu.async_copy(table.at[s0v], rows0, sem0)
        pltpu.make_async_copy(table.at[s1v], rows1, sem1).wait()
        pltpu.sync_copy(rows1, accsh.at[d1v], add=True)
        unpack(lax.rem(i0 + 3, NCHUNK), s1v, d1v)
        pltpu.async_copy(table.at[s1v], rows1, sem1)
        return carry

    lax.fori_loop(0, NCHUNK // 2, body, 0)
    pltpu.make_async_copy(table.at[s0v], rows0, sem0).wait()
    pltpu.make_async_copy(table.at[s1v], rows1, sem1).wait()
    plsc.subcore_barrier()
    pltpu.sync_copy(accsh.at[pl.ds(s * RPS, RPS)], out.at[c, pl.ds(s * RPS, RPS)])


def _edge_call(table, packed, zeros2):
    kfn = pl.kernel(
        _edge_body,
        out_type=jax.ShapeDtypeStruct((NC, NPAD, HH), jnp.float32),
        mesh=_mesh,
        scratch_types=[
            pltpu.VMEM_SHARED((NPAD, HH), jnp.float32),
            pltpu.VMEM((NCHUNK, CH), jnp.int32),
            pltpu.VMEM((CH,), jnp.int32),
            pltpu.VMEM((CH,), jnp.int32),
            pltpu.VMEM((CH,), jnp.int32),
            pltpu.VMEM((CH,), jnp.int32),
            pltpu.VMEM((CH, HH), jnp.float32),
            pltpu.VMEM((CH, HH), jnp.float32),
            pltpu.SemaphoreType.DMA,
            pltpu.SemaphoreType.DMA,
        ],
    )
    return kfn(table, packed, zeros2)



def _a0_body(xr, wr, degr, out):
    dinv = lax.rsqrt(degr[0] + degr[1] + 1.0)
    out[...] = jnp.dot(xr[...], wr[...],
                       preferred_element_type=jnp.float32) * dinv


def _a_body(yr, sr, qr, gr, br, wr, degr, out):
    dinv = lax.rsqrt(degr[0] + degr[1] + 1.0)
    mu = sr[...] * (1.0 / NN)
    var = qr[...] * (1.0 / NN) - mu * mu
    a = gr[...] * (yr[...] - mu) * lax.rsqrt(var + 1e-5) + br[...]
    a = jnp.maximum(a, 0.0)
    out[...] = jnp.dot(a, wr[...], preferred_element_type=jnp.float32) * dinv


def _b_body(pr, hr, br, degr, y_out, s_out, q_out, *, stats):
    dinv = lax.rsqrt(degr[0] + degr[1] + 1.0)
    y = (pr[0] + pr[1] + hr[...]) * dinv + br[...]
    y_out[...] = y
    if stats:
        i = pl.program_id(0)

        @pl.when(i == 0)
        def _():
            s_out[...] = jnp.zeros_like(s_out)
            q_out[...] = jnp.zeros_like(q_out)

        s_out[...] += jnp.sum(y, axis=0, keepdims=True)
        q_out[...] += jnp.sum(y * y, axis=0, keepdims=True)


def _a0_call(xt, W, degp):
    return pl.pallas_call(
        _a0_body,
        grid=(GRID,),
        in_specs=[
            pl.BlockSpec((BLK, HH), lambda i: (i, 0)),
            pl.BlockSpec((HH, HH), lambda i: (0, 0)),
            pl.BlockSpec((NC, BLK, 1), lambda i: (0, i, 0)),
        ],
        out_specs=pl.BlockSpec((BLK, HH), lambda i: (i, 0)),
        out_shape=jax.ShapeDtypeStruct((NN, HH), jnp.float32),
    )(xt, W, degp)


def _a_call(y, s, q, g, be, W, degp):
    return pl.pallas_call(
        _a_body,
        grid=(GRID,),
        in_specs=[
            pl.BlockSpec((BLK, HH), lambda i: (i, 0)),
            pl.BlockSpec((1, HH), lambda i: (0, 0)),
            pl.BlockSpec((1, HH), lambda i: (0, 0)),
            pl.BlockSpec((1, HH), lambda i: (0, 0)),
            pl.BlockSpec((1, HH), lambda i: (0, 0)),
            pl.BlockSpec((HH, HH), lambda i: (0, 0)),
            pl.BlockSpec((NC, BLK, 1), lambda i: (0, i, 0)),
        ],
        out_specs=pl.BlockSpec((BLK, HH), lambda i: (i, 0)),
        out_shape=jax.ShapeDtypeStruct((NN, HH), jnp.float32),
    )(y, s, q, g, be, W, degp)


def _b_call(parts, h, b, degp, stats):
    outs = pl.pallas_call(
        functools.partial(_b_body, stats=stats),
        grid=(GRID,),
        in_specs=[
            pl.BlockSpec((NC, BLK, HH), lambda i: (0, i, 0)),
            pl.BlockSpec((BLK, HH), lambda i: (i, 0)),
            pl.BlockSpec((1, HH), lambda i: (0, 0)),
            pl.BlockSpec((NC, BLK, 1), lambda i: (0, i, 0)),
        ],
        out_specs=[
            pl.BlockSpec((BLK, HH), lambda i: (i, 0)),
            pl.BlockSpec((1, HH), lambda i: (0, 0)),
            pl.BlockSpec((1, HH), lambda i: (0, 0)),
        ],
        out_shape=[
            jax.ShapeDtypeStruct((NN, HH), jnp.float32),
            jax.ShapeDtypeStruct((1, HH), jnp.float32),
            jax.ShapeDtypeStruct((1, HH), jnp.float32),
        ],
    )(parts, h, b, degp)
    return outs



def kernel(x, edge_index, W0, b0, W1, b1, W2, b2, g0, be0, g1, be1):
    n = x.shape[1]
    xt = jnp.transpose(x, (1, 0, 2)).reshape(n, -1)
    padn = EPW - EE // NW
    src = edge_index[0].reshape(NW, EE // NW)
    dst = edge_index[1].reshape(NW, EE // NW)
    src = jnp.concatenate(
        [src, jnp.zeros((NW, padn), jnp.int32)], axis=1)
    dst = jnp.concatenate(
        [dst, jnp.full((NW, padn), NPAD - 1, jnp.int32)], axis=1)
    packed = ((src << 14) | dst).reshape(NW, NCHUNK, CH)
    dst = dst.reshape(NW, NCHUNK, CH)
    zeros1 = jnp.zeros((NPAD,), jnp.float32)
    zeros2 = jnp.zeros((NPAD, HH), jnp.float32)

    degp = _deg_call(dst, zeros1)
    degp = degp[:, :, None]

    b0r = b0.reshape(1, HH)
    b1r = b1.reshape(1, HH)
    b2r = b2.reshape(1, HH)

    h0 = _a0_call(xt, W0, degp)
    p0 = _edge_call(h0, packed, zeros2)
    y0, s0, q0 = _b_call(p0, h0, b0r, degp, stats=True)

    h1 = _a_call(y0, s0, q0, g0.reshape(1, HH), be0.reshape(1, HH), W1, degp)
    p1 = _edge_call(h1, packed, zeros2)
    y1, s1, q1 = _b_call(p1, h1, b1r, degp, stats=True)

    h2 = _a_call(y1, s1, q1, g1.reshape(1, HH), be1.reshape(1, HH), W2, degp)
    p2 = _edge_call(h2, packed, zeros2)
    y2, _, _ = _b_call(p2, h2, b2r, degp, stats=False)

    return jnp.transpose(y2, (1, 0))[:, :, None]

# --- scband reference (transcript-rebuilt; emitter-appended) ---
"""Pipeline reference for scband-backbone-gnn-26731876451060 (READ-ONLY COPY).

The authoritative reference and input builder live on the scoring server;
editing this copy changes nothing except your own understanding.
"""

import jax, jax.numpy as jnp
import numpy as np

N = 10000
E = 320000
LOOKBACK = 128
HORIZON = 128
FEATURE_DIM = 1
IN_DIM = LOOKBACK * FEATURE_DIM


def setup_inputs(seed: int = 0) -> dict:
    key = jax.random.key(seed)
    ks = jax.random.split(key, 12)
    x = jax.random.normal(ks[0], (LOOKBACK, N, FEATURE_DIM), dtype=jnp.float32)
    edge_index = jax.random.randint(ks[1], (2, E), 0, N, dtype=jnp.int32)
    s_in = 1.0 / np.sqrt(IN_DIM)
    s_h = 1.0 / np.sqrt(HORIZON)
    W0 = jax.random.normal(ks[2], (IN_DIM, HORIZON), dtype=jnp.float32) * s_in
    b0 = jnp.zeros((HORIZON,), dtype=jnp.float32)
    W1 = jax.random.normal(ks[3], (HORIZON, HORIZON), dtype=jnp.float32) * s_h
    b1 = jnp.zeros((HORIZON,), dtype=jnp.float32)
    W2 = jax.random.normal(ks[4], (HORIZON, HORIZON), dtype=jnp.float32) * s_h
    b2 = jnp.zeros((HORIZON,), dtype=jnp.float32)
    g0 = jnp.ones((HORIZON,), dtype=jnp.float32)
    be0 = jnp.zeros((HORIZON,), dtype=jnp.float32)
    g1 = jnp.ones((HORIZON,), dtype=jnp.float32)
    be1 = jnp.zeros((HORIZON,), dtype=jnp.float32)
    return {"x": x, "edge_index": edge_index, "W0": W0, "b0": b0, "W1": W1, "b1": b1,
            "W2": W2, "b2": b2, "g0": g0, "be0": be0, "g1": g1, "be1": be1}


def _gcn_layer(h, W, b, src, dst, norm, n):
    h = h @ W
    msg = h[src] * norm[:, None]
    out = jnp.zeros((n, h.shape[1]), dtype=h.dtype).at[dst].add(msg)
    return out + b


def _batch_norm(h, gamma, beta, eps=1e-5):
    mu = jnp.mean(h, axis=0)
    var = jnp.mean((h - mu) ** 2, axis=0)
    return gamma * (h - mu) / jnp.sqrt(var + eps) + beta


def reference(x, edge_index, W0, b0, W1, b1, W2, b2, g0, be0, g1, be1):
    n = x.shape[1]
    # [lookback, N, F] -> [N, lookback*F]
    h = jnp.transpose(x, (1, 0, 2)).reshape(n, -1)
    # GCN normalization with self-loops (PyG GCNConv default)
    loops = jnp.arange(n, dtype=edge_index.dtype)
    src = jnp.concatenate([edge_index[0], loops])
    dst = jnp.concatenate([edge_index[1], loops])
    deg = jnp.zeros((n,), dtype=jnp.float32).at[dst].add(1.0)
    dinv = jnp.where(deg > 0, 1.0 / jnp.sqrt(deg), 0.0)
    norm = dinv[src] * dinv[dst]
    h = _gcn_layer(h, W0, b0, src, dst, norm, n)
    h = _batch_norm(h, g0, be0)
    h = jax.nn.relu(h)
    h = _gcn_layer(h, W1, b1, src, dst, norm, n)
    h = _batch_norm(h, g1, be1)
    h = jax.nn.relu(h)
    h = _gcn_layer(h, W2, b2, src, dst, norm, n)
    out = h[:, :, None]
    out = jnp.transpose(out, (1, 0, 2))  # [horizon, N, 1]
    return out

if __name__ == "__main__":
    import jax
    _d = setup_inputs()
    print(jax.jit(kernel)(*tuple(_d.values())))

</pallas_src>

<mosaic_0001>
#map = affine_map<(d0, d1) -> (0, 0, 0)>
#map1 = affine_map<(d0, d1) -> (0)>
#map2 = affine_map<(d0, d1) -> (0, 0)>
module attributes {stable_mosaic.version = 14 : i64} {
  func.func @_deg_body(%arg0: i32, %arg1: i32, %arg2: memref<32x128x80xi32, #tpu.memory_space<hbm>>, %arg3: memref<10240xf32, #tpu.memory_space<hbm>>, %arg4: memref<2x10240xf32, #tpu.memory_space<hbm>>, %arg5: memref<10240xf32, #tpu.memory_space<vmem_shared>>, %arg6: memref<128x80xi32, #tpu.memory_space<vmem>>, %arg7: memref<80xf32, #tpu.memory_space<vmem>>) attributes {dimension_semantics = [#tpu.dimension_semantics<core_parallel>, #tpu.dimension_semantics<subcore_parallel>], iteration_bounds = array<i64: 2, 16>, scalar_prefetch = 0 : i64, scratch_operands = 3 : i64, tpu.core_type = #tpu.core_type<sc_vector_subcore>, window_params = [{transform_indices = #map}, {transform_indices = #map1}, {transform_indices = #map2}]} {
    %mul3A = arith.constant 16 : i32
    %mul3A_0 = arith.muli %arg0, %mul3A : i32
    %add3A = arith.addi %mul3A_0, %arg1 : i32
    %broadcast_in_dim3A = arith.constant 1.000000e+00 : f32
    %broadcast_in_dim3A_1 = vector.broadcast %broadcast_in_dim3A : f32 to vector<16xf32>
    %swap3A = arith.constant 0 : index
    %swap3A_2 = tpu.vector_load %arg7[%swap3A] {strides = array<i32>} : memref<80xf32, #tpu.memory_space<vmem>>, vector<16xf32>,
    %swap3A_3 = vector.shape_cast %swap3A_2 : vector<16xf32> to vector<16xf32>
    %swap3A_4 = vector.shape_cast %broadcast_in_dim3A_1 : vector<16xf32> to vector<16xf32>
    tpu.vector_store %arg7[%swap3A], %swap3A_4 {strides = array<i32>} : memref<80xf32, #tpu.memory_space<vmem>>, vector<16xf32>,
    %broadcast_in_dim3A_5 = arith.constant 1.000000e+00 : f32
    %broadcast_in_dim3A_6 = vector.broadcast %broadcast_in_dim3A_5 : f32 to vector<16xf32>
    %swap3A_7 = arith.constant 16 : index
    %swap3A_8 = tpu.vector_load %arg7[%swap3A_7] {strides = array<i32>} : memref<80xf32, #tpu.memory_space<vmem>>, vector<16xf32>,
    %swap3A_9 = vector.shape_cast %swap3A_8 : vector<16xf32> to vector<16xf32>
    %swap3A_10 = vector.shape_cast %broadcast_in_dim3A_6 : vector<16xf32> to vector<16xf32>
    tpu.vector_store %arg7[%swap3A_7], %swap3A_10 {strides = array<i32>} : memref<80xf32, #tpu.memory_space<vmem>>, vector<16xf32>,
    %broadcast_in_dim3A_11 = arith.constant 1.000000e+00 : f32
    %broadcast_in_dim3A_12 = vector.broadcast %broadcast_in_dim3A_11 : f32 to vector<16xf32>
    %swap3A_13 = arith.constant 32 : index
    %swap3A_14 = tpu.vector_load %arg7[%swap3A_13] {strides = array<i32>} : memref<80xf32, #tpu.memory_space<vmem>>, vector<16xf32>,
    %swap3A_15 = vector.shape_cast %swap3A_14 : vector<16xf32> to vector<16xf32>
    %swap3A_16 = vector.shape_cast %broadcast_in_dim3A_12 : vector<16xf32> to vector<16xf32>
    tpu.vector_store %arg7[%swap3A_13], %swap3A_16 {strides = array<i32>} : memref<80xf32, #tpu.memory_space<vmem>>, vector<16xf32>,
    %broadcast_in_dim3A_17 = arith.constant 1.000000e+00 : f32
    %broadcast_in_dim3A_18 = vector.broadcast %broadcast_in_dim3A_17 : f32 to vector<16xf32>
    %swap3A_19 = arith.constant 48 : index
    %swap3A_20 = tpu.vector_load %arg7[%swap3A_19] {strides = array<i32>} : memref<80xf32, #tpu.memory_space<vmem>>, vector<16xf32>,
    %swap3A_21 = vector.shape_cast %swap3A_20 : vector<16xf32> to vector<16xf32>
    %swap3A_22 = vector.shape_cast %broadcast_in_dim3A_18 : vector<16xf32> to vector<16xf32>
    tpu.vector_store %arg7[%swap3A_19], %swap3A_22 {strides = array<i32>} : memref<80xf32, #tpu.memory_space<vmem>>, vector<16xf32>,
    %broadcast_in_dim3A_23 = arith.constant 1.000000e+00 : f32
    %broadcast_in_dim3A_24 = vector.broadcast %broadcast_in_dim3A_23 : f32 to vector<16xf32>
    %swap3A_25 = arith.constant 64 : index
    %swap3A_26 = tpu.vector_load %arg7[%swap3A_25] {strides = array<i32>} : memref<80xf32, #tpu.memory_space<vmem>>, vector<16xf32>,
    %swap3A_27 = vector.shape_cast %swap3A_26 : vector<16xf32> to vector<16xf32>
    %swap3A_28 = vector.shape_cast %broadcast_in_dim3A_24 : vector<16xf32> to vector<16xf32>
    tpu.vector_store %arg7[%swap3A_25], %swap3A_28 {strides = array<i32>} : memref<80xf32, #tpu.memory_space<vmem>>, vector<16xf32>,
    %mul3A_29 = arith.constant 640 : i32
    %mul3A_30 = arith.muli %arg1, %mul3A_29 : i32
    %mul3A_31 = arith.constant 640 : i32
    %mul3A_32 = arith.muli %arg1, %mul3A_31 : i32
    "tpu.region"() ({
      %run_scoped3A = tpu.sem_alloc : memref<!tpu.dma_semaphore, #tpu.memory_space<semaphore_mem>>
      %dma_start3A = tpu.memref_slice %arg5[%mul3A_32] : memref<10240xf32, #tpu.memory_space<vmem_shared>> -> memref<640xf32, #tpu.memory_space<vmem_shared>>
      %dma_start3A_43 = tpu.memref_slice %arg3[%mul3A_30] : memref<10240xf32, #tpu.memory_space<hbm>> -> memref<640xf32, #tpu.memory_space<hbm>>
      tpu.enqueue_dma source(%dma_start3A_43 : memref<640xf32, #tpu.memory_space<hbm>>) target(%dma_start3A : memref<640xf32, #tpu.memory_space<vmem_shared>>) target_semaphore(%run_scoped3A : memref<!tpu.dma_semaphore, #tpu.memory_space<semaphore_mem>>)
      %dma_wait3A = tpu.memref_slice %arg5[%mul3A_32] : memref<10240xf32, #tpu.memory_space<vmem_shared>> -> memref<640xf32, #tpu.memory_space<vmem_shared>>
      %dma_wait3A_44 = tpu.memref_slice %arg3[%mul3A_30] : memref<10240xf32, #tpu.memory_space<hbm>> -> memref<640xf32, #tpu.memory_space<hbm>>
      tpu.wait_dma2 semaphore(%run_scoped3A : memref<!tpu.dma_semaphore, #tpu.memory_space<semaphore_mem>>) src(%dma_wait3A_44 : memref<640xf32, #tpu.memory_space<hbm>>) dst(%dma_wait3A : memref<640xf32, #tpu.memory_space<vmem_shared>>)
      tpu.yield
    }) : () -> ()
    "tpu.region"() ({
      %run_scoped3A = tpu.sem_alloc : memref<!tpu.dma_semaphore, #tpu.memory_space<semaphore_mem>>
      %dma_start3A = arith.constant 0 : i32
      %dma_start3A_43 = arith.constant 0 : i32
      %dma_start3A_44 = tpu.memref_slice %arg2[%add3A, %dma_start3A, %dma_start3A_43] : memref<32x128x80xi32, #tpu.memory_space<hbm>> -> memref<1x128x80xi32, #tpu.memory_space<hbm>>
      %dma_start3A_45 = tpu.memref_squeeze %dma_start3A_44 : memref<1x128x80xi32, #tpu.memory_space<hbm>> -> memref<128x80xi32, #tpu.memory_space<hbm>>
      %dma_start3A_46 = arith.constant 0 : i32
      %dma_start3A_47 = arith.constant 0 : i32
      %dma_start3A_48 = tpu.memref_slice %arg2[%add3A, %dma_start3A_46, %dma_start3A_47] : memref<32x128x80xi32, #tpu.memory_space<hbm>> -> memref<1x128x80xi32, #tpu.memory_space<hbm>>
      %dma_start3A_49 = tpu.memref_squeeze %dma_start3A_48 : memref<1x128x80xi32, #tpu.memory_space<hbm>> -> memref<128x80xi32, #tpu.memory_space<hbm>>
      tpu.enqueue_dma source(%dma_start3A_49 : memref<128x80xi32, #tpu.memory_space<hbm>>) target(%arg6 : memref<128x80xi32, #tpu.memory_space<vmem>>) target_semaphore(%run_scoped3A : memref<!tpu.dma_semaphore, #tpu.memory_space<semaphore_mem>>)
      %dma_wait3A = arith.constant 0 : i32
      %dma_wait3A_50 = arith.constant 0 : i32
      %dma_wait3A_51 = tpu.memref_slice %arg2[%add3A, %dma_wait3A, %dma_wait3A_50] : memref<32x128x80xi32, #tpu.memory_space<hbm>> -> memref<1x128x80xi32, #tpu.memory_space<hbm>>
      %dma_wait3A_52 = tpu.memref_squeeze %dma_wait3A_51 : memref<1x128x80xi32, #tpu.memory_space<hbm>> -> memref<128x80xi32, #tpu.memory_space<hbm>>
      %dma_wait3A_53 = arith.constant 0 : i32
      %dma_wait3A_54 = arith.constant 0 : i32
      %dma_wait3A_55 = tpu.memref_slice %arg2[%add3A, %dma_wait3A_53, %dma_wait3A_54] : memref<32x128x80xi32, #tpu.memory_space<hbm>> -> memref<1x128x80xi32, #tpu.memory_space<hbm>>
      %dma_wait3A_56 = tpu.memref_squeeze %dma_wait3A_55 : memref<1x128x80xi32, #tpu.memory_space<hbm>> -> memref<128x80xi32, #tpu.memory_space<hbm>>
      tpu.wait_dma2 semaphore(%run_scoped3A : memref<!tpu.dma_semaphore, #tpu.memory_space<semaphore_mem>>) src(%dma_wait3A_56 : memref<128x80xi32, #tpu.memory_space<hbm>>) dst(%arg6 : memref<128x80xi32, #tpu.memory_space<vmem>>)
      tpu.yield
    }) : () -> ()
    %barrier3A = arith.constant 0 : index
    tpu.barrier barrier_id(%barrier3A)
    %scan3A = arith.constant 0 : i32
    %scan3A_33 = arith.constant 0 : i32
    %scan3A_34 = arith.constant 128 : i32
    %scan3A_35 = arith.addi %scan3A_33, %scan3A_34 : i32
    %scan3A_36 = arith.constant 1 : i32
    scf.for %scan3A_43 = %scan3A_33 to %scan3A_35 step %scan3A_36  : i32 {
      "tpu.region"() ({
        %run_scoped3A = tpu.sem_alloc : memref<!tpu.dma_semaphore, #tpu.memory_space<semaphore_mem>>
        %dma_start3A = arith.constant 0 : i32
        %dma_start3A_44 = tpu.memref_slice %arg6[%scan3A_43, %dma_start3A] : memref<128x80xi32, #tpu.memory_space<vmem>> -> memref<1x80xi32, #tpu.memory_space<vmem>>
        %dma_start3A_45 = tpu.memref_squeeze %dma_start3A_44 : memref<1x80xi32, #tpu.memory_space<vmem>> -> memref<80xi32, #tpu.memory_space<vmem>>
        %dma_start3A_46 = arith.constant 0 : i32
        %dma_start3A_47 = tpu.memref_slice %arg5[%dma_start3A_46] : memref<10240xf32, #tpu.memory_space<vmem_shared>> -> memref<10240xf32, #tpu.memory_space<vmem_shared>>
        tpu.enqueue_indirect_dma source(%arg7 : memref<80xf32, #tpu.memory_space<vmem>>) target(%dma_start3A_47 : memref<10240xf32, #tpu.memory_space<vmem_shared>>) offsets(%dma_start3A_45 : memref<80xi32, #tpu.memory_space<vmem>>) semaphore(%run_scoped3A : memref<!tpu.dma_semaphore, #tpu.memory_space<semaphore_mem>>) {add = true}
        %dma_wait3A = arith.constant 0 : i32
        %dma_wait3A_48 = tpu.memref_slice %arg6[%scan3A_43, %dma_wait3A] : memref<128x80xi32, #tpu.memory_space<vmem>> -> memref<1x80xi32, #tpu.memory_space<vmem>>
        %dma_wait3A_49 = tpu.memref_squeeze %dma_wait3A_48 : memref<1x80xi32, #tpu.memory_space<vmem>> -> memref<80xi32, #tpu.memory_space<vmem>>
        %dma_wait3A_50 = arith.constant 0 : i32
        %dma_wait3A_51 = tpu.memref_slice %arg5[%dma_wait3A_50] : memref<10240xf32, #tpu.memory_space<vmem_shared>> -> memref<10240xf32, #tpu.memory_space<vmem_shared>>
        tpu.wait_indirect_dma semaphore(%run_scoped3A : memref<!tpu.dma_semaphore, #tpu.memory_space<semaphore_mem>>) src(%arg7 : memref<80xf32, #tpu.memory_space<vmem>>) dst(%dma_wait3A_51 : memref<10240xf32, #tpu.memory_space<vmem_shared>>)
        tpu.yield
      }) : () -> ()
    }
    %scan3A_37 = arith.constant 128 : i32
    %barrier3A_38 = arith.constant 0 : index
    tpu.barrier barrier_id(%barrier3A_38)
    %mul3A_39 = arith.constant 640 : i32
    %mul3A_40 = arith.muli %arg1, %mul3A_39 : i32
    %mul3A_41 = arith.constant 640 : i32
    %mul3A_42 = arith.muli %arg1, %mul3A_41 : i32
    "tpu.region"() ({
      %run_scoped3A = tpu.sem_alloc : memref<!tpu.dma_semaphore, #tpu.memory_space<semaphore_mem>>
      %dma_start3A = tpu.memref_slice %arg4[%arg0, %mul3A_42] : memref<2x10240xf32, #tpu.memory_space<hbm>> -> memref<1x640xf32, #tpu.memory_space<hbm>>
      %dma_start3A_43 = tpu.memref_squeeze %dma_start3A : memref<1x640xf32, #tpu.memory_space<hbm>> -> memref<640xf32, #tpu.memory_space<hbm>>
      %dma_start3A_44 = tpu.memref_slice %arg5[%mul3A_40] : memref<10240xf32, #tpu.memory_space<vmem_shared>> -> memref<640xf32, #tpu.memory_space<vmem_shared>>
      tpu.enqueue_dma source(%dma_start3A_44 : memref<640xf32, #tpu.memory_space<vmem_shared>>) target(%dma_start3A_43 : memref<640xf32, #tpu.memory_space<hbm>>) target_semaphore(%run_scoped3A : memref<!tpu.dma_semaphore, #tpu.memory_space<semaphore_mem>>)
      %dma_wait3A = tpu.memref_slice %arg4[%arg0, %mul3A_42] : memref<2x10240xf32, #tpu.memory_space<hbm>> -> memref<1x640xf32, #tpu.memory_space<hbm>>
      %dma_wait3A_45 = tpu.memref_squeeze %dma_wait3A : memref<1x640xf32, #tpu.memory_space<hbm>> -> memref<640xf32, #tpu.memory_space<hbm>>
      %dma_wait3A_46 = tpu.memref_slice %arg5[%mul3A_40] : memref<10240xf32, #tpu.memory_space<vmem_shared>> -> memref<640xf32, #tpu.memory_space<vmem_shared>>
      tpu.wait_dma2 semaphore(%run_scoped3A : memref<!tpu.dma_semaphore, #tpu.memory_space<semaphore_mem>>) src(%dma_wait3A_46 : memref<640xf32, #tpu.memory_space<vmem_shared>>) dst(%dma_wait3A_45 : memref<640xf32, #tpu.memory_space<hbm>>)
      tpu.yield
    }) : () -> ()
    return
  }
}

#map = affine_map<(d0, d1) -> (0, 0)>
#map1 = affine_map<(d0, d1) -> (0, 0, 0)>
module attributes {stable_mosaic.version = 14 : i64} {
  func.func @_edge_body(%arg0: i32, %arg1: i32, %arg2: memref<10000x128xf32, #tpu.memory_space<hbm>>, %arg3: memref<32x128x80xi32, #tpu.memory_space<hbm>>, %arg4: memref<10240x128xf32, #tpu.memory_space<hbm>>, %arg5: memref<2x10240x128xf32, #tpu.memory_space<hbm>>, %arg6: memref<10240x128xf32, #tpu.memory_space<vmem_shared>>, %arg7: memref<128x80xi32, #tpu.memory_space<vmem>>, %arg8: memref<80xi32, #tpu.memory_space<vmem>>, %arg9: memref<80xi32, #tpu.memory_space<vmem>>, %arg10: memref<80xi32, #tpu.memory_space<vmem>>, %arg11: memref<80xi32, #tpu.memory_space<vmem>>, %arg12: memref<80x128xf32, #tpu.memory_space<vmem>>, %arg13: memref<80x128xf32, #tpu.memory_space<vmem>>, %arg14: memref<!tpu.dma_semaphore, #tpu.memory_space<semaphore_mem>>, %arg15: memref<!tpu.dma_semaphore, #tpu.memory_space<semaphore_mem>>) attributes {dimension_semantics = [#tpu.dimension_semantics<core_parallel>, #tpu.dimension_semantics<subcore_parallel>], iteration_bounds = array<i64: 2, 16>, scalar_prefetch = 0 : i64, scratch_operands = 10 : i64, tpu.core_type = #tpu.core_type<sc_vector_subcore>, window_params = [{transform_indices = #map}, {transform_indices = #map1}, {transform_indices = #map}, {transform_indices = #map1}]} {
    %mul3A = arith.constant 16 : i32
    %mul3A_0 = arith.muli %arg0, %mul3A : i32
    %add3A = arith.addi %mul3A_0, %arg1 : i32
    %mul3A_1 = arith.constant 640 : i32
    %mul3A_2 = arith.muli %arg1, %mul3A_1 : i32
    %mul3A_3 = arith.constant 640 : i32
    %mul3A_4 = arith.muli %arg1, %mul3A_3 : i32
    "tpu.region"() ({
      %run_scoped3A = tpu.sem_alloc : memref<!tpu.dma_semaphore, #tpu.memory_space<semaphore_mem>>
      %dma_start3A_211 = arith.constant 0 : i32
      %dma_start3A_212 = tpu.memref_slice %arg6[%mul3A_4, %dma_start3A_211] : memref<10240x128xf32, #tpu.memory_space<vmem_shared>> -> memref<640x128xf32, #tpu.memory_space<vmem_shared>>
      %dma_start3A_213 = arith.constant 0 : i32
      %dma_start3A_214 = tpu.memref_slice %arg4[%mul3A_2, %dma_start3A_213] : memref<10240x128xf32, #tpu.memory_space<hbm>> -> memref<640x128xf32, #tpu.memory_space<hbm>>
      tpu.enqueue_dma source(%dma_start3A_214 : memref<640x128xf32, #tpu.memory_space<hbm>>) target(%dma_start3A_212 : memref<640x128xf32, #tpu.memory_space<vmem_shared>>) target_semaphore(%run_scoped3A : memref<!tpu.dma_semaphore, #tpu.memory_space<semaphore_mem>>)
      %dma_wait3A_215 = arith.constant 0 : i32
      %dma_wait3A_216 = tpu.memref_slice %arg6[%mul3A_4, %dma_wait3A_215] : memref<10240x128xf32, #tpu.memory_space<vmem_shared>> -> memref<640x128xf32, #tpu.memory_space<vmem_shared>>
      %dma_wait3A_217 = arith.constant 0 : i32
      %dma_wait3A_218 = tpu.memref_slice %arg4[%mul3A_2, %dma_wait3A_217] : memref<10240x128xf32, #tpu.memory_space<hbm>> -> memref<640x128xf32, #tpu.memory_space<hbm>>
      tpu.wait_dma2 semaphore(%run_scoped3A : memref<!tpu.dma_semaphore, #tpu.memory_space<semaphore_mem>>) src(%dma_wait3A_218 : memref<640x128xf32, #tpu.memory_space<hbm>>) dst(%dma_wait3A_216 : memref<640x128xf32, #tpu.memory_space<vmem_shared>>)
      tpu.yield
    }) : () -> ()
    "tpu.region"() ({
      %run_scoped3A = tpu.sem_alloc : memref<!tpu.dma_semaphore, #tpu.memory_space<semaphore_mem>>
      %dma_start3A_211 = arith.constant 0 : i32
      %dma_start3A_212 = arith.constant 0 : i32
      %dma_start3A_213 = tpu.memref_slice %arg3[%add3A, %dma_start3A_211, %dma_start3A_212] : memref<32x128x80xi32, #tpu.memory_space<hbm>> -> memref<1x128x80xi32, #tpu.memory_space<hbm>>
      %dma_start3A_214 = tpu.memref_squeeze %dma_start3A_213 : memref<1x128x80xi32, #tpu.memory_space<hbm>> -> memref<128x80xi32, #tpu.memory_space<hbm>>
      %dma_start3A_215 = arith.constant 0 : i32
      %dma_start3A_216 = arith.constant 0 : i32
      %dma_start3A_217 = tpu.memref_slice %arg3[%add3A, %dma_start3A_215, %dma_start3A_216] : memref<32x128x80xi32, #tpu.memory_space<hbm>> -> memref<1x128x80xi32, #tpu.memory_space<hbm>>
      %dma_start3A_218 = tpu.memref_squeeze %dma_start3A_217 : memref<1x128x80xi32, #tpu.memory_space<hbm>> -> memref<128x80xi32, #tpu.memory_space<hbm>>
      tpu.enqueue_dma source(%dma_start3A_218 : memref<128x80xi32, #tpu.memory_space<hbm>>) target(%arg7 : memref<128x80xi32, #tpu.memory_space<vmem>>) target_semaphore(%run_scoped3A : memref<!tpu.dma_semaphore, #tpu.memory_space<semaphore_mem>>)
      %dma_wait3A_219 = arith.constant 0 : i32
      %dma_wait3A_220 = arith.constant 0 : i32
      %dma_wait3A_221 = tpu.memref_slice %arg3[%add3A, %dma_wait3A_219, %dma_wait3A_220] : memref<32x128x80xi32, #tpu.memory_space<hbm>> -> memref<1x128x80xi32, #tpu.memory_space<hbm>>
      %dma_wait3A_222 = tpu.memref_squeeze %dma_wait3A_221 : memref<1x128x80xi32, #tpu.memory_space<hbm>> -> memref<128x80xi32, #tpu.memory_space<hbm>>
      %dma_wait3A_223 = arith.constant 0 : i32
      %dma_wait3A_224 = arith.constant 0 : i32
      %dma_wait3A_225 = tpu.memref_slice %arg3[%add3A, %dma_wait3A_223, %dma_wait3A_224] : memref<32x128x80xi32, #tpu.memory_space<hbm>> -> memref<1x128x80xi32, #tpu.memory_space<hbm>>
      %dma_wait3A_226 = tpu.memref_squeeze %dma_wait3A_225 : memref<1x128x80xi32, #tpu.memory_space<hbm>> -> memref<128x80xi32, #tpu.memory_space<hbm>>
      tpu.wait_dma2 semaphore(%run_scoped3A : memref<!tpu.dma_semaphore, #tpu.memory_space<semaphore_mem>>) src(%dma_wait3A_226 : memref<128x80xi32, #tpu.memory_space<hbm>>) dst(%arg7 : memref<128x80xi32, #tpu.memory_space<vmem>>)
      tpu.yield
    }) : () -> ()
    %barrier3A = arith.constant 0 : index
    tpu.barrier barrier_id(%barrier3A)
    %get3A = arith.constant 0 : i32
    %get3A_5 = arith.index_cast %get3A : i32 to index
    %get3A_6 = arith.constant 0 : index
    %get3A_7 = tpu.vector_load %arg7[%get3A_5, %get3A_6] {strides = array<i32>} : memref<128x80xi32, #tpu.memory_space<vmem>>, vector<1x16xi32>,
    %get3A_8 = vector.shape_cast %get3A_7 : vector<1x16xi32> to vector<16xi32>
    %shift_right_logical3A = arith.constant 14 : i32
    %shift_right_logical3A_9 = vector.broadcast %shift_right_logical3A : i32 to vector<16xi32>
    %shift_right_logical3A_10 = arith.shrui %get3A_8, %shift_right_logical3A_9 : vector<16xi32>
    %swap3A = arith.constant 0 : index
    %swap3A_11 = tpu.vector_load %arg8[%swap3A] {strides = array<i32>} : memref<80xi32, #tpu.memory_space<vmem>>, vector<16xi32>,
    %swap3A_12 = vector.shape_cast %swap3A_11 : vector<16xi32> to vector<16xi32>
    %swap3A_13 = vector.shape_cast %shift_right_logical3A_10 : vector<16xi32> to vector<16xi32>
    tpu.vector_store %arg8[%swap3A], %swap3A_13 {strides = array<i32>} : memref<80xi32, #tpu.memory_space<vmem>>, vector<16xi32>,
    %and3A = arith.constant 16383 : i32
    %and3A_14 = vector.broadcast %and3A : i32 to vector<16xi32>
    %and3A_15 = arith.andi %get3A_8, %and3A_14 : vector<16xi32>
    %swap3A_16 = arith.constant 0 : index
    %swap3A_17 = tpu.vector_load %arg9[%swap3A_16] {strides = array<i32>} : memref<80xi32, #tpu.memory_space<vmem>>, vector<16xi32>,
    %swap3A_18 = vector.shape_cast %swap3A_17 : vector<16xi32> to vector<16xi32>
    %swap3A_19 = vector.shape_cast %and3A_15 : vector<16xi32> to vector<16xi32>
    tpu.vector_store %arg9[%swap3A_16], %swap3A_19 {strides = array<i32>} : memref<80xi32, #tpu.memory_space<vmem>>, vector<16xi32>,
    %get3A_20 = arith.constant 0 : i32
    %get3A_21 = arith.index_cast %get3A_20 : i32 to index
    %get3A_22 = arith.constant 16 : index
    %get3A_23 = tpu.vector_load %arg7[%get3A_21, %get3A_22] {strides = array<i32>} : memref<128x80xi32, #tpu.memory_space<vmem>>, vector<1x16xi32>,
    %get3A_24 = vector.shape_cast %get3A_23 : vector<1x16xi32> to vector<16xi32>
    %shift_right_logical3A_25 = arith.constant 14 : i32
    %shift_right_logical3A_26 = vector.broadcast %shift_right_logical3A_25 : i32 to vector<16xi32>
    %shift_right_logical3A_27 = arith.shrui %get3A_24, %shift_right_logical3A_26 : vector<16xi32>
    %swap3A_28 = arith.constant 16 : index
    %swap3A_29 = tpu.vector_load %arg8[%swap3A_28] {strides = array<i32>} : memref<80xi32, #tpu.memory_space<vmem>>, vector<16xi32>,
    %swap3A_30 = vector.shape_cast %swap3A_29 : vector<16xi32> to vector<16xi32>
    %swap3A_31 = vector.shape_cast %shift_right_logical3A_27 : vector<16xi32> to vector<16xi32>
    tpu.vector_store %arg8[%swap3A_28], %swap3A_31 {strides = array<i32>} : memref<80xi32, #tpu.memory_space<vmem>>, vector<16xi32>,
    %and3A_32 = arith.constant 16383 : i32
    %and3A_33 = vector.broadcast %and3A_32 : i32 to vector<16xi32>
    %and3A_34 = arith.andi %get3A_24, %and3A_33 : vector<16xi32>
    %swap3A_35 = arith.constant 16 : index
    %swap3A_36 = tpu.vector_load %arg9[%swap3A_35] {strides = array<i32>} : memref<80xi32, #tpu.memory_space<vmem>>, vector<16xi32>,
    %swap3A_37 = vector.shape_cast %swap3A_36 : vector<16xi32> to vector<16xi32>
    %swap3A_38 = vector.shape_cast %and3A_34 : vector<16xi32> to vector<16xi32>
    tpu.vector_store %arg9[%swap3A_35], %swap3A_38 {strides = array<i32>} : memref<80xi32, #tpu.memory_space<vmem>>, vector<16xi32>,
    %get3A_39 = arith.constant 0 : i32
    %get3A_40 = arith.index_cast %get3A_39 : i32 to index
    %get3A_41 = arith.constant 32 : index
    %get3A_42 = tpu.vector_load %arg7[%get3A_40, %get3A_41] {strides = array<i32>} : memref<128x80xi32, #tpu.memory_space<vmem>>, vector<1x16xi32>,
    %get3A_43 = vector.shape_cast %get3A_42 : vector<1x16xi32> to vector<16xi32>
    %shift_right_logical3A_44 = arith.constant 14 : i32
    %shift_right_logical3A_45 = vector.broadcast %shift_right_logical3A_44 : i32 to vector<16xi32>
    %shift_right_logical3A_46 = arith.shrui %get3A_43, %shift_right_logical3A_45 : vector<16xi32>
    %swap3A_47 = arith.constant 32 : index
    %swap3A_48 = tpu.vector_load %arg8[%swap3A_47] {strides = array<i32>} : memref<80xi32, #tpu.memory_space<vmem>>, vector<16xi32>,
    %swap3A_49 = vector.shape_cast %swap3A_48 : vector<16xi32> to vector<16xi32>
    %swap3A_50 = vector.shape_cast %shift_right_logical3A_46 : vector<16xi32> to vector<16xi32>
    tpu.vector_store %arg8[%swap3A_47], %swap3A_50 {strides = array<i32>} : memref<80xi32, #tpu.memory_space<vmem>>, vector<16xi32>,
    %and3A_51 = arith.constant 16383 : i32
    %and3A_52 = vector.broadcast %and3A_51 : i32 to vector<16xi32>
    %and3A_53 = arith.andi %get3A_43, %and3A_52 : vector<16xi32>
    %swap3A_54 = arith.constant 32 : index
    %swap3A_55 = tpu.vector_load %arg9[%swap3A_54] {strides = array<i32>} : memref<80xi32, #tpu.memory_space<vmem>>, vector<16xi32>,
    %swap3A_56 = vector.shape_cast %swap3A_55 : vector<16xi32> to vector<16xi32>
    %swap3A_57 = vector.shape_cast %and3A_53 : vector<16xi32> to vector<16xi32>
    tpu.vector_store %arg9[%swap3A_54], %swap3A_57 {strides = array<i32>} : memref<80xi32, #tpu.memory_space<vmem>>, vector<16xi32>,
    %get3A_58 = arith.constant 0 : i32
    %get3A_59 = arith.index_cast %get3A_58 : i32 to index
    %get3A_60 = arith.constant 48 : index
    %get3A_61 = tpu.vector_load %arg7[%get3A_59, %get3A_60] {strides = array<i32>} : memref<128x80xi32, #tpu.memory_space<vmem>>, vector<1x16xi32>,
    %get3A_62 = vector.shape_cast %get3A_61 : vector<1x16xi32> to vector<16xi32>
    %shift_right_logical3A_63 = arith.constant 14 : i32
    %shift_right_logical3A_64 = vector.broadcast %shift_right_logical3A_63 : i32 to vector<16xi32>
    %shift_right_logical3A_65 = arith.shrui %get3A_62, %shift_right_logical3A_64 : vector<16xi32>
    %swap3A_66 = arith.constant 48 : index
    %swap3A_67 = tpu.vector_load %arg8[%swap3A_66] {strides = array<i32>} : memref<80xi32, #tpu.memory_space<vmem>>, vector<16xi32>,
    %swap3A_68 = vector.shape_cast %swap3A_67 : vector<16xi32> to vector<16xi32>
    %swap3A_69 = vector.shape_cast %shift_right_logical3A_65 : vector<16xi32> to vector<16xi32>
    tpu.vector_store %arg8[%swap3A_66], %swap3A_69 {strides = array<i32>} : memref<80xi32, #tpu.memory_space<vmem>>, vector<16xi32>,
    %and3A_70 = arith.constant 16383 : i32
    %and3A_71 = vector.broadcast %and3A_70 : i32 to vector<16xi32>
    %and3A_72 = arith.andi %get3A_62, %and3A_71 : vector<16xi32>
    %swap3A_73 = arith.constant 48 : index
    %swap3A_74 = tpu.vector_load %arg9[%swap3A_73] {strides = array<i32>} : memref<80xi32, #tpu.memory_space<vmem>>, vector<16xi32>,
    %swap3A_75 = vector.shape_cast %swap3A_74 : vector<16xi32> to vector<16xi32>
    %swap3A_76 = vector.shape_cast %and3A_72 : vector<16xi32> to vector<16xi32>
    tpu.vector_store %arg9[%swap3A_73], %swap3A_76 {strides = array<i32>} : memref<80xi32, #tpu.memory_space<vmem>>, vector<16xi32>,
    %get3A_77 = arith.constant 0 : i32
    %get3A_78 = arith.index_cast %get3A_77 : i32 to index
    %get3A_79 = arith.constant 64 : index
    %get3A_80 = tpu.vector_load %arg7[%get3A_78, %get3A_79] {strides = array<i32>} : memref<128x80xi32, #tpu.memory_space<vmem>>, vector<1x16xi32>,
    %get3A_81 = vector.shape_cast %get3A_80 : vector<1x16xi32> to vector<16xi32>
    %shift_right_logical3A_82 = arith.constant 14 : i32
    %shift_right_logical3A_83 = vector.broadcast %shift_right_logical3A_82 : i32 to vector<16xi32>
    %shift_right_logical3A_84 = arith.shrui %get3A_81, %shift_right_logical3A_83 : vector<16xi32>
    %swap3A_85 = arith.constant 64 : index
    %swap3A_86 = tpu.vector_load %arg8[%swap3A_85] {strides = array<i32>} : memref<80xi32, #tpu.memory_space<vmem>>, vector<16xi32>,
    %swap3A_87 = vector.shape_cast %swap3A_86 : vector<16xi32> to vector<16xi32>
    %swap3A_88 = vector.shape_cast %shift_right_logical3A_84 : vector<16xi32> to vector<16xi32>
    tpu.vector_store %arg8[%swap3A_85], %swap3A_88 {strides = array<i32>} : memref<80xi32, #tpu.memory_space<vmem>>, vector<16xi32>,
    %and3A_89 = arith.constant 16383 : i32
    %and3A_90 = vector.broadcast %and3A_89 : i32 to vector<16xi32>
    %and3A_91 = arith.andi %get3A_81, %and3A_90 : vector<16xi32>
    %swap3A_92 = arith.constant 64 : index
    %swap3A_93 = tpu.vector_load %arg9[%swap3A_92] {strides = array<i32>} : memref<80xi32, #tpu.memory_space<vmem>>, vector<16xi32>,
    %swap3A_94 = vector.shape_cast %swap3A_93 : vector<16xi32> to vector<16xi32>
    %swap3A_95 = vector.shape_cast %and3A_91 : vector<16xi32> to vector<16xi32>
    tpu.vector_store %arg9[%swap3A_92], %swap3A_95 {strides = array<i32>} : memref<80xi32, #tpu.memory_space<vmem>>, vector<16xi32>,
    %dma_start3A = arith.constant 0 : i32
    %dma_start3A_96 = arith.constant 0 : i32
    %dma_start3A_97 = tpu.memref_slice %arg2[%dma_start3A, %dma_start3A_96] : memref<10000x128xf32, #tpu.memory_space<hbm>> -> memref<10000x128xf32, #tpu.memory_space<hbm>>
    tpu.enqueue_indirect_dma source(%dma_start3A_97 : memref<10000x128xf32, #tpu.memory_space<hbm>>) target(%arg12 : memref<80x128xf32, #tpu.memory_space<vmem>>) offsets(%arg8 : memref<80xi32, #tpu.memory_space<vmem>>) semaphore(%arg14 : memref<!tpu.dma_semaphore, #tpu.memory_space<semaphore_mem>>)
    %get3A_98 = arith.constant 1 : i32
    %get3A_99 = arith.index_cast %get3A_98 : i32 to index
    %get3A_100 = arith.constant 0 : index
    %get3A_101 = tpu.vector_load %arg7[%get3A_99, %get3A_100] {strides = array<i32>} : memref<128x80xi32, #tpu.memory_space<vmem>>, vector<1x16xi32>,
    %get3A_102 = vector.shape_cast %get3A_101 : vector<1x16xi32> to vector<16xi32>
    %shift_right_logical3A_103 = arith.constant 14 : i32
    %shift_right_logical3A_104 = vector.broadcast %shift_right_logical3A_103 : i32 to vector<16xi32>
    %shift_right_logical3A_105 = arith.shrui %get3A_102, %shift_right_logical3A_104 : vector<16xi32>
    %swap3A_106 = arith.constant 0 : index
    %swap3A_107 = tpu.vector_load %arg10[%swap3A_106] {strides = array<i32>} : memref<80xi32, #tpu.memory_space<vmem>>, vector<16xi32>,
    %swap3A_108 = vector.shape_cast %swap3A_107 : vector<16xi32> to vector<16xi32>
    %swap3A_109 = vector.shape_cast %shift_right_logical3A_105 : vector<16xi32> to vector<16xi32>
    tpu.vector_store %arg10[%swap3A_106], %swap3A_109 {strides = array<i32>} : memref<80xi32, #tpu.memory_space<vmem>>, vector<16xi32>,
    %and3A_110 = arith.constant 16383 : i32
    %and3A_111 = vector.broadcast %and3A_110 : i32 to vector<16xi32>
    %and3A_112 = arith.andi %get3A_102, %and3A_111 : vector<16xi32>
    %swap3A_113 = arith.constant 0 : index
    %swap3A_114 = tpu.vector_load %arg11[%swap3A_113] {strides = array<i32>} : memref<80xi32, #tpu.memory_space<vmem>>, vector<16xi32>,
    %swap3A_115 = vector.shape_cast %swap3A_114 : vector<16xi32> to vector<16xi32>
    %swap3A_116 = vector.shape_cast %and3A_112 : vector<16xi32> to vector<16xi32>
    tpu.vector_store %arg11[%swap3A_113], %swap3A_116 {strides = array<i32>} : memref<80xi32, #tpu.memory_space<vmem>>, vector<16xi32>,
    %get3A_117 = arith.constant 1 : i32
    %get3A_118 = arith.index_cast %get3A_117 : i32 to index
    %get3A_119 = arith.constant 16 : index
    %get3A_120 = tpu.vector_load %arg7[%get3A_118, %get3A_119] {strides = array<i32>} : memref<128x80xi32, #tpu.memory_space<vmem>>, vector<1x16xi32>,
    %get3A_121 = vector.shape_cast %get3A_120 : vector<1x16xi32> to vector<16xi32>
    %shift_right_logical3A_122 = arith.constant 14 : i32
    %shift_right_logical3A_123 = vector.broadcast %shift_right_logical3A_122 : i32 to vector<16xi32>
    %shift_right_logical3A_124 = arith.shrui %get3A_121, %shift_right_logical3A_123 : vector<16xi32>
    %swap3A_125 = arith.constant 16 : index
    %swap3A_126 = tpu.vector_load %arg10[%swap3A_125] {strides = array<i32>} : memref<80xi32, #tpu.memory_space<vmem>>, vector<16xi32>,
    %swap3A_127 = vector.shape_cast %swap3A_126 : vector<16xi32> to vector<16xi32>
    %swap3A_128 = vector.shape_cast %shift_right_logical3A_124 : vector<16xi32> to vector<16xi32>
    tpu.vector_store %arg10[%swap3A_125], %swap3A_128 {strides = array<i32>} : memref<80xi32, #tpu.memory_space<vmem>>, vector<16xi32>,
    %and3A_129 = arith.constant 16383 : i32
    %and3A_130 = vector.broadcast %and3A_129 : i32 to vector<16xi32>
    %and3A_131 = arith.andi %get3A_121, %and3A_130 : vector<16xi32>
    %swap3A_132 = arith.constant 16 : index
    %swap3A_133 = tpu.vector_load %arg11[%swap3A_132] {strides = array<i32>} : memref<80xi32, #tpu.memory_space<vmem>>, vector<16xi32>,
    %swap3A_134 = vector.shape_cast %swap3A_133 : vector<16xi32> to vector<16xi32>
    %swap3A_135 = vector.shape_cast %and3A_131 : vector<16xi32> to vector<16xi32>
    tpu.vector_store %arg11[%swap3A_132], %swap3A_135 {strides = array<i32>} : memref<80xi32, #tpu.memory_space<vmem>>, vector<16xi32>,
    %get3A_136 = arith.constant 1 : i32
    %get3A_137 = arith.index_cast %get3A_136 : i32 to index
    %get3A_138 = arith.constant 32 : index
    %get3A_139 = tpu.vector_load %arg7[%get3A_137, %get3A_138] {strides = array<i32>} : memref<128x80xi32, #tpu.memory_space<vmem>>, vector<1x16xi32>,
    %get3A_140 = vector.shape_cast %get3A_139 : vector<1x16xi32> to vector<16xi32>
    %shift_right_logical3A_141 = arith.constant 14 : i32
    %shift_right_logical3A_142 = vector.broadcast %shift_right_logical3A_141 : i32 to vector<16xi32>
    %shift_right_logical3A_143 = arith.shrui %get3A_140, %shift_right_logical3A_142 : vector<16xi32>
    %swap3A_144 = arith.constant 32 : index
    %swap3A_145 = tpu.vector_load %arg10[%swap3A_144] {strides = array<i32>} : memref<80xi32, #tpu.memory_space<vmem>>, vector<16xi32>,
    %swap3A_146 = vector.shape_cast %swap3A_145 : vector<16xi32> to vector<16xi32>
    %swap3A_147 = vector.shape_cast %shift_right_logical3A_143 : vector<16xi32> to vector<16xi32>
    tpu.vector_store %arg10[%swap3A_144], %swap3A_147 {strides = array<i32>} : memref<80xi32, #tpu.memory_space<vmem>>, vector<16xi32>,
    %and3A_148 = arith.constant 16383 : i32
    %and3A_149 = vector.broadcast %and3A_148 : i32 to vector<16xi32>
    %and3A_150 = arith.andi %get3A_140, %and3A_149 : vector<16xi32>
    %swap3A_151 = arith.constant 32 : index
    %swap3A_152 = tpu.vector_load %arg11[%swap3A_151] {strides = array<i32>} : memref<80xi32, #tpu.memory_space<vmem>>, vector<16xi32>,
    %swap3A_153 = vector.shape_cast %swap3A_152 : vector<16xi32> to vector<16xi32>
    %swap3A_154 = vector.shape_cast %and3A_150 : vector<16xi32> to vector<16xi32>
    tpu.vector_store %arg11[%swap3A_151], %swap3A_154 {strides = array<i32>} : memref<80xi32, #tpu.memory_space<vmem>>, vector<16xi32>,
    %get3A_155 = arith.constant 1 : i32
    %get3A_156 = arith.index_cast %get3A_155 : i32 to index
    %get3A_157 = arith.constant 48 : index
    %get3A_158 = tpu.vector_load %arg7[%get3A_156, %get3A_157] {strides = array<i32>} : memref<128x80xi32, #tpu.memory_space<vmem>>, vector<1x16xi32>,
    %get3A_159 = vector.shape_cast %get3A_158 : vector<1x16xi32> to vector<16xi32>
    %shift_right_logical3A_160 = arith.constant 14 : i32
    %shift_right_logical3A_161 = vector.broadcast %shift_right_logical3A_160 : i32 to vector<16xi32>
    %shift_right_logical3A_162 = arith.shrui %get3A_159, %shift_right_logical3A_161 : vector<16xi32>
    %swap3A_163 = arith.constant 48 : index
    %swap3A_164 = tpu.vector_load %arg10[%swap3A_163] {strides = array<i32>} : memref<80xi32, #tpu.memory_space<vmem>>, vector<16xi32>,
    %swap3A_165 = vector.shape_cast %swap3A_164 : vector<16xi32> to vector<16xi32>
    %swap3A_166 = vector.shape_cast %shift_right_logical3A_162 : vector<16xi32> to vector<16xi32>
    tpu.vector_store %arg10[%swap3A_163], %swap3A_166 {strides = array<i32>} : memref<80xi32, #tpu.memory_space<vmem>>, vector<16xi32>,
    %and3A_167 = arith.constant 16383 : i32
    %and3A_168 = vector.broadcast %and3A_167 : i32 to vector<16xi32>
    %and3A_169 = arith.andi %get3A_159, %and3A_168 : vector<16xi32>
    %swap3A_170 = arith.constant 48 : index
    %swap3A_171 = tpu.vector_load %arg11[%swap3A_170] {strides = array<i32>} : memref<80xi32, #tpu.memory_space<vmem>>, vector<16xi32>,
    %swap3A_172 = vector.shape_cast %swap3A_171 : vector<16xi32> to vector<16xi32>
    %swap3A_173 = vector.shape_cast %and3A_169 : vector<16xi32> to vector<16xi32>
    tpu.vector_store %arg11[%swap3A_170], %swap3A_173 {strides = array<i32>} : memref<80xi32, #tpu.memory_space<vmem>>, vector<16xi32>,
    %get3A_174 = arith.constant 1 : i32
    %get3A_175 = arith.index_cast %get3A_174 : i32 to index
    %get3A_176 = arith.constant 64 : index
    %get3A_177 = tpu.vector_load %arg7[%get3A_175, %get3A_176] {strides = array<i32>} : memref<128x80xi32, #tpu.memory_space<vmem>>, vector<1x16xi32>,
    %get3A_178 = vector.shape_cast %get3A_177 : vector<1x16xi32> to vector<16xi32>
    %shift_right_logical3A_179 = arith.constant 14 : i32
    %shift_right_logical3A_180 = vector.broadcast %shift_right_logical3A_179 : i32 to vector<16xi32>
    %shift_right_logical3A_181 = arith.shrui %get3A_178, %shift_right_logical3A_180 : vector<16xi32>
    %swap3A_182 = arith.constant 64 : index
    %swap3A_183 = tpu.vector_load %arg10[%swap3A_182] {strides = array<i32>} : memref<80xi32, #tpu.memory_space<vmem>>, vector<16xi32>,
    %swap3A_184 = vector.shape_cast %swap3A_183 : vector<16xi32> to vector<16xi32>
    %swap3A_185 = vector.shape_cast %shift_right_logical3A_181 : vector<16xi32> to vector<16xi32>
    tpu.vector_store %arg10[%swap3A_182], %swap3A_185 {strides = array<i32>} : memref<80xi32, #tpu.memory_space<vmem>>, vector<16xi32>,
    %and3A_186 = arith.constant 16383 : i32
    %and3A_187 = vector.broadcast %and3A_186 : i32 to vector<16xi32>
    %and3A_188 = arith.andi %get3A_178, %and3A_187 : vector<16xi32>
    %swap3A_189 = arith.constant 64 : index
    %swap3A_190 = tpu.vector_load %arg11[%swap3A_189] {strides = array<i32>} : memref<80xi32, #tpu.memory_space<vmem>>, vector<16xi32>,
    %swap3A_191 = vector.shape_cast %swap3A_190 : vector<16xi32> to vector<16xi32>
    %swap3A_192 = vector.shape_cast %and3A_188 : vector<16xi32> to vector<16xi32>
    tpu.vector_store %arg11[%swap3A_189], %swap3A_192 {strides = array<i32>} : memref<80xi32, #tpu.memory_space<vmem>>, vector<16xi32>,
    %dma_start3A_193 = arith.constant 0 : i32
    %dma_start3A_194 = arith.constant 0 : i32
    %dma_start3A_195 = tpu.memref_slice %arg2[%dma_start3A_193, %dma_start3A_194] : memref<10000x128xf32, #tpu.memory_space<hbm>> -> memref<10000x128xf32, #tpu.memory_space<hbm>>
    tpu.enqueue_indirect_dma source(%dma_start3A_195 : memref<10000x128xf32, #tpu.memory_space<hbm>>) target(%arg13 : memref<80x128xf32, #tpu.memory_space<vmem>>) offsets(%arg10 : memref<80xi32, #tpu.memory_space<vmem>>) semaphore(%arg15 : memref<!tpu.dma_semaphore, #tpu.memory_space<semaphore_mem>>)
    %scan3A = arith.constant 0 : i32
    %scan3A_196 = arith.constant 0 : i32
    %scan3A_197 = arith.constant 64 : i32
    %scan3A_198 = arith.addi %scan3A_196, %scan3A_197 : i32
    %scan3A_199 = arith.constant 1 : i32
    scf.for %scan3A_211 = %scan3A_196 to %scan3A_198 step %scan3A_199  : i32 {
      %mul3A_212 = arith.constant 2 : i32
      %mul3A_213 = arith.muli %mul3A_212, %scan3A_211 : i32
      %dma_wait3A_214 = arith.constant 0 : i32
      %dma_wait3A_215 = arith.constant 0 : i32
      %dma_wait3A_216 = tpu.memref_slice %arg2[%dma_wait3A_214, %dma_wait3A_215] : memref<10000x128xf32, #tpu.memory_space<hbm>> -> memref<10000x128xf32, #tpu.memory_space<hbm>>
      tpu.wait_indirect_dma semaphore(%arg14 : memref<!tpu.dma_semaphore, #tpu.memory_space<semaphore_mem>>) src(%dma_wait3A_216 : memref<10000x128xf32, #tpu.memory_space<hbm>>) dst(%arg12 : memref<80x128xf32, #tpu.memory_space<vmem>>)
      "tpu.region"() ({
        %run_scoped3A = tpu.sem_alloc : memref<!tpu.dma_semaphore, #tpu.memory_space<semaphore_mem>>
        %dma_start3A_413 = arith.constant 0 : i32
        %dma_start3A_414 = arith.constant 0 : i32
        %dma_start3A_415 = tpu.memref_slice %arg6[%dma_start3A_413, %dma_start3A_414] : memref<10240x128xf32, #tpu.memory_space<vmem_shared>> -> memref<10240x128xf32, #tpu.memory_space<vmem_shared>>
        tpu.enqueue_indirect_dma source(%arg12 : memref<80x128xf32, #tpu.memory_space<vmem>>) target(%dma_start3A_415 : memref<10240x128xf32, #tpu.memory_space<vmem_shared>>) offsets(%arg9 : memref<80xi32, #tpu.memory_space<vmem>>) semaphore(%run_scoped3A : memref<!tpu.dma_semaphore, #tpu.memory_space<semaphore_mem>>) {add = true}
        %dma_wait3A_416 = arith.constant 0 : i32
        %dma_wait3A_417 = arith.constant 0 : i32
        %dma_wait3A_418 = tpu.memref_slice %arg6[%dma_wait3A_416, %dma_wait3A_417] : memref<10240x128xf32, #tpu.memory_space<vmem_shared>> -> memref<10240x128xf32, #tpu.memory_space<vmem_shared>>
        tpu.wait_indirect_dma semaphore(%run_scoped3A : memref<!tpu.dma_semaphore, #tpu.memory_space<semaphore_mem>>) src(%arg12 : memref<80x128xf32, #tpu.memory_space<vmem>>) dst(%dma_wait3A_418 : memref<10240x128xf32, #tpu.memory_space<vmem_shared>>)
        tpu.yield
      }) : () -> ()
      %add3A_217 = arith.constant 2 : i32
      %add3A_218 = arith.addi %mul3A_213, %add3A_217 : i32
      %rem3A = arith.constant 128 : i32
      %rem3A_219 = arith.remsi %add3A_218, %rem3A : i32
      %get3A_220 = arith.index_cast %rem3A_219 : i32 to index
      %get3A_221 = arith.constant 0 : index
      %get3A_222 = tpu.vector_load %arg7[%get3A_220, %get3A_221] {strides = array<i32>} : memref<128x80xi32, #tpu.memory_space<vmem>>, vector<1x16xi32>,
      %get3A_223 = vector.shape_cast %get3A_222 : vector<1x16xi32> to vector<16xi32>
      %shift_right_logical3A_224 = arith.constant 14 : i32
      %shift_right_logical3A_225 = vector.broadcast %shift_right_logical3A_224 : i32 to vector<16xi32>
      %shift_right_logical3A_226 = arith.shrui %get3A_223, %shift_right_logical3A_225 : vector<16xi32>
      %swap3A_227 = arith.constant 0 : index
      %swap3A_228 = tpu.vector_load %arg8[%swap3A_227] {strides = array<i32>} : memref<80xi32, #tpu.memory_space<vmem>>, vector<16xi32>,
      %swap3A_229 = vector.shape_cast %swap3A_228 : vector<16xi32> to vector<16xi32>
      %swap3A_230 = vector.shape_cast %shift_right_logical3A_226 : vector<16xi32> to vector<16xi32>
      tpu.vector_store %arg8[%swap3A_227], %swap3A_230 {strides = array<i32>} : memref<80xi32, #tpu.memory_space<vmem>>, vector<16xi32>,
      %and3A_231 = arith.constant 16383 : i32
      %and3A_232 = vector.broadcast %and3A_231 : i32 to vector<16xi32>
      %and3A_233 = arith.andi %get3A_223, %and3A_232 : vector<16xi32>
      %swap3A_234 = arith.constant 0 : index
      %swap3A_235 = tpu.vector_load %arg9[%swap3A_234] {strides = array<i32>} : memref<80xi32, #tpu.memory_space<vmem>>, vector<16xi32>,
      %swap3A_236 = vector.shape_cast %swap3A_235 : vector<16xi32> to vector<16xi32>
      %swap3A_237 = vector.shape_cast %and3A_233 : vector<16xi32> to vector<16xi32>
      tpu.vector_store %arg9[%swap3A_234], %swap3A_237 {strides = array<i32>} : memref<80xi32, #tpu.memory_space<vmem>>, vector<16xi32>,
      %get3A_238 = arith.index_cast %rem3A_219 : i32 to index
      %get3A_239 = arith.constant 16 : index
      %get3A_240 = tpu.vector_load %arg7[%get3A_238, %get3A_239] {strides = array<i32>} : memref<128x80xi32, #tpu.memory_space<vmem>>, vector<1x16xi32>,
      %get3A_241 = vector.shape_cast %get3A_240 : vector<1x16xi32> to vector<16xi32>
      %shift_right_logical3A_242 = arith.constant 14 : i32
      %shift_right_logical3A_243 = vector.broadcast %shift_right_logical3A_242 : i32 to vector<16xi32>
      %shift_right_logical3A_244 = arith.shrui %get3A_241, %shift_right_logical3A_243 : vector<16xi32>
      %swap3A_245 = arith.constant 16 : index
      %swap3A_246 = tpu.vector_load %arg8[%swap3A_245] {strides = array<i32>} : memref<80xi32, #tpu.memory_space<vmem>>, vector<16xi32>,
      %swap3A_247 = vector.shape_cast %swap3A_246 : vector<16xi32> to vector<16xi32>
      %swap3A_248 = vector.shape_cast %shift_right_logical3A_244 : vector<16xi32> to vector<16xi32>
      tpu.vector_store %arg8[%swap3A_245], %swap3A_248 {strides = array<i32>} : memref<80xi32, #tpu.memory_space<vmem>>, vector<16xi32>,
      %and3A_249 = arith.constant 16383 : i32
      %and3A_250 = vector.broadcast %and3A_249 : i32 to vector<16xi32>
      %and3A_251 = arith.andi %get3A_241, %and3A_250 : vector<16xi32>
      %swap3A_252 = arith.constant 16 : index
      %swap3A_253 = tpu.vector_load %arg9[%swap3A_252] {strides = array<i32>} : memref<80xi32, #tpu.memory_space<vmem>>, vector<16xi32>,
      %swap3A_254 = vector.shape_cast %swap3A_253 : vector<16xi32> to vector<16xi32>
      %swap3A_255 = vector.shape_cast %and3A_251 : vector<16xi32> to vector<16xi32>
      tpu.vector_store %arg9[%swap3A_252], %swap3A_255 {strides = array<i32>} : memref<80xi32, #tpu.memory_space<vmem>>, vector<16xi32>,
      %get3A_256 = arith.index_cast %rem3A_219 : i32 to index
      %get3A_257 = arith.constant 32 : index
      %get3A_258 = tpu.vector_load %arg7[%get3A_256, %get3A_257] {strides = array<i32>} : memref<128x80xi32, #tpu.memory_space<vmem>>, vector<1x16xi32>,
      %get3A_259 = vector.shape_cast %get3A_258 : vector<1x16xi32> to vector<16xi32>
      %shift_right_logical3A_260 = arith.constant 14 : i32
      %shift_right_logical3A_261 = vector.broadcast %shift_right_logical3A_260 : i32 to vector<16xi32>
      %shift_right_logical3A_262 = arith.shrui %get3A_259, %shift_right_logical3A_261 : vector<16xi32>
      %swap3A_263 = arith.constant 32 : index
      %swap3A_264 = tpu.vector_load %arg8[%swap3A_263] {strides = array<i32>} : memref<80xi32, #tpu.memory_space<vmem>>, vector<16xi32>,
      %swap3A_265 = vector.shape_cast %swap3A_264 : vector<16xi32> to vector<16xi32>
      %swap3A_266 = vector.shape_cast %shift_right_logical3A_262 : vector<16xi32> to vector<16xi32>
      tpu.vector_store %arg8[%swap3A_263], %swap3A_266 {strides = array<i32>} : memref<80xi32, #tpu.memory_space<vmem>>, vector<16xi32>,
      %and3A_267 = arith.constant 16383 : i32
      %and3A_268 = vector.broadcast %and3A_267 : i32 to vector<16xi32>
      %and3A_269 = arith.andi %get3A_259, %and3A_268 : vector<16xi32>
      %swap3A_270 = arith.constant 32 : index
      %swap3A_271 = tpu.vector_load %arg9[%swap3A_270] {strides = array<i32>} : memref<80xi32, #tpu.memory_space<vmem>>, vector<16xi32>,
      %swap3A_272 = vector.shape_cast %swap3A_271 : vector<16xi32> to vector<16xi32>
      %swap3A_273 = vector.shape_cast %and3A_269 : vector<16xi32> to vector<16xi32>
      tpu.vector_store %arg9[%swap3A_270], %swap3A_273 {strides = array<i32>} : memref<80xi32, #tpu.memory_space<vmem>>, vector<16xi32>,
      %get3A_274 = arith.index_cast %rem3A_219 : i32 to index
      %get3A_275 = arith.constant 48 : index
      %get3A_276 = tpu.vector_load %arg7[%get3A_274, %get3A_275] {strides = array<i32>} : memref<128x80xi32, #tpu.memory_space<vmem>>, vector<1x16xi32>,
      %get3A_277 = vector.shape_cast %get3A_276 : vector<1x16xi32> to vector<16xi32>
      %shift_right_logical3A_278 = arith.constant 14 : i32
      %shift_right_logical3A_279 = vector.broadcast %shift_right_logical3A_278 : i32 to vector<16xi32>
      %shift_right_logical3A_280 = arith.shrui %get3A_277, %shift_right_logical3A_279 : vector<16xi32>
      %swap3A_281 = arith.constant 48 : index
      %swap3A_282 = tpu.vector_load %arg8[%swap3A_281] {strides = array<i32>} : memref<80xi32, #tpu.memory_space<vmem>>, vector<16xi32>,
      %swap3A_283 = vector.shape_cast %swap3A_282 : vector<16xi32> to vector<16xi32>
      %swap3A_284 = vector.shape_cast %shift_right_logical3A_280 : vector<16xi32> to vector<16xi32>
      tpu.vector_store %arg8[%swap3A_281], %swap3A_284 {strides = array<i32>} : memref<80xi32, #tpu.memory_space<vmem>>, vector<16xi32>,
      %and3A_285 = arith.constant 16383 : i32
      %and3A_286 = vector.broadcast %and3A_285 : i32 to vector<16xi32>
      %and3A_287 = arith.andi %get3A_277, %and3A_286 : vector<16xi32>
      %swap3A_288 = arith.constant 48 : index
      %swap3A_289 = tpu.vector_load %arg9[%swap3A_288] {strides = array<i32>} : memref<80xi32, #tpu.memory_space<vmem>>, vector<16xi32>,
      %swap3A_290 = vector.shape_cast %swap3A_289 : vector<16xi32> to vector<16xi32>
      %swap3A_291 = vector.shape_cast %and3A_287 : vector<16xi32> to vector<16xi32>
      tpu.vector_store %arg9[%swap3A_288], %swap3A_291 {strides = array<i32>} : memref<80xi32, #tpu.memory_space<vmem>>, vector<16xi32>,
      %get3A_292 = arith.index_cast %rem3A_219 : i32 to index
      %get3A_293 = arith.constant 64 : index
      %get3A_294 = tpu.vector_load %arg7[%get3A_292, %get3A_293] {strides = array<i32>} : memref<128x80xi32, #tpu.memory_space<vmem>>, vector<1x16xi32>,
      %get3A_295 = vector.shape_cast %get3A_294 : vector<1x16xi32> to vector<16xi32>
      %shift_right_logical3A_296 = arith.constant 14 : i32
      %shift_right_logical3A_297 = vector.broadcast %shift_right_logical3A_296 : i32 to vector<16xi32>
      %shift_right_logical3A_298 = arith.shrui %get3A_295, %shift_right_logical3A_297 : vector<16xi32>
      %swap3A_299 = arith.constant 64 : index
      %swap3A_300 = tpu.vector_load %arg8[%swap3A_299] {strides = array<i32>} : memref<80xi32, #tpu.memory_space<vmem>>, vector<16xi32>,
      %swap3A_301 = vector.shape_cast %swap3A_300 : vector<16xi32> to vector<16xi32>
      %swap3A_302 = vector.shape_cast %shift_right_logical3A_298 : vector<16xi32> to vector<16xi32>
      tpu.vector_store %arg8[%swap3A_299], %swap3A_302 {strides = array<i32>} : memref<80xi32, #tpu.memory_space<vmem>>, vector<16xi32>,
      %and3A_303 = arith.constant 16383 : i32
      %and3A_304 = vector.broadcast %and3A_303 : i32 to vector<16xi32>
      %and3A_305 = arith.andi %get3A_295, %and3A_304 : vector<16xi32>
      %swap3A_306 = arith.constant 64 : index
      %swap3A_307 = tpu.vector_load %arg9[%swap3A_306] {strides = array<i32>} : memref<80xi32, #tpu.memory_space<vmem>>, vector<16xi32>,
      %swap3A_308 = vector.shape_cast %swap3A_307 : vector<16xi32> to vector<16xi32>
      %swap3A_309 = vector.shape_cast %and3A_305 : vector<16xi32> to vector<16xi32>
      tpu.vector_store %arg9[%swap3A_306], %swap3A_309 {strides = array<i32>} : memref<80xi32, #tpu.memory_space<vmem>>, vector<16xi32>,
      %dma_start3A_310 = arith.constant 0 : i32
      %dma_start3A_311 = arith.constant 0 : i32
      %dma_start3A_312 = tpu.memref_slice %arg2[%dma_start3A_310, %dma_start3A_311] : memref<10000x128xf32, #tpu.memory_space<hbm>> -> memref<10000x128xf32, #tpu.memory_space<hbm>>
      tpu.enqueue_indirect_dma source(%dma_start3A_312 : memref<10000x128xf32, #tpu.memory_space<hbm>>) target(%arg12 : memref<80x128xf32, #tpu.memory_space<vmem>>) offsets(%arg8 : memref<80xi32, #tpu.memory_space<vmem>>) semaphore(%arg14 : memref<!tpu.dma_semaphore, #tpu.memory_space<semaphore_mem>>)
      %dma_wait3A_313 = arith.constant 0 : i32
      %dma_wait3A_314 = arith.constant 0 : i32
      %dma_wait3A_315 = tpu.memref_slice %arg2[%dma_wait3A_313, %dma_wait3A_314] : memref<10000x128xf32, #tpu.memory_space<hbm>> -> memref<10000x128xf32, #tpu.memory_space<hbm>>
      tpu.wait_indirect_dma semaphore(%arg15 : memref<!tpu.dma_semaphore, #tpu.memory_space<semaphore_mem>>) src(%dma_wait3A_315 : memref<10000x128xf32, #tpu.memory_space<hbm>>) dst(%arg13 : memref<80x128xf32, #tpu.memory_space<vmem>>)
      "tpu.region"() ({
        %run_scoped3A = tpu.sem_alloc : memref<!tpu.dma_semaphore, #tpu.memory_space<semaphore_mem>>
        %dma_start3A_413 = arith.constant 0 : i32
        %dma_start3A_414 = arith.constant 0 : i32
        %dma_start3A_415 = tpu.memref_slice %arg6[%dma_start3A_413, %dma_start3A_414] : memref<10240x128xf32, #tpu.memory_space<vmem_shared>> -> memref<10240x128xf32, #tpu.memory_space<vmem_shared>>
        tpu.enqueue_indirect_dma source(%arg13 : memref<80x128xf32, #tpu.memory_space<vmem>>) target(%dma_start3A_415 : memref<10240x128xf32, #tpu.memory_space<vmem_shared>>) offsets(%arg11 : memref<80xi32, #tpu.memory_space<vmem>>) semaphore(%run_scoped3A : memref<!tpu.dma_semaphore, #tpu.memory_space<semaphore_mem>>) {add = true}
        %dma_wait3A_416 = arith.constant 0 : i32
        %dma_wait3A_417 = arith.constant 0 : i32
        %dma_wait3A_418 = tpu.memref_slice %arg6[%dma_wait3A_416, %dma_wait3A_417] : memref<10240x128xf32, #tpu.memory_space<vmem_shared>> -> memref<10240x128xf32, #tpu.memory_space<vmem_shared>>
        tpu.wait_indirect_dma semaphore(%run_scoped3A : memref<!tpu.dma_semaphore, #tpu.memory_space<semaphore_mem>>) src(%arg13 : memref<80x128xf32, #tpu.memory_space<vmem>>) dst(%dma_wait3A_418 : memref<10240x128xf32, #tpu.memory_space<vmem_shared>>)
        tpu.yield
      }) : () -> ()
      %add3A_316 = arith.constant 3 : i32
      %add3A_317 = arith.addi %mul3A_213, %add3A_316 : i32
      %rem3A_318 = arith.constant 128 : i32
      %rem3A_319 = arith.remsi %add3A_317, %rem3A_318 : i32
      %get3A_320 = arith.index_cast %rem3A_319 : i32 to index
      %get3A_321 = arith.constant 0 : index
      %get3A_322 = tpu.vector_load %arg7[%get3A_320, %get3A_321] {strides = array<i32>} : memref<128x80xi32, #tpu.memory_space<vmem>>, vector<1x16xi32>,
      %get3A_323 = vector.shape_cast %get3A_322 : vector<1x16xi32> to vector<16xi32>
      %shift_right_logical3A_324 = arith.constant 14 : i32
      %shift_right_logical3A_325 = vector.broadcast %shift_right_logical3A_324 : i32 to vector<16xi32>
      %shift_right_logical3A_326 = arith.shrui %get3A_323, %shift_right_logical3A_325 : vector<16xi32>
      %swap3A_327 = arith.constant 0 : index
      %swap3A_328 = tpu.vector_load %arg10[%swap3A_327] {strides = array<i32>} : memref<80xi32, #tpu.memory_space<vmem>>, vector<16xi32>,
      %swap3A_329 = vector.shape_cast %swap3A_328 : vector<16xi32> to vector<16xi32>
      %swap3A_330 = vector.shape_cast %shift_right_logical3A_326 : vector<16xi32> to vector<16xi32>
      tpu.vector_store %arg10[%swap3A_327], %swap3A_330 {strides = array<i32>} : memref<80xi32, #tpu.memory_space<vmem>>, vector<16xi32>,
      %and3A_331 = arith.constant 16383 : i32
      %and3A_332 = vector.broadcast %and3A_331 : i32 to vector<16xi32>
      %and3A_333 = arith.andi %get3A_323, %and3A_332 : vector<16xi32>
      %swap3A_334 = arith.constant 0 : index
      %swap3A_335 = tpu.vector_load %arg11[%swap3A_334] {strides = array<i32>} : memref<80xi32, #tpu.memory_space<vmem>>, vector<16xi32>,
      %swap3A_336 = vector.shape_cast %swap3A_335 : vector<16xi32> to vector<16xi32>
      %swap3A_337 = vector.shape_cast %and3A_333 : vector<16xi32> to vector<16xi32>
      tpu.vector_store %arg11[%swap3A_334], %swap3A_337 {strides = array<i32>} : memref<80xi32, #tpu.memory_space<vmem>>, vector<16xi32>,
      %get3A_338 = arith.index_cast %rem3A_319 : i32 to index
      %get3A_339 = arith.constant 16 : index
      %get3A_340 = tpu.vector_load %arg7[%get3A_338, %get3A_339] {strides = array<i32>} : memref<128x80xi32, #tpu.memory_space<vmem>>, vector<1x16xi32>,
      %get3A_341 = vector.shape_cast %get3A_340 : vector<1x16xi32> to vector<16xi32>
      %shift_right_logical3A_342 = arith.constant 14 : i32
      %shift_right_logical3A_343 = vector.broadcast %shift_right_logical3A_342 : i32 to vector<16xi32>
      %shift_right_logical3A_344 = arith.shrui %get3A_341, %shift_right_logical3A_343 : vector<16xi32>
      %swap3A_345 = arith.constant 16 : index
      %swap3A_346 = tpu.vector_load %arg10[%swap3A_345] {strides = array<i32>} : memref<80xi32, #tpu.memory_space<vmem>>, vector<16xi32>,
      %swap3A_347 = vector.shape_cast %swap3A_346 : vector<16xi32> to vector<16xi32>
      %swap3A_348 = vector.shape_cast %shift_right_logical3A_344 : vector<16xi32> to vector<16xi32>
      tpu.vector_store %arg10[%swap3A_345], %swap3A_348 {strides = array<i32>} : memref<80xi32, #tpu.memory_space<vmem>>, vector<16xi32>,
      %and3A_349 = arith.constant 16383 : i32
      %and3A_350 = vector.broadcast %and3A_349 : i32 to vector<16xi32>
      %and3A_351 = arith.andi %get3A_341, %and3A_350 : vector<16xi32>
      %swap3A_352 = arith.constant 16 : index
      %swap3A_353 = tpu.vector_load %arg11[%swap3A_352] {strides = array<i32>} : memref<80xi32, #tpu.memory_space<vmem>>, vector<16xi32>,
      %swap3A_354 = vector.shape_cast %swap3A_353 : vector<16xi32> to vector<16xi32>
      %swap3A_355 = vector.shape_cast %and3A_351 : vector<16xi32> to vector<16xi32>
      tpu.vector_store %arg11[%swap3A_352], %swap3A_355 {strides = array<i32>} : memref<80xi32, #tpu.memory_space<vmem>>, vector<16xi32>,
      %get3A_356 = arith.index_cast %rem3A_319 : i32 to index
      %get3A_357 = arith.constant 32 : index
      %get3A_358 = tpu.vector_load %arg7[%get3A_356, %get3A_357] {strides = array<i32>} : memref<128x80xi32, #tpu.memory_space<vmem>>, vector<1x16xi32>,
      %get3A_359 = vector.shape_cast %get3A_358 : vector<1x16xi32> to vector<16xi32>
      %shift_right_logical3A_360 = arith.constant 14 : i32
      %shift_right_logical3A_361 = vector.broadcast %shift_right_logical3A_360 : i32 to vector<16xi32>
      %shift_right_logical3A_362 = arith.shrui %get3A_359, %shift_right_logical3A_361 : vector<16xi32>
      %swap3A_363 = arith.constant 32 : index
      %swap3A_364 = tpu.vector_load %arg10[%swap3A_363] {strides = array<i32>} : memref<80xi32, #tpu.memory_space<vmem>>, vector<16xi32>,
      %swap3A_365 = vector.shape_cast %swap3A_364 : vector<16xi32> to vector<16xi32>
      %swap3A_366 = vector.shape_cast %shift_right_logical3A_362 : vector<16xi32> to vector<16xi32>
      tpu.vector_store %arg10[%swap3A_363], %swap3A_366 {strides = array<i32>} : memref<80xi32, #tpu.memory_space<vmem>>, vector<16xi32>,
      %and3A_367 = arith.constant 16383 : i32
      %and3A_368 = vector.broadcast %and3A_367 : i32 to vector<16xi32>
      %and3A_369 = arith.andi %get3A_359, %and3A_368 : vector<16xi32>
      %swap3A_370 = arith.constant 32 : index
      %swap3A_371 = tpu.vector_load %arg11[%swap3A_370] {strides = array<i32>} : memref<80xi32, #tpu.memory_space<vmem>>, vector<16xi32>,
      %swap3A_372 = vector.shape_cast %swap3A_371 : vector<16xi32> to vector<16xi32>
      %swap3A_373 = vector.shape_cast %and3A_369 : vector<16xi32> to vector<16xi32>
      tpu.vector_store %arg11[%swap3A_370], %swap3A_373 {strides = array<i32>} : memref<80xi32, #tpu.memory_space<vmem>>, vector<16xi32>,
      %get3A_374 = arith.index_cast %rem3A_319 : i32 to index
      %get3A_375 = arith.constant 48 : index
      %get3A_376 = tpu.vector_load %arg7[%get3A_374, %get3A_375] {strides = array<i32>} : memref<128x80xi32, #tpu.memory_space<vmem>>, vector<1x16xi32>,
      %get3A_377 = vector.shape_cast %get3A_376 : vector<1x16xi32> to vector<16xi32>
      %shift_right_logical3A_378 = arith.constant 14 : i32
      %shift_right_logical3A_379 = vector.broadcast %shift_right_logical3A_378 : i32 to vector<16xi32>
      %shift_right_logical3A_380 = arith.shrui %get3A_377, %shift_right_logical3A_379 : vector<16xi32>
      %swap3A_381 = arith.constant 48 : index
      %swap3A_382 = tpu.vector_load %arg10[%swap3A_381] {strides = array<i32>} : memref<80xi32, #tpu.memory_space<vmem>>, vector<16xi32>,
      %swap3A_383 = vector.shape_cast %swap3A_382 : vector<16xi32> to vector<16xi32>
      %swap3A_384 = vector.shape_cast %shift_right_logical3A_380 : vector<16xi32> to vector<16xi32>
      tpu.vector_store %arg10[%swap3A_381], %swap3A_384 {strides = array<i32>} : memref<80xi32, #tpu.memory_space<vmem>>, vector<16xi32>,
      %and3A_385 = arith.constant 16383 : i32
      %and3A_386 = vector.broadcast %and3A_385 : i32 to vector<16xi32>
      %and3A_387 = arith.andi %get3A_377, %and3A_386 : vector<16xi32>
      %swap3A_388 = arith.constant 48 : index
      %swap3A_389 = tpu.vector_load %arg11[%swap3A_388] {strides = array<i32>} : memref<80xi32, #tpu.memory_space<vmem>>, vector<16xi32>,
      %swap3A_390 = vector.shape_cast %swap3A_389 : vector<16xi32> to vector<16xi32>
      %swap3A_391 = vector.shape_cast %and3A_387 : vector<16xi32> to vector<16xi32>
      tpu.vector_store %arg11[%swap3A_388], %swap3A_391 {strides = array<i32>} : memref<80xi32, #tpu.memory_space<vmem>>, vector<16xi32>,
      %get3A_392 = arith.index_cast %rem3A_319 : i32 to index
      %get3A_393 = arith.constant 64 : index
      %get3A_394 = tpu.vector_load %arg7[%get3A_392, %get3A_393] {strides = array<i32>} : memref<128x80xi32, #tpu.memory_space<vmem>>, vector<1x16xi32>,
      %get3A_395 = vector.shape_cast %get3A_394 : vector<1x16xi32> to vector<16xi32>
      %shift_right_logical3A_396 = arith.constant 14 : i32
      %shift_right_logical3A_397 = vector.broadcast %shift_right_logical3A_396 : i32 to vector<16xi32>
      %shift_right_logical3A_398 = arith.shrui %get3A_395, %shift_right_logical3A_397 : vector<16xi32>
      %swap3A_399 = arith.constant 64 : index
      %swap3A_400 = tpu.vector_load %arg10[%swap3A_399] {strides = array<i32>} : memref<80xi32, #tpu.memory_space<vmem>>, vector<16xi32>,
      %swap3A_401 = vector.shape_cast %swap3A_400 : vector<16xi32> to vector<16xi32>
      %swap3A_402 = vector.shape_cast %shift_right_logical3A_398 : vector<16xi32> to vector<16xi32>
      tpu.vector_store %arg10[%swap3A_399], %swap3A_402 {strides = array<i32>} : memref<80xi32, #tpu.memory_space<vmem>>, vector<16xi32>,
      %and3A_403 = arith.constant 16383 : i32
      %and3A_404 = vector.broadcast %and3A_403 : i32 to vector<16xi32>
      %and3A_405 = arith.andi %get3A_395, %and3A_404 : vector<16xi32>
      %swap3A_406 = arith.constant 64 : index
      %swap3A_407 = tpu.vector_load %arg11[%swap3A_406] {strides = array<i32>} : memref<80xi32, #tpu.memory_space<vmem>>, vector<16xi32>,
      %swap3A_408 = vector.shape_cast %swap3A_407 : vector<16xi32> to vector<16xi32>
      %swap3A_409 = vector.shape_cast %and3A_405 : vector<16xi32> to vector<16xi32>
      tpu.vector_store %arg11[%swap3A_406], %swap3A_409 {strides = array<i32>} : memref<80xi32, #tpu.memory_space<vmem>>, vector<16xi32>,
      %dma_start3A_410 = arith.constant 0 : i32
      %dma_start3A_411 = arith.constant 0 : i32
      %dma_start3A_412 = tpu.memref_slice %arg2[%dma_start3A_410, %dma_start3A_411] : memref<10000x128xf32, #tpu.memory_space<hbm>> -> memref<10000x128xf32, #tpu.memory_space<hbm>>
      tpu.enqueue_indirect_dma source(%dma_start3A_412 : memref<10000x128xf32, #tpu.memory_space<hbm>>) target(%arg13 : memref<80x128xf32, #tpu.memory_space<vmem>>) offsets(%arg10 : memref<80xi32, #tpu.memory_space<vmem>>) semaphore(%arg15 : memref<!tpu.dma_semaphore, #tpu.memory_space<semaphore_mem>>)
    }
    %scan3A_200 = arith.constant 64 : i32
    %dma_wait3A = arith.constant 0 : i32
    %dma_wait3A_201 = arith.constant 0 : i32
    %dma_wait3A_202 = tpu.memref_slice %arg2[%dma_wait3A, %dma_wait3A_201] : memref<10000x128xf32, #tpu.memory_space<hbm>> -> memref<10000x128xf32, #tpu.memory_space<hbm>>
    tpu.wait_indirect_dma semaphore(%arg14 : memref<!tpu.dma_semaphore, #tpu.memory_space<semaphore_mem>>) src(%dma_wait3A_202 : memref<10000x128xf32, #tpu.memory_space<hbm>>) dst(%arg12 : memref<80x128xf32, #tpu.memory_space<vmem>>)
    %dma_wait3A_203 = arith.constant 0 : i32
    %dma_wait3A_204 = arith.constant 0 : i32
    %dma_wait3A_205 = tpu.memref_slice %arg2[%dma_wait3A_203, %dma_wait3A_204] : memref<10000x128xf32, #tpu.memory_space<hbm>> -> memref<10000x128xf32, #tpu.memory_space<hbm>>
    tpu.wait_indirect_dma semaphore(%arg15 : memref<!tpu.dma_semaphore, #tpu.memory_space<semaphore_mem>>) src(%dma_wait3A_205 : memref<10000x128xf32, #tpu.memory_space<hbm>>) dst(%arg13 : memref<80x128xf32, #tpu.memory_space<vmem>>)
    %barrier3A_206 = arith.constant 0 : index
    tpu.barrier barrier_id(%barrier3A_206)
    %mul3A_207 = arith.constant 640 : i32
    %mul3A_208 = arith.muli %arg1, %mul3A_207 : i32
    %mul3A_209 = arith.constant 640 : i32
    %mul3A_210 = arith.muli %arg1, %mul3A_209 : i32
    "tpu.region"() ({
      %run_scoped3A = tpu.sem_alloc : memref<!tpu.dma_semaphore, #tpu.memory_space<semaphore_mem>>
      %dma_start3A_211 = arith.constant 0 : i32
      %dma_start3A_212 = tpu.memref_slice %arg5[%arg0, %mul3A_210, %dma_start3A_211] : memref<2x10240x128xf32, #tpu.memory_space<hbm>> -> memref<1x640x128xf32, #tpu.memory_space<hbm>>
      %dma_start3A_213 = tpu.memref_squeeze %dma_start3A_212 : memref<1x640x128xf32, #tpu.memory_space<hbm>> -> memref<640x128xf32, #tpu.memory_space<hbm>>
      %dma_start3A_214 = arith.constant 0 : i32
      %dma_start3A_215 = tpu.memref_slice %arg6[%mul3A_208, %dma_start3A_214] : memref<10240x128xf32, #tpu.memory_space<vmem_shared>> -> memref<640x128xf32, #tpu.memory_space<vmem_shared>>
      tpu.enqueue_dma source(%dma_start3A_215 : memref<640x128xf32, #tpu.memory_space<vmem_shared>>) target(%dma_start3A_213 : memref<640x128xf32, #tpu.memory_space<hbm>>) target_semaphore(%run_scoped3A : memref<!tpu.dma_semaphore, #tpu.memory_space<semaphore_mem>>)
      %dma_wait3A_216 = arith.constant 0 : i32
      %dma_wait3A_217 = tpu.memref_slice %arg5[%arg0, %mul3A_210, %dma_wait3A_216] : memref<2x10240x128xf32, #tpu.memory_space<hbm>> -> memref<1x640x128xf32, #tpu.memory_space<hbm>>
      %dma_wait3A_218 = tpu.memref_squeeze %dma_wait3A_217 : memref<1x640x128xf32, #tpu.memory_space<hbm>> -> memref<640x128xf32, #tpu.memory_space<hbm>>
      %dma_wait3A_219 = arith.constant 0 : i32
      %dma_wait3A_220 = tpu.memref_slice %arg6[%mul3A_208, %dma_wait3A_219] : memref<10240x128xf32, #tpu.memory_space<vmem_shared>> -> memref<640x128xf32, #tpu.memory_space<vmem_shared>>
      tpu.wait_dma2 semaphore(%run_scoped3A : memref<!tpu.dma_semaphore, #tpu.memory_space<semaphore_mem>>) src(%dma_wait3A_220 : memref<640x128xf32, #tpu.memory_space<vmem_shared>>) dst(%dma_wait3A_218 : memref<640x128xf32, #tpu.memory_space<hbm>>)
      tpu.yield
    }) : () -> ()
    return
  }
}

#map = affine_map<(d0, d1) -> (0, 0)>
#map1 = affine_map<(d0, d1) -> (0, 0, 0)>
module attributes {stable_mosaic.version = 14 : i64} {
  func.func @_edge_body(%arg0: i32, %arg1: i32, %arg2: memref<10000x128xf32, #tpu.memory_space<hbm>>, %arg3: memref<32x128x80xi32, #tpu.memory_space<hbm>>, %arg4: memref<10240x128xf32, #tpu.memory_space<hbm>>, %arg5: memref<2x10240x128xf32, #tpu.memory_space<hbm>>, %arg6: memref<10240x128xf32, #tpu.memory_space<vmem_shared>>, %arg7: memref<128x80xi32, #tpu.memory_space<vmem>>, %arg8: memref<80xi32, #tpu.memory_space<vmem>>, %arg9: memref<80xi32, #tpu.memory_space<vmem>>, %arg10: memref<80xi32, #tpu.memory_space<vmem>>, %arg11: memref<80xi32, #tpu.memory_space<vmem>>, %arg12: memref<80x128xf32, #tpu.memory_space<vmem>>, %arg13: memref<80x128xf32, #tpu.memory_space<vmem>>, %arg14: memref<!tpu.dma_semaphore, #tpu.memory_space<semaphore_mem>>, %arg15: memref<!tpu.dma_semaphore, #tpu.memory_space<semaphore_mem>>) attributes {dimension_semantics = [#tpu.dimension_semantics<core_parallel>, #tpu.dimension_semantics<subcore_parallel>], iteration_bounds = array<i64: 2, 16>, scalar_prefetch = 0 : i64, scratch_operands = 10 : i64, tpu.core_type = #tpu.core_type<sc_vector_subcore>, window_params = [{transform_indices = #map}, {transform_indices = #map1}, {transform_indices = #map}, {transform_indices = #map1}]} {
    %mul3A = arith.constant 16 : i32
    %mul3A_0 = arith.muli %arg0, %mul3A : i32
    %add3A = arith.addi %mul3A_0, %arg1 : i32
    %mul3A_1 = arith.constant 640 : i32
    %mul3A_2 = arith.muli %arg1, %mul3A_1 : i32
    %mul3A_3 = arith.constant 640 : i32
    %mul3A_4 = arith.muli %arg1, %mul3A_3 : i32
    "tpu.region"() ({
      %run_scoped3A = tpu.sem_alloc : memref<!tpu.dma_semaphore, #tpu.memory_space<semaphore_mem>>
      %dma_start3A_211 = arith.constant 0 : i32
      %dma_start3A_212 = tpu.memref_slice %arg6[%mul3A_4, %dma_start3A_211] : memref<10240x128xf32, #tpu.memory_space<vmem_shared>> -> memref<640x128xf32, #tpu.memory_space<vmem_shared>>
      %dma_start3A_213 = arith.constant 0 : i32
      %dma_start3A_214 = tpu.memref_slice %arg4[%mul3A_2, %dma_start3A_213] : memref<10240x128xf32, #tpu.memory_space<hbm>> -> memref<640x128xf32, #tpu.memory_space<hbm>>
      tpu.enqueue_dma source(%dma_start3A_214 : memref<640x128xf32, #tpu.memory_space<hbm>>) target(%dma_start3A_212 : memref<640x128xf32, #tpu.memory_space<vmem_shared>>) target_semaphore(%run_scoped3A : memref<!tpu.dma_semaphore, #tpu.memory_space<semaphore_mem>>)
      %dma_wait3A_215 = arith.constant 0 : i32
      %dma_wait3A_216 = tpu.memref_slice %arg6[%mul3A_4, %dma_wait3A_215] : memref<10240x128xf32, #tpu.memory_space<vmem_shared>> -> memref<640x128xf32, #tpu.memory_space<vmem_shared>>
      %dma_wait3A_217 = arith.constant 0 : i32
      %dma_wait3A_218 = tpu.memref_slice %arg4[%mul3A_2, %dma_wait3A_217] : memref<10240x128xf32, #tpu.memory_space<hbm>> -> memref<640x128xf32, #tpu.memory_space<hbm>>
      tpu.wait_dma2 semaphore(%run_scoped3A : memref<!tpu.dma_semaphore, #tpu.memory_space<semaphore_mem>>) src(%dma_wait3A_218 : memref<640x128xf32, #tpu.memory_space<hbm>>) dst(%dma_wait3A_216 : memref<640x128xf32, #tpu.memory_space<vmem_shared>>)
      tpu.yield
    }) : () -> ()
    "tpu.region"() ({
      %run_scoped3A = tpu.sem_alloc : memref<!tpu.dma_semaphore, #tpu.memory_space<semaphore_mem>>
      %dma_start3A_211 = arith.constant 0 : i32
      %dma_start3A_212 = arith.constant 0 : i32
      %dma_start3A_213 = tpu.memref_slice %arg3[%add3A, %dma_start3A_211, %dma_start3A_212] : memref<32x128x80xi32, #tpu.memory_space<hbm>> -> memref<1x128x80xi32, #tpu.memory_space<hbm>>
      %dma_start3A_214 = tpu.memref_squeeze %dma_start3A_213 : memref<1x128x80xi32, #tpu.memory_space<hbm>> -> memref<128x80xi32, #tpu.memory_space<hbm>>
      %dma_start3A_215 = arith.constant 0 : i32
      %dma_start3A_216 = arith.constant 0 : i32
      %dma_start3A_217 = tpu.memref_slice %arg3[%add3A, %dma_start3A_215, %dma_start3A_216] : memref<32x128x80xi32, #tpu.memory_space<hbm>> -> memref<1x128x80xi32, #tpu.memory_space<hbm>>
      %dma_start3A_218 = tpu.memref_squeeze %dma_start3A_217 : memref<1x128x80xi32, #tpu.memory_space<hbm>> -> memref<128x80xi32, #tpu.memory_space<hbm>>
      tpu.enqueue_dma source(%dma_start3A_218 : memref<128x80xi32, #tpu.memory_space<hbm>>) target(%arg7 : memref<128x80xi32, #tpu.memory_space<vmem>>) target_semaphore(%run_scoped3A : memref<!tpu.dma_semaphore, #tpu.memory_space<semaphore_mem>>)
      %dma_wait3A_219 = arith.constant 0 : i32
      %dma_wait3A_220 = arith.constant 0 : i32
      %dma_wait3A_221 = tpu.memref_slice %arg3[%add3A, %dma_wait3A_219, %dma_wait3A_220] : memref<32x128x80xi32, #tpu.memory_space<hbm>> -> memref<1x128x80xi32, #tpu.memory_space<hbm>>
      %dma_wait3A_222 = tpu.memref_squeeze %dma_wait3A_221 : memref<1x128x80xi32, #tpu.memory_space<hbm>> -> memref<128x80xi32, #tpu.memory_space<hbm>>
      %dma_wait3A_223 = arith.constant 0 : i32
      %dma_wait3A_224 = arith.constant 0 : i32
      %dma_wait3A_225 = tpu.memref_slice %arg3[%add3A, %dma_wait3A_223, %dma_wait3A_224] : memref<32x128x80xi32, #tpu.memory_space<hbm>> -> memref<1x128x80xi32, #tpu.memory_space<hbm>>
      %dma_wait3A_226 = tpu.memref_squeeze %dma_wait3A_225 : memref<1x128x80xi32, #tpu.memory_space<hbm>> -> memref<128x80xi32, #tpu.memory_space<hbm>>
      tpu.wait_dma2 semaphore(%run_scoped3A : memref<!tpu.dma_semaphore, #tpu.memory_space<semaphore_mem>>) src(%dma_wait3A_226 : memref<128x80xi32, #tpu.memory_space<hbm>>) dst(%arg7 : memref<128x80xi32, #tpu.memory_space<vmem>>)
      tpu.yield
    }) : () -> ()
    %barrier3A = arith.constant 0 : index
    tpu.barrier barrier_id(%barrier3A)
    %get3A = arith.constant 0 : i32
    %get3A_5 = arith.index_cast %get3A : i32 to index
    %get3A_6 = arith.constant 0 : index
    %get3A_7 = tpu.vector_load %arg7[%get3A_5, %get3A_6] {strides = array<i32>} : memref<128x80xi32, #tpu.memory_space<vmem>>, vector<1x16xi32>,
    %get3A_8 = vector.shape_cast %get3A_7 : vector<1x16xi32> to vector<16xi32>
    %shift_right_logical3A = arith.constant 14 : i32
    %shift_right_logical3A_9 = vector.broadcast %shift_right_logical3A : i32 to vector<16xi32>
    %shift_right_logical3A_10 = arith.shrui %get3A_8, %shift_right_logical3A_9 : vector<16xi32>
    %swap3A = arith.constant 0 : index
    %swap3A_11 = tpu.vector_load %arg8[%swap3A] {strides = array<i32>} : memref<80xi32, #tpu.memory_space<vmem>>, vector<16xi32>,
    %swap3A_12 = vector.shape_cast %swap3A_11 : vector<16xi32> to vector<16xi32>
    %swap3A_13 = vector.shape_cast %shift_right_logical3A_10 : vector<16xi32> to vector<16xi32>
    tpu.vector_store %arg8[%swap3A], %swap3A_13 {strides = array<i32>} : memref<80xi32, #tpu.memory_space<vmem>>, vector<16xi32>,
    %and3A = arith.constant 16383 : i32
    %and3A_14 = vector.broadcast %and3A : i32 to vector<16xi32>
    %and3A_15 = arith.andi %get3A_8, %and3A_14 : vector<16xi32>
    %swap3A_16 = arith.constant 0 : index
    %swap3A_17 = tpu.vector_load %arg9[%swap3A_16] {strides = array<i32>} : memref<80xi32, #tpu.memory_space<vmem>>, vector<16xi32>,
    %swap3A_18 = vector.shape_cast %swap3A_17 : vector<16xi32> to vector<16xi32>
    %swap3A_19 = vector.shape_cast %and3A_15 : vector<16xi32> to vector<16xi32>
    tpu.vector_store %arg9[%swap3A_16], %swap3A_19 {strides = array<i32>} : memref<80xi32, #tpu.memory_space<vmem>>, vector<16xi32>,
    %get3A_20 = arith.constant 0 : i32
    %get3A_21 = arith.index_cast %get3A_20 : i32 to index
    %get3A_22 = arith.constant 16 : index
    %get3A_23 = tpu.vector_load %arg7[%get3A_21, %get3A_22] {strides = array<i32>} : memref<128x80xi32, #tpu.memory_space<vmem>>, vector<1x16xi32>,
    %get3A_24 = vector.shape_cast %get3A_23 : vector<1x16xi32> to vector<16xi32>
    %shift_right_logical3A_25 = arith.constant 14 : i32
    %shift_right_logical3A_26 = vector.broadcast %shift_right_logical3A_25 : i32 to vector<16xi32>
    %shift_right_logical3A_27 = arith.shrui %get3A_24, %shift_right_logical3A_26 : vector<16xi32>
    %swap3A_28 = arith.constant 16 : index
    %swap3A_29 = tpu.vector_load %arg8[%swap3A_28] {strides = array<i32>} : memref<80xi32, #tpu.memory_space<vmem>>, vector<16xi32>,
    %swap3A_30 = vector.shape_cast %swap3A_29 : vector<16xi32> to vector<16xi32>
    %swap3A_31 = vector.shape_cast %shift_right_logical3A_27 : vector<16xi32> to vector<16xi32>
    tpu.vector_store %arg8[%swap3A_28], %swap3A_31 {strides = array<i32>} : memref<80xi32, #tpu.memory_space<vmem>>, vector<16xi32>,
    %and3A_32 = arith.constant 16383 : i32
    %and3A_33 = vector.broadcast %and3A_32 : i32 to vector<16xi32>
    %and3A_34 = arith.andi %get3A_24, %and3A_33 : vector<16xi32>
    %swap3A_35 = arith.constant 16 : index
    %swap3A_36 = tpu.vector_load %arg9[%swap3A_35] {strides = array<i32>} : memref<80xi32, #tpu.memory_space<vmem>>, vector<16xi32>,
    %swap3A_37 = vector.shape_cast %swap3A_36 : vector<16xi32> to vector<16xi32>
    %swap3A_38 = vector.shape_cast %and3A_34 : vector<16xi32> to vector<16xi32>
    tpu.vector_store %arg9[%swap3A_35], %swap3A_38 {strides = array<i32>} : memref<80xi32, #tpu.memory_space<vmem>>, vector<16xi32>,
    %get3A_39 = arith.constant 0 : i32
    %get3A_40 = arith.index_cast %get3A_39 : i32 to index
    %get3A_41 = arith.constant 32 : index
    %get3A_42 = tpu.vector_load %arg7[%get3A_40, %get3A_41] {strides = array<i32>} : memref<128x80xi32, #tpu.memory_space<vmem>>, vector<1x16xi32>,
    %get3A_43 = vector.shape_cast %get3A_42 : vector<1x16xi32> to vector<16xi32>
    %shift_right_logical3A_44 = arith.constant 14 : i32
    %shift_right_logical3A_45 = vector.broadcast %shift_right_logical3A_44 : i32 to vector<16xi32>
    %shift_right_logical3A_46 = arith.shrui %get3A_43, %shift_right_logical3A_45 : vector<16xi32>
    %swap3A_47 = arith.constant 32 : index
    %swap3A_48 = tpu.vector_load %arg8[%swap3A_47] {strides = array<i32>} : memref<80xi32, #tpu.memory_space<vmem>>, vector<16xi32>,
    %swap3A_49 = vector.shape_cast %swap3A_48 : vector<16xi32> to vector<16xi32>
    %swap3A_50 = vector.shape_cast %shift_right_logical3A_46 : vector<16xi32> to vector<16xi32>
    tpu.vector_store %arg8[%swap3A_47], %swap3A_50 {strides = array<i32>} : memref<80xi32, #tpu.memory_space<vmem>>, vector<16xi32>,
    %and3A_51 = arith.constant 16383 : i32
    %and3A_52 = vector.broadcast %and3A_51 : i32 to vector<16xi32>
    %and3A_53 = arith.andi %get3A_43, %and3A_52 : vector<16xi32>
    %swap3A_54 = arith.constant 32 : index
    %swap3A_55 = tpu.vector_load %arg9[%swap3A_54] {strides = array<i32>} : memref<80xi32, #tpu.memory_space<vmem>>, vector<16xi32>,
    %swap3A_56 = vector.shape_cast %swap3A_55 : vector<16xi32> to vector<16xi32>
    %swap3A_57 = vector.shape_cast %and3A_53 : vector<16xi32> to vector<16xi32>
    tpu.vector_store %arg9[%swap3A_54], %swap3A_57 {strides = array<i32>} : memref<80xi32, #tpu.memory_space<vmem>>, vector<16xi32>,
    %get3A_58 = arith.constant 0 : i32
    %get3A_59 = arith.index_cast %get3A_58 : i32 to index
    %get3A_60 = arith.constant 48 : index
    %get3A_61 = tpu.vector_load %arg7[%get3A_59, %get3A_60] {strides = array<i32>} : memref<128x80xi32, #tpu.memory_space<vmem>>, vector<1x16xi32>,
    %get3A_62 = vector.shape_cast %get3A_61 : vector<1x16xi32> to vector<16xi32>
    %shift_right_logical3A_63 = arith.constant 14 : i32
    %shift_right_logical3A_64 = vector.broadcast %shift_right_logical3A_63 : i32 to vector<16xi32>
    %shift_right_logical3A_65 = arith.shrui %get3A_62, %shift_right_logical3A_64 : vector<16xi32>
    %swap3A_66 = arith.constant 48 : index
    %swap3A_67 = tpu.vector_load %arg8[%swap3A_66] {strides = array<i32>} : memref<80xi32, #tpu.memory_space<vmem>>, vector<16xi32>,
    %swap3A_68 = vector.shape_cast %swap3A_67 : vector<16xi32> to vector<16xi32>
    %swap3A_69 = vector.shape_cast %shift_right_logical3A_65 : vector<16xi32> to vector<16xi32>
    tpu.vector_store %arg8[%swap3A_66], %swap3A_69 {strides = array<i32>} : memref<80xi32, #tpu.memory_space<vmem>>, vector<16xi32>,
    %and3A_70 = arith.constant 16383 : i32
    %and3A_71 = vector.broadcast %and3A_70 : i32 to vector<16xi32>
    %and3A_72 = arith.andi %get3A_62, %and3A_71 : vector<16xi32>
    %swap3A_73 = arith.constant 48 : index
    %swap3A_74 = tpu.vector_load %arg9[%swap3A_73] {strides = array<i32>} : memref<80xi32, #tpu.memory_space<vmem>>, vector<16xi32>,
    %swap3A_75 = vector.shape_cast %swap3A_74 : vector<16xi32> to vector<16xi32>
    %swap3A_76 = vector.shape_cast %and3A_72 : vector<16xi32> to vector<16xi32>
    tpu.vector_store %arg9[%swap3A_73], %swap3A_76 {strides = array<i32>} : memref<80xi32, #tpu.memory_space<vmem>>, vector<16xi32>,
    %get3A_77 = arith.constant 0 : i32
    %get3A_78 = arith.index_cast %get3A_77 : i32 to index
    %get3A_79 = arith.constant 64 : index
    %get3A_80 = tpu.vector_load %arg7[%get3A_78, %get3A_79] {strides = array<i32>} : memref<128x80xi32, #tpu.memory_space<vmem>>, vector<1x16xi32>,
    %get3A_81 = vector.shape_cast %get3A_80 : vector<1x16xi32> to vector<16xi32>
    %shift_right_logical3A_82 = arith.constant 14 : i32
    %shift_right_logical3A_83 = vector.broadcast %shift_right_logical3A_82 : i32 to vector<16xi32>
    %shift_right_logical3A_84 = arith.shrui %get3A_81, %shift_right_logical3A_83 : vector<16xi32>
    %swap3A_85 = arith.constant 64 : index
    %swap3A_86 = tpu.vector_load %arg8[%swap3A_85] {strides = array<i32>} : memref<80xi32, #tpu.memory_space<vmem>>, vector<16xi32>,
    %swap3A_87 = vector.shape_cast %swap3A_86 : vector<16xi32> to vector<16xi32>
    %swap3A_88 = vector.shape_cast %shift_right_logical3A_84 : vector<16xi32> to vector<16xi32>
    tpu.vector_store %arg8[%swap3A_85], %swap3A_88 {strides = array<i32>} : memref<80xi32, #tpu.memory_space<vmem>>, vector<16xi32>,
    %and3A_89 = arith.constant 16383 : i32
    %and3A_90 = vector.broadcast %and3A_89 : i32 to vector<16xi32>
    %and3A_91 = arith.andi %get3A_81, %and3A_90 : vector<16xi32>
    %swap3A_92 = arith.constant 64 : index
    %swap3A_93 = tpu.vector_load %arg9[%swap3A_92] {strides = array<i32>} : memref<80xi32, #tpu.memory_space<vmem>>, vector<16xi32>,
    %swap3A_94 = vector.shape_cast %swap3A_93 : vector<16xi32> to vector<16xi32>
    %swap3A_95 = vector.shape_cast %and3A_91 : vector<16xi32> to vector<16xi32>
    tpu.vector_store %arg9[%swap3A_92], %swap3A_95 {strides = array<i32>} : memref<80xi32, #tpu.memory_space<vmem>>, vector<16xi32>,
    %dma_start3A = arith.constant 0 : i32
    %dma_start3A_96 = arith.constant 0 : i32
    %dma_start3A_97 = tpu.memref_slice %arg2[%dma_start3A, %dma_start3A_96] : memref<10000x128xf32, #tpu.memory_space<hbm>> -> memref<10000x128xf32, #tpu.memory_space<hbm>>
    tpu.enqueue_indirect_dma source(%dma_start3A_97 : memref<10000x128xf32, #tpu.memory_space<hbm>>) target(%arg12 : memref<80x128xf32, #tpu.memory_space<vmem>>) offsets(%arg8 : memref<80xi32, #tpu.memory_space<vmem>>) semaphore(%arg14 : memref<!tpu.dma_semaphore, #tpu.memory_space<semaphore_mem>>)
    %get3A_98 = arith.constant 1 : i32
    %get3A_99 = arith.index_cast %get3A_98 : i32 to index
    %get3A_100 = arith.constant 0 : index
    %get3A_101 = tpu.vector_load %arg7[%get3A_99, %get3A_100] {strides = array<i32>} : memref<128x80xi32, #tpu.memory_space<vmem>>, vector<1x16xi32>,
    %get3A_102 = vector.shape_cast %get3A_101 : vector<1x16xi32> to vector<16xi32>
    %shift_right_logical3A_103 = arith.constant 14 : i32
    %shift_right_logical3A_104 = vector.broadcast %shift_right_logical3A_103 : i32 to vector<16xi32>
    %shift_right_logical3A_105 = arith.shrui %get3A_102, %shift_right_logical3A_104 : vector<16xi32>
    %swap3A_106 = arith.constant 0 : index
    %swap3A_107 = tpu.vector_load %arg10[%swap3A_106] {strides = array<i32>} : memref<80xi32, #tpu.memory_space<vmem>>, vector<16xi32>,
    %swap3A_108 = vector.shape_cast %swap3A_107 : vector<16xi32> to vector<16xi32>
    %swap3A_109 = vector.shape_cast %shift_right_logical3A_105 : vector<16xi32> to vector<16xi32>
    tpu.vector_store %arg10[%swap3A_106], %swap3A_109 {strides = array<i32>} : memref<80xi32, #tpu.memory_space<vmem>>, vector<16xi32>,
    %and3A_110 = arith.constant 16383 : i32
    %and3A_111 = vector.broadcast %and3A_110 : i32 to vector<16xi32>
    %and3A_112 = arith.andi %get3A_102, %and3A_111 : vector<16xi32>
    %swap3A_113 = arith.constant 0 : index
    %swap3A_114 = tpu.vector_load %arg11[%swap3A_113] {strides = array<i32>} : memref<80xi32, #tpu.memory_space<vmem>>, vector<16xi32>,
    %swap3A_115 = vector.shape_cast %swap3A_114 : vector<16xi32> to vector<16xi32>
    %swap3A_116 = vector.shape_cast %and3A_112 : vector<16xi32> to vector<16xi32>
    tpu.vector_store %arg11[%swap3A_113], %swap3A_116 {strides = array<i32>} : memref<80xi32, #tpu.memory_space<vmem>>, vector<16xi32>,
    %get3A_117 = arith.constant 1 : i32
    %get3A_118 = arith.index_cast %get3A_117 : i32 to index
    %get3A_119 = arith.constant 16 : index
    %get3A_120 = tpu.vector_load %arg7[%get3A_118, %get3A_119] {strides = array<i32>} : memref<128x80xi32, #tpu.memory_space<vmem>>, vector<1x16xi32>,
    %get3A_121 = vector.shape_cast %get3A_120 : vector<1x16xi32> to vector<16xi32>
    %shift_right_logical3A_122 = arith.constant 14 : i32
    %shift_right_logical3A_123 = vector.broadcast %shift_right_logical3A_122 : i32 to vector<16xi32>
    %shift_right_logical3A_124 = arith.shrui %get3A_121, %shift_right_logical3A_123 : vector<16xi32>
    %swap3A_125 = arith.constant 16 : index
    %swap3A_126 = tpu.vector_load %arg10[%swap3A_125] {strides = array<i32>} : memref<80xi32, #tpu.memory_space<vmem>>, vector<16xi32>,
    %swap3A_127 = vector.shape_cast %swap3A_126 : vector<16xi32> to vector<16xi32>
    %swap3A_128 = vector.shape_cast %shift_right_logical3A_124 : vector<16xi32> to vector<16xi32>
    tpu.vector_store %arg10[%swap3A_125], %swap3A_128 {strides = array<i32>} : memref<80xi32, #tpu.memory_space<vmem>>, vector<16xi32>,
    %and3A_129 = arith.constant 16383 : i32
    %and3A_130 = vector.broadcast %and3A_129 : i32 to vector<16xi32>
    %and3A_131 = arith.andi %get3A_121, %and3A_130 : vector<16xi32>
    %swap3A_132 = arith.constant 16 : index
    %swap3A_133 = tpu.vector_load %arg11[%swap3A_132] {strides = array<i32>} : memref<80xi32, #tpu.memory_space<vmem>>, vector<16xi32>,
    %swap3A_134 = vector.shape_cast %swap3A_133 : vector<16xi32> to vector<16xi32>
    %swap3A_135 = vector.shape_cast %and3A_131 : vector<16xi32> to vector<16xi32>
    tpu.vector_store %arg11[%swap3A_132], %swap3A_135 {strides = array<i32>} : memref<80xi32, #tpu.memory_space<vmem>>, vector<16xi32>,
    %get3A_136 = arith.constant 1 : i32
    %get3A_137 = arith.index_cast %get3A_136 : i32 to index
    %get3A_138 = arith.constant 32 : index
    %get3A_139 = tpu.vector_load %arg7[%get3A_137, %get3A_138] {strides = array<i32>} : memref<128x80xi32, #tpu.memory_space<vmem>>, vector<1x16xi32>,
    %get3A_140 = vector.shape_cast %get3A_139 : vector<1x16xi32> to vector<16xi32>
    %shift_right_logical3A_141 = arith.constant 14 : i32
    %shift_right_logical3A_142 = vector.broadcast %shift_right_logical3A_141 : i32 to vector<16xi32>
    %shift_right_logical3A_143 = arith.shrui %get3A_140, %shift_right_logical3A_142 : vector<16xi32>
    %swap3A_144 = arith.constant 32 : index
    %swap3A_145 = tpu.vector_load %arg10[%swap3A_144] {strides = array<i32>} : memref<80xi32, #tpu.memory_space<vmem>>, vector<16xi32>,
    %swap3A_146 = vector.shape_cast %swap3A_145 : vector<16xi32> to vector<16xi32>
    %swap3A_147 = vector.shape_cast %shift_right_logical3A_143 : vector<16xi32> to vector<16xi32>
    tpu.vector_store %arg10[%swap3A_144], %swap3A_147 {strides = array<i32>} : memref<80xi32, #tpu.memory_space<vmem>>, vector<16xi32>,
    %and3A_148 = arith.constant 16383 : i32
    %and3A_149 = vector.broadcast %and3A_148 : i32 to vector<16xi32>
    %and3A_150 = arith.andi %get3A_140, %and3A_149 : vector<16xi32>
    %swap3A_151 = arith.constant 32 : index
    %swap3A_152 = tpu.vector_load %arg11[%swap3A_151] {strides = array<i32>} : memref<80xi32, #tpu.memory_space<vmem>>, vector<16xi32>,
    %swap3A_153 = vector.shape_cast %swap3A_152 : vector<16xi32> to vector<16xi32>
    %swap3A_154 = vector.shape_cast %and3A_150 : vector<16xi32> to vector<16xi32>
    tpu.vector_store %arg11[%swap3A_151], %swap3A_154 {strides = array<i32>} : memref<80xi32, #tpu.memory_space<vmem>>, vector<16xi32>,
    %get3A_155 = arith.constant 1 : i32
    %get3A_156 = arith.index_cast %get3A_155 : i32 to index
    %get3A_157 = arith.constant 48 : index
    %get3A_158 = tpu.vector_load %arg7[%get3A_156, %get3A_157] {strides = array<i32>} : memref<128x80xi32, #tpu.memory_space<vmem>>, vector<1x16xi32>,
    %get3A_159 = vector.shape_cast %get3A_158 : vector<1x16xi32> to vector<16xi32>
    %shift_right_logical3A_160 = arith.constant 14 : i32
    %shift_right_logical3A_161 = vector.broadcast %shift_right_logical3A_160 : i32 to vector<16xi32>
    %shift_right_logical3A_162 = arith.shrui %get3A_159, %shift_right_logical3A_161 : vector<16xi32>
    %swap3A_163 = arith.constant 48 : index
    %swap3A_164 = tpu.vector_load %arg10[%swap3A_163] {strides = array<i32>} : memref<80xi32, #tpu.memory_space<vmem>>, vector<16xi32>,
    %swap3A_165 = vector.shape_cast %swap3A_164 : vector<16xi32> to vector<16xi32>
    %swap3A_166 = vector.shape_cast %shift_right_logical3A_162 : vector<16xi32> to vector<16xi32>
    tpu.vector_store %arg10[%swap3A_163], %swap3A_166 {strides = array<i32>} : memref<80xi32, #tpu.memory_space<vmem>>, vector<16xi32>,
    %and3A_167 = arith.constant 16383 : i32
    %and3A_168 = vector.broadcast %and3A_167 : i32 to vector<16xi32>
    %and3A_169 = arith.andi %get3A_159, %and3A_168 : vector<16xi32>
    %swap3A_170 = arith.constant 48 : index
    %swap3A_171 = tpu.vector_load %arg11[%swap3A_170] {strides = array<i32>} : memref<80xi32, #tpu.memory_space<vmem>>, vector<16xi32>,
    %swap3A_172 = vector.shape_cast %swap3A_171 : vector<16xi32> to vector<16xi32>
    %swap3A_173 = vector.shape_cast %and3A_169 : vector<16xi32> to vector<16xi32>
    tpu.vector_store %arg11[%swap3A_170], %swap3A_173 {strides = array<i32>} : memref<80xi32, #tpu.memory_space<vmem>>, vector<16xi32>,
    %get3A_174 = arith.constant 1 : i32
    %get3A_175 = arith.index_cast %get3A_174 : i32 to index
    %get3A_176 = arith.constant 64 : index
    %get3A_177 = tpu.vector_load %arg7[%get3A_175, %get3A_176] {strides = array<i32>} : memref<128x80xi32, #tpu.memory_space<vmem>>, vector<1x16xi32>,
    %get3A_178 = vector.shape_cast %get3A_177 : vector<1x16xi32> to vector<16xi32>
    %shift_right_logical3A_179 = arith.constant 14 : i32
    %shift_right_logical3A_180 = vector.broadcast %shift_right_logical3A_179 : i32 to vector<16xi32>
    %shift_right_logical3A_181 = arith.shrui %get3A_178, %shift_right_logical3A_180 : vector<16xi32>
    %swap3A_182 = arith.constant 64 : index
    %swap3A_183 = tpu.vector_load %arg10[%swap3A_182] {strides = array<i32>} : memref<80xi32, #tpu.memory_space<vmem>>, vector<16xi32>,
    %swap3A_184 = vector.shape_cast %swap3A_183 : vector<16xi32> to vector<16xi32>
    %swap3A_185 = vector.shape_cast %shift_right_logical3A_181 : vector<16xi32> to vector<16xi32>
    tpu.vector_store %arg10[%swap3A_182], %swap3A_185 {strides = array<i32>} : memref<80xi32, #tpu.memory_space<vmem>>, vector<16xi32>,
    %and3A_186 = arith.constant 16383 : i32
    %and3A_187 = vector.broadcast %and3A_186 : i32 to vector<16xi32>
    %and3A_188 = arith.andi %get3A_178, %and3A_187 : vector<16xi32>
    %swap3A_189 = arith.constant 64 : index
    %swap3A_190 = tpu.vector_load %arg11[%swap3A_189] {strides = array<i32>} : memref<80xi32, #tpu.memory_space<vmem>>, vector<16xi32>,
    %swap3A_191 = vector.shape_cast %swap3A_190 : vector<16xi32> to vector<16xi32>
    %swap3A_192 = vector.shape_cast %and3A_188 : vector<16xi32> to vector<16xi32>
    tpu.vector_store %arg11[%swap3A_189], %swap3A_192 {strides = array<i32>} : memref<80xi32, #tpu.memory_space<vmem>>, vector<16xi32>,
    %dma_start3A_193 = arith.constant 0 : i32
    %dma_start3A_194 = arith.constant 0 : i32
    %dma_start3A_195 = tpu.memref_slice %arg2[%dma_start3A_193, %dma_start3A_194] : memref<10000x128xf32, #tpu.memory_space<hbm>> -> memref<10000x128xf32, #tpu.memory_space<hbm>>
    tpu.enqueue_indirect_dma source(%dma_start3A_195 : memref<10000x128xf32, #tpu.memory_space<hbm>>) target(%arg13 : memref<80x128xf32, #tpu.memory_space<vmem>>) offsets(%arg10 : memref<80xi32, #tpu.memory_space<vmem>>) semaphore(%arg15 : memref<!tpu.dma_semaphore, #tpu.memory_space<semaphore_mem>>)
    %scan3A = arith.constant 0 : i32
    %scan3A_196 = arith.constant 0 : i32
    %scan3A_197 = arith.constant 64 : i32
    %scan3A_198 = arith.addi %scan3A_196, %scan3A_197 : i32
    %scan3A_199 = arith.constant 1 : i32
    scf.for %scan3A_211 = %scan3A_196 to %scan3A_198 step %scan3A_199  : i32 {
      %mul3A_212 = arith.constant 2 : i32
      %mul3A_213 = arith.muli %mul3A_212, %scan3A_211 : i32
      %dma_wait3A_214 = arith.constant 0 : i32
      %dma_wait3A_215 = arith.constant 0 : i32
      %dma_wait3A_216 = tpu.memref_slice %arg2[%dma_wait3A_214, %dma_wait3A_215] : memref<10000x128xf32, #tpu.memory_space<hbm>> -> memref<10000x128xf32, #tpu.memory_space<hbm>>
      tpu.wait_indirect_dma semaphore(%arg14 : memref<!tpu.dma_semaphore, #tpu.memory_space<semaphore_mem>>) src(%dma_wait3A_216 : memref<10000x128xf32, #tpu.memory_space<hbm>>) dst(%arg12 : memref<80x128xf32, #tpu.memory_space<vmem>>)
      "tpu.region"() ({
        %run_scoped3A = tpu.sem_alloc : memref<!tpu.dma_semaphore, #tpu.memory_space<semaphore_mem>>
        %dma_start3A_413 = arith.constant 0 : i32
        %dma_start3A_414 = arith.constant 0 : i32
        %dma_start3A_415 = tpu.memref_slice %arg6[%dma_start3A_413, %dma_start3A_414] : memref<10240x128xf32, #tpu.memory_space<vmem_shared>> -> memref<10240x128xf32, #tpu.memory_space<vmem_shared>>
        tpu.enqueue_indirect_dma source(%arg12 : memref<80x128xf32, #tpu.memory_space<vmem>>) target(%dma_start3A_415 : memref<10240x128xf32, #tpu.memory_space<vmem_shared>>) offsets(%arg9 : memref<80xi32, #tpu.memory_space<vmem>>) semaphore(%run_scoped3A : memref<!tpu.dma_semaphore, #tpu.memory_space<semaphore_mem>>) {add = true}
        %dma_wait3A_416 = arith.constant 0 : i32
        %dma_wait3A_417 = arith.constant 0 : i32
        %dma_wait3A_418 = tpu.memref_slice %arg6[%dma_wait3A_416, %dma_wait3A_417] : memref<10240x128xf32, #tpu.memory_space<vmem_shared>> -> memref<10240x128xf32, #tpu.memory_space<vmem_shared>>
        tpu.wait_indirect_dma semaphore(%run_scoped3A : memref<!tpu.dma_semaphore, #tpu.memory_space<semaphore_mem>>) src(%arg12 : memref<80x128xf32, #tpu.memory_space<vmem>>) dst(%dma_wait3A_418 : memref<10240x128xf32, #tpu.memory_space<vmem_shared>>)
        tpu.yield
      }) : () -> ()
      %add3A_217 = arith.constant 2 : i32
      %add3A_218 = arith.addi %mul3A_213, %add3A_217 : i32
      %rem3A = arith.constant 128 : i32
      %rem3A_219 = arith.remsi %add3A_218, %rem3A : i32
      %get3A_220 = arith.index_cast %rem3A_219 : i32 to index
      %get3A_221 = arith.constant 0 : index
      %get3A_222 = tpu.vector_load %arg7[%get3A_220, %get3A_221] {strides = array<i32>} : memref<128x80xi32, #tpu.memory_space<vmem>>, vector<1x16xi32>,
      %get3A_223 = vector.shape_cast %get3A_222 : vector<1x16xi32> to vector<16xi32>
      %shift_right_logical3A_224 = arith.constant 14 : i32
      %shift_right_logical3A_225 = vector.broadcast %shift_right_logical3A_224 : i32 to vector<16xi32>
      %shift_right_logical3A_226 = arith.shrui %get3A_223, %shift_right_logical3A_225 : vector<16xi32>
      %swap3A_227 = arith.constant 0 : index
      %swap3A_228 = tpu.vector_load %arg8[%swap3A_227] {strides = array<i32>} : memref<80xi32, #tpu.memory_space<vmem>>, vector<16xi32>,
      %swap3A_229 = vector.shape_cast %swap3A_228 : vector<16xi32> to vector<16xi32>
      %swap3A_230 = vector.shape_cast %shift_right_logical3A_226 : vector<16xi32> to vector<16xi32>
      tpu.vector_store %arg8[%swap3A_227], %swap3A_230 {strides = array<i32>} : memref<80xi32, #tpu.memory_space<vmem>>, vector<16xi32>,
      %and3A_231 = arith.constant 16383 : i32
      %and3A_232 = vector.broadcast %and3A_231 : i32 to vector<16xi32>
      %and3A_233 = arith.andi %get3A_223, %and3A_232 : vector<16xi32>
      %swap3A_234 = arith.constant 0 : index
      %swap3A_235 = tpu.vector_load %arg9[%swap3A_234] {strides = array<i32>} : memref<80xi32, #tpu.memory_space<vmem>>, vector<16xi32>,
      %swap3A_236 = vector.shape_cast %swap3A_235 : vector<16xi32> to vector<16xi32>
      %swap3A_237 = vector.shape_cast %and3A_233 : vector<16xi32> to vector<16xi32>
      tpu.vector_store %arg9[%swap3A_234], %swap3A_237 {strides = array<i32>} : memref<80xi32, #tpu.memory_space<vmem>>, vector<16xi32>,
      %get3A_238 = arith.index_cast %rem3A_219 : i32 to index
      %get3A_239 = arith.constant 16 : index
      %get3A_240 = tpu.vector_load %arg7[%get3A_238, %get3A_239] {strides = array<i32>} : memref<128x80xi32, #tpu.memory_space<vmem>>, vector<1x16xi32>,
      %get3A_241 = vector.shape_cast %get3A_240 : vector<1x16xi32> to vector<16xi32>
      %shift_right_logical3A_242 = arith.constant 14 : i32
      %shift_right_logical3A_243 = vector.broadcast %shift_right_logical3A_242 : i32 to vector<16xi32>
      %shift_right_logical3A_244 = arith.shrui %get3A_241, %shift_right_logical3A_243 : vector<16xi32>
      %swap3A_245 = arith.constant 16 : index
      %swap3A_246 = tpu.vector_load %arg8[%swap3A_245] {strides = array<i32>} : memref<80xi32, #tpu.memory_space<vmem>>, vector<16xi32>,
      %swap3A_247 = vector.shape_cast %swap3A_246 : vector<16xi32> to vector<16xi32>
      %swap3A_248 = vector.shape_cast %shift_right_logical3A_244 : vector<16xi32> to vector<16xi32>
      tpu.vector_store %arg8[%swap3A_245], %swap3A_248 {strides = array<i32>} : memref<80xi32, #tpu.memory_space<vmem>>, vector<16xi32>,
      %and3A_249 = arith.constant 16383 : i32
      %and3A_250 = vector.broadcast %and3A_249 : i32 to vector<16xi32>
      %and3A_251 = arith.andi %get3A_241, %and3A_250 : vector<16xi32>
      %swap3A_252 = arith.constant 16 : index
      %swap3A_253 = tpu.vector_load %arg9[%swap3A_252] {strides = array<i32>} : memref<80xi32, #tpu.memory_space<vmem>>, vector<16xi32>,
      %swap3A_254 = vector.shape_cast %swap3A_253 : vector<16xi32> to vector<16xi32>
      %swap3A_255 = vector.shape_cast %and3A_251 : vector<16xi32> to vector<16xi32>
      tpu.vector_store %arg9[%swap3A_252], %swap3A_255 {strides = array<i32>} : memref<80xi32, #tpu.memory_space<vmem>>, vector<16xi32>,
      %get3A_256 = arith.index_cast %rem3A_219 : i32 to index
      %get3A_257 = arith.constant 32 : index
      %get3A_258 = tpu.vector_load %arg7[%get3A_256, %get3A_257] {strides = array<i32>} : memref<128x80xi32, #tpu.memory_space<vmem>>, vector<1x16xi32>,
      %get3A_259 = vector.shape_cast %get3A_258 : vector<1x16xi32> to vector<16xi32>
      %shift_right_logical3A_260 = arith.constant 14 : i32
      %shift_right_logical3A_261 = vector.broadcast %shift_right_logical3A_260 : i32 to vector<16xi32>
      %shift_right_logical3A_262 = arith.shrui %get3A_259, %shift_right_logical3A_261 : vector<16xi32>
      %swap3A_263 = arith.constant 32 : index
      %swap3A_264 = tpu.vector_load %arg8[%swap3A_263] {strides = array<i32>} : memref<80xi32, #tpu.memory_space<vmem>>, vector<16xi32>,
      %swap3A_265 = vector.shape_cast %swap3A_264 : vector<16xi32> to vector<16xi32>
      %swap3A_266 = vector.shape_cast %shift_right_logical3A_262 : vector<16xi32> to vector<16xi32>
      tpu.vector_store %arg8[%swap3A_263], %swap3A_266 {strides = array<i32>} : memref<80xi32, #tpu.memory_space<vmem>>, vector<16xi32>,
      %and3A_267 = arith.constant 16383 : i32
      %and3A_268 = vector.broadcast %and3A_267 : i32 to vector<16xi32>
      %and3A_269 = arith.andi %get3A_259, %and3A_268 : vector<16xi32>
      %swap3A_270 = arith.constant 32 : index
      %swap3A_271 = tpu.vector_load %arg9[%swap3A_270] {strides = array<i32>} : memref<80xi32, #tpu.memory_space<vmem>>, vector<16xi32>,
      %swap3A_272 = vector.shape_cast %swap3A_271 : vector<16xi32> to vector<16xi32>
      %swap3A_273 = vector.shape_cast %and3A_269 : vector<16xi32> to vector<16xi32>
      tpu.vector_store %arg9[%swap3A_270], %swap3A_273 {strides = array<i32>} : memref<80xi32, #tpu.memory_space<vmem>>, vector<16xi32>,
      %get3A_274 = arith.index_cast %rem3A_219 : i32 to index
      %get3A_275 = arith.constant 48 : index
      %get3A_276 = tpu.vector_load %arg7[%get3A_274, %get3A_275] {strides = array<i32>} : memref<128x80xi32, #tpu.memory_space<vmem>>, vector<1x16xi32>,
      %get3A_277 = vector.shape_cast %get3A_276 : vector<1x16xi32> to vector<16xi32>
      %shift_right_logical3A_278 = arith.constant 14 : i32
      %shift_right_logical3A_279 = vector.broadcast %shift_right_logical3A_278 : i32 to vector<16xi32>
      %shift_right_logical3A_280 = arith.shrui %get3A_277, %shift_right_logical3A_279 : vector<16xi32>
      %swap3A_281 = arith.constant 48 : index
      %swap3A_282 = tpu.vector_load %arg8[%swap3A_281] {strides = array<i32>} : memref<80xi32, #tpu.memory_space<vmem>>, vector<16xi32>,
      %swap3A_283 = vector.shape_cast %swap3A_282 : vector<16xi32> to vector<16xi32>
      %swap3A_284 = vector.shape_cast %shift_right_logical3A_280 : vector<16xi32> to vector<16xi32>
      tpu.vector_store %arg8[%swap3A_281], %swap3A_284 {strides = array<i32>} : memref<80xi32, #tpu.memory_space<vmem>>, vector<16xi32>,
      %and3A_285 = arith.constant 16383 : i32
      %and3A_286 = vector.broadcast %and3A_285 : i32 to vector<16xi32>
      %and3A_287 = arith.andi %get3A_277, %and3A_286 : vector<16xi32>
      %swap3A_288 = arith.constant 48 : index
      %swap3A_289 = tpu.vector_load %arg9[%swap3A_288] {strides = array<i32>} : memref<80xi32, #tpu.memory_space<vmem>>, vector<16xi32>,
      %swap3A_290 = vector.shape_cast %swap3A_289 : vector<16xi32> to vector<16xi32>
      %swap3A_291 = vector.shape_cast %and3A_287 : vector<16xi32> to vector<16xi32>
      tpu.vector_store %arg9[%swap3A_288], %swap3A_291 {strides = array<i32>} : memref<80xi32, #tpu.memory_space<vmem>>, vector<16xi32>,
      %get3A_292 = arith.index_cast %rem3A_219 : i32 to index
      %get3A_293 = arith.constant 64 : index
      %get3A_294 = tpu.vector_load %arg7[%get3A_292, %get3A_293] {strides = array<i32>} : memref<128x80xi32, #tpu.memory_space<vmem>>, vector<1x16xi32>,
      %get3A_295 = vector.shape_cast %get3A_294 : vector<1x16xi32> to vector<16xi32>
      %shift_right_logical3A_296 = arith.constant 14 : i32
      %shift_right_logical3A_297 = vector.broadcast %shift_right_logical3A_296 : i32 to vector<16xi32>
      %shift_right_logical3A_298 = arith.shrui %get3A_295, %shift_right_logical3A_297 : vector<16xi32>
      %swap3A_299 = arith.constant 64 : index
      %swap3A_300 = tpu.vector_load %arg8[%swap3A_299] {strides = array<i32>} : memref<80xi32, #tpu.memory_space<vmem>>, vector<16xi32>,
      %swap3A_301 = vector.shape_cast %swap3A_300 : vector<16xi32> to vector<16xi32>
      %swap3A_302 = vector.shape_cast %shift_right_logical3A_298 : vector<16xi32> to vector<16xi32>
      tpu.vector_store %arg8[%swap3A_299], %swap3A_302 {strides = array<i32>} : memref<80xi32, #tpu.memory_space<vmem>>, vector<16xi32>,
      %and3A_303 = arith.constant 16383 : i32
      %and3A_304 = vector.broadcast %and3A_303 : i32 to vector<16xi32>
      %and3A_305 = arith.andi %get3A_295, %and3A_304 : vector<16xi32>
      %swap3A_306 = arith.constant 64 : index
      %swap3A_307 = tpu.vector_load %arg9[%swap3A_306] {strides = array<i32>} : memref<80xi32, #tpu.memory_space<vmem>>, vector<16xi32>,
      %swap3A_308 = vector.shape_cast %swap3A_307 : vector<16xi32> to vector<16xi32>
      %swap3A_309 = vector.shape_cast %and3A_305 : vector<16xi32> to vector<16xi32>
      tpu.vector_store %arg9[%swap3A_306], %swap3A_309 {strides = array<i32>} : memref<80xi32, #tpu.memory_space<vmem>>, vector<16xi32>,
      %dma_start3A_310 = arith.constant 0 : i32
      %dma_start3A_311 = arith.constant 0 : i32
      %dma_start3A_312 = tpu.memref_slice %arg2[%dma_start3A_310, %dma_start3A_311] : memref<10000x128xf32, #tpu.memory_space<hbm>> -> memref<10000x128xf32, #tpu.memory_space<hbm>>
      tpu.enqueue_indirect_dma source(%dma_start3A_312 : memref<10000x128xf32, #tpu.memory_space<hbm>>) target(%arg12 : memref<80x128xf32, #tpu.memory_space<vmem>>) offsets(%arg8 : memref<80xi32, #tpu.memory_space<vmem>>) semaphore(%arg14 : memref<!tpu.dma_semaphore, #tpu.memory_space<semaphore_mem>>)
      %dma_wait3A_313 = arith.constant 0 : i32
      %dma_wait3A_314 = arith.constant 0 : i32
      %dma_wait3A_315 = tpu.memref_slice %arg2[%dma_wait3A_313, %dma_wait3A_314] : memref<10000x128xf32, #tpu.memory_space<hbm>> -> memref<10000x128xf32, #tpu.memory_space<hbm>>
      tpu.wait_indirect_dma semaphore(%arg15 : memref<!tpu.dma_semaphore, #tpu.memory_space<semaphore_mem>>) src(%dma_wait3A_315 : memref<10000x128xf32, #tpu.memory_space<hbm>>) dst(%arg13 : memref<80x128xf32, #tpu.memory_space<vmem>>)
      "tpu.region"() ({
        %run_scoped3A = tpu.sem_alloc : memref<!tpu.dma_semaphore, #tpu.memory_space<semaphore_mem>>
        %dma_start3A_413 = arith.constant 0 : i32
        %dma_start3A_414 = arith.constant 0 : i32
        %dma_start3A_415 = tpu.memref_slice %arg6[%dma_start3A_413, %dma_start3A_414] : memref<10240x128xf32, #tpu.memory_space<vmem_shared>> -> memref<10240x128xf32, #tpu.memory_space<vmem_shared>>
        tpu.enqueue_indirect_dma source(%arg13 : memref<80x128xf32, #tpu.memory_space<vmem>>) target(%dma_start3A_415 : memref<10240x128xf32, #tpu.memory_space<vmem_shared>>) offsets(%arg11 : memref<80xi32, #tpu.memory_space<vmem>>) semaphore(%run_scoped3A : memref<!tpu.dma_semaphore, #tpu.memory_space<semaphore_mem>>) {add = true}
        %dma_wait3A_416 = arith.constant 0 : i32
        %dma_wait3A_417 = arith.constant 0 : i32
        %dma_wait3A_418 = tpu.memref_slice %arg6[%dma_wait3A_416, %dma_wait3A_417] : memref<10240x128xf32, #tpu.memory_space<vmem_shared>> -> memref<10240x128xf32, #tpu.memory_space<vmem_shared>>
        tpu.wait_indirect_dma semaphore(%run_scoped3A : memref<!tpu.dma_semaphore, #tpu.memory_space<semaphore_mem>>) src(%arg13 : memref<80x128xf32, #tpu.memory_space<vmem>>) dst(%dma_wait3A_418 : memref<10240x128xf32, #tpu.memory_space<vmem_shared>>)
        tpu.yield
      }) : () -> ()
      %add3A_316 = arith.constant 3 : i32
      %add3A_317 = arith.addi %mul3A_213, %add3A_316 : i32
      %rem3A_318 = arith.constant 128 : i32
      %rem3A_319 = arith.remsi %add3A_317, %rem3A_318 : i32
      %get3A_320 = arith.index_cast %rem3A_319 : i32 to index
      %get3A_321 = arith.constant 0 : index
      %get3A_322 = tpu.vector_load %arg7[%get3A_320, %get3A_321] {strides = array<i32>} : memref<128x80xi32, #tpu.memory_space<vmem>>, vector<1x16xi32>,
      %get3A_323 = vector.shape_cast %get3A_322 : vector<1x16xi32> to vector<16xi32>
      %shift_right_logical3A_324 = arith.constant 14 : i32
      %shift_right_logical3A_325 = vector.broadcast %shift_right_logical3A_324 : i32 to vector<16xi32>
      %shift_right_logical3A_326 = arith.shrui %get3A_323, %shift_right_logical3A_325 : vector<16xi32>
      %swap3A_327 = arith.constant 0 : index
      %swap3A_328 = tpu.vector_load %arg10[%swap3A_327] {strides = array<i32>} : memref<80xi32, #tpu.memory_space<vmem>>, vector<16xi32>,
      %swap3A_329 = vector.shape_cast %swap3A_328 : vector<16xi32> to vector<16xi32>
      %swap3A_330 = vector.shape_cast %shift_right_logical3A_326 : vector<16xi32> to vector<16xi32>
      tpu.vector_store %arg10[%swap3A_327], %swap3A_330 {strides = array<i32>} : memref<80xi32, #tpu.memory_space<vmem>>, vector<16xi32>,
      %and3A_331 = arith.constant 16383 : i32
      %and3A_332 = vector.broadcast %and3A_331 : i32 to vector<16xi32>
      %and3A_333 = arith.andi %get3A_323, %and3A_332 : vector<16xi32>
      %swap3A_334 = arith.constant 0 : index
      %swap3A_335 = tpu.vector_load %arg11[%swap3A_334] {strides = array<i32>} : memref<80xi32, #tpu.memory_space<vmem>>, vector<16xi32>,
      %swap3A_336 = vector.shape_cast %swap3A_335 : vector<16xi32> to vector<16xi32>
      %swap3A_337 = vector.shape_cast %and3A_333 : vector<16xi32> to vector<16xi32>
      tpu.vector_store %arg11[%swap3A_334], %swap3A_337 {strides = array<i32>} : memref<80xi32, #tpu.memory_space<vmem>>, vector<16xi32>,
      %get3A_338 = arith.index_cast %rem3A_319 : i32 to index
      %get3A_339 = arith.constant 16 : index
      %get3A_340 = tpu.vector_load %arg7[%get3A_338, %get3A_339] {strides = array<i32>} : memref<128x80xi32, #tpu.memory_space<vmem>>, vector<1x16xi32>,
      %get3A_341 = vector.shape_cast %get3A_340 : vector<1x16xi32> to vector<16xi32>
      %shift_right_logical3A_342 = arith.constant 14 : i32
      %shift_right_logical3A_343 = vector.broadcast %shift_right_logical3A_342 : i32 to vector<16xi32>
      %shift_right_logical3A_344 = arith.shrui %get3A_341, %shift_right_logical3A_343 : vector<16xi32>
      %swap3A_345 = arith.constant 16 : index
      %swap3A_346 = tpu.vector_load %arg10[%swap3A_345] {strides = array<i32>} : memref<80xi32, #tpu.memory_space<vmem>>, vector<16xi32>,
      %swap3A_347 = vector.shape_cast %swap3A_346 : vector<16xi32> to vector<16xi32>
      %swap3A_348 = vector.shape_cast %shift_right_logical3A_344 : vector<16xi32> to vector<16xi32>
      tpu.vector_store %arg10[%swap3A_345], %swap3A_348 {strides = array<i32>} : memref<80xi32, #tpu.memory_space<vmem>>, vector<16xi32>,
      %and3A_349 = arith.constant 16383 : i32
      %and3A_350 = vector.broadcast %and3A_349 : i32 to vector<16xi32>
      %and3A_351 = arith.andi %get3A_341, %and3A_350 : vector<16xi32>
      %swap3A_352 = arith.constant 16 : index
      %swap3A_353 = tpu.vector_load %arg11[%swap3A_352] {strides = array<i32>} : memref<80xi32, #tpu.memory_space<vmem>>, vector<16xi32>,
      %swap3A_354 = vector.shape_cast %swap3A_353 : vector<16xi32> to vector<16xi32>
      %swap3A_355 = vector.shape_cast %and3A_351 : vector<16xi32> to vector<16xi32>
      tpu.vector_store %arg11[%swap3A_352], %swap3A_355 {strides = array<i32>} : memref<80xi32, #tpu.memory_space<vmem>>, vector<16xi32>,
      %get3A_356 = arith.index_cast %rem3A_319 : i32 to index
      %get3A_357 = arith.constant 32 : index
      %get3A_358 = tpu.vector_load %arg7[%get3A_356, %get3A_357] {strides = array<i32>} : memref<128x80xi32, #tpu.memory_space<vmem>>, vector<1x16xi32>,
      %get3A_359 = vector.shape_cast %get3A_358 : vector<1x16xi32> to vector<16xi32>
      %shift_right_logical3A_360 = arith.constant 14 : i32
      %shift_right_logical3A_361 = vector.broadcast %shift_right_logical3A_360 : i32 to vector<16xi32>
      %shift_right_logical3A_362 = arith.shrui %get3A_359, %shift_right_logical3A_361 : vector<16xi32>
      %swap3A_363 = arith.constant 32 : index
      %swap3A_364 = tpu.vector_load %arg10[%swap3A_363] {strides = array<i32>} : memref<80xi32, #tpu.memory_space<vmem>>, vector<16xi32>,
      %swap3A_365 = vector.shape_cast %swap3A_364 : vector<16xi32> to vector<16xi32>
      %swap3A_366 = vector.shape_cast %shift_right_logical3A_362 : vector<16xi32> to vector<16xi32>
      tpu.vector_store %arg10[%swap3A_363], %swap3A_366 {strides = array<i32>} : memref<80xi32, #tpu.memory_space<vmem>>, vector<16xi32>,
      %and3A_367 = arith.constant 16383 : i32
      %and3A_368 = vector.broadcast %and3A_367 : i32 to vector<16xi32>
      %and3A_369 = arith.andi %get3A_359, %and3A_368 : vector<16xi32>
      %swap3A_370 = arith.constant 32 : index
      %swap3A_371 = tpu.vector_load %arg11[%swap3A_370] {strides = array<i32>} : memref<80xi32, #tpu.memory_space<vmem>>, vector<16xi32>,
      %swap3A_372 = vector.shape_cast %swap3A_371 : vector<16xi32> to vector<16xi32>
      %swap3A_373 = vector.shape_cast %and3A_369 : vector<16xi32> to vector<16xi32>
      tpu.vector_store %arg11[%swap3A_370], %swap3A_373 {strides = array<i32>} : memref<80xi32, #tpu.memory_space<vmem>>, vector<16xi32>,
      %get3A_374 = arith.index_cast %rem3A_319 : i32 to index
      %get3A_375 = arith.constant 48 : index
      %get3A_376 = tpu.vector_load %arg7[%get3A_374, %get3A_375] {strides = array<i32>} : memref<128x80xi32, #tpu.memory_space<vmem>>, vector<1x16xi32>,
      %get3A_377 = vector.shape_cast %get3A_376 : vector<1x16xi32> to vector<16xi32>
      %shift_right_logical3A_378 = arith.constant 14 : i32
      %shift_right_logical3A_379 = vector.broadcast %shift_right_logical3A_378 : i32 to vector<16xi32>
      %shift_right_logical3A_380 = arith.shrui %get3A_377, %shift_right_logical3A_379 : vector<16xi32>
      %swap3A_381 = arith.constant 48 : index
      %swap3A_382 = tpu.vector_load %arg10[%swap3A_381] {strides = array<i32>} : memref<80xi32, #tpu.memory_space<vmem>>, vector<16xi32>,
      %swap3A_383 = vector.shape_cast %swap3A_382 : vector<16xi32> to vector<16xi32>
      %swap3A_384 = vector.shape_cast %shift_right_logical3A_380 : vector<16xi32> to vector<16xi32>
      tpu.vector_store %arg10[%swap3A_381], %swap3A_384 {strides = array<i32>} : memref<80xi32, #tpu.memory_space<vmem>>, vector<16xi32>,
      %and3A_385 = arith.constant 16383 : i32
      %and3A_386 = vector.broadcast %and3A_385 : i32 to vector<16xi32>
      %and3A_387 = arith.andi %get3A_377, %and3A_386 : vector<16xi32>
      %swap3A_388 = arith.constant 48 : index
      %swap3A_389 = tpu.vector_load %arg11[%swap3A_388] {strides = array<i32>} : memref<80xi32, #tpu.memory_space<vmem>>, vector<16xi32>,
      %swap3A_390 = vector.shape_cast %swap3A_389 : vector<16xi32> to vector<16xi32>
      %swap3A_391 = vector.shape_cast %and3A_387 : vector<16xi32> to vector<16xi32>
      tpu.vector_store %arg11[%swap3A_388], %swap3A_391 {strides = array<i32>} : memref<80xi32, #tpu.memory_space<vmem>>, vector<16xi32>,
      %get3A_392 = arith.index_cast %rem3A_319 : i32 to index
      %get3A_393 = arith.constant 64 : index
      %get3A_394 = tpu.vector_load %arg7[%get3A_392, %get3A_393] {strides = array<i32>} : memref<128x80xi32, #tpu.memory_space<vmem>>, vector<1x16xi32>,
      %get3A_395 = vector.shape_cast %get3A_394 : vector<1x16xi32> to vector<16xi32>
      %shift_right_logical3A_396 = arith.constant 14 : i32
      %shift_right_logical3A_397 = vector.broadcast %shift_right_logical3A_396 : i32 to vector<16xi32>
      %shift_right_logical3A_398 = arith.shrui %get3A_395, %shift_right_logical3A_397 : vector<16xi32>
      %swap3A_399 = arith.constant 64 : index
      %swap3A_400 = tpu.vector_load %arg10[%swap3A_399] {strides = array<i32>} : memref<80xi32, #tpu.memory_space<vmem>>, vector<16xi32>,
      %swap3A_401 = vector.shape_cast %swap3A_400 : vector<16xi32> to vector<16xi32>
      %swap3A_402 = vector.shape_cast %shift_right_logical3A_398 : vector<16xi32> to vector<16xi32>
      tpu.vector_store %arg10[%swap3A_399], %swap3A_402 {strides = array<i32>} : memref<80xi32, #tpu.memory_space<vmem>>, vector<16xi32>,
      %and3A_403 = arith.constant 16383 : i32
      %and3A_404 = vector.broadcast %and3A_403 : i32 to vector<16xi32>
      %and3A_405 = arith.andi %get3A_395, %and3A_404 : vector<16xi32>
      %swap3A_406 = arith.constant 64 : index
      %swap3A_407 = tpu.vector_load %arg11[%swap3A_406] {strides = array<i32>} : memref<80xi32, #tpu.memory_space<vmem>>, vector<16xi32>,
      %swap3A_408 = vector.shape_cast %swap3A_407 : vector<16xi32> to vector<16xi32>
      %swap3A_409 = vector.shape_cast %and3A_405 : vector<16xi32> to vector<16xi32>
      tpu.vector_store %arg11[%swap3A_406], %swap3A_409 {strides = array<i32>} : memref<80xi32, #tpu.memory_space<vmem>>, vector<16xi32>,
      %dma_start3A_410 = arith.constant 0 : i32
      %dma_start3A_411 = arith.constant 0 : i32
      %dma_start3A_412 = tpu.memref_slice %arg2[%dma_start3A_410, %dma_start3A_411] : memref<10000x128xf32, #tpu.memory_space<hbm>> -> memref<10000x128xf32, #tpu.memory_space<hbm>>
      tpu.enqueue_indirect_dma source(%dma_start3A_412 : memref<10000x128xf32, #tpu.memory_space<hbm>>) target(%arg13 : memref<80x128xf32, #tpu.memory_space<vmem>>) offsets(%arg10 : memref<80xi32, #tpu.memory_space<vmem>>) semaphore(%arg15 : memref<!tpu.dma_semaphore, #tpu.memory_space<semaphore_mem>>)
    }
    %scan3A_200 = arith.constant 64 : i32
    %dma_wait3A = arith.constant 0 : i32
    %dma_wait3A_201 = arith.constant 0 : i32
    %dma_wait3A_202 = tpu.memref_slice %arg2[%dma_wait3A, %dma_wait3A_201] : memref<10000x128xf32, #tpu.memory_space<hbm>> -> memref<10000x128xf32, #tpu.memory_space<hbm>>
    tpu.wait_indirect_dma semaphore(%arg14 : memref<!tpu.dma_semaphore, #tpu.memory_space<semaphore_mem>>) src(%dma_wait3A_202 : memref<10000x128xf32, #tpu.memory_space<hbm>>) dst(%arg12 : memref<80x128xf32, #tpu.memory_space<vmem>>)
    %dma_wait3A_203 = arith.constant 0 : i32
    %dma_wait3A_204 = arith.constant 0 : i32
    %dma_wait3A_205 = tpu.memref_slice %arg2[%dma_wait3A_203, %dma_wait3A_204] : memref<10000x128xf32, #tpu.memory_space<hbm>> -> memref<10000x128xf32, #tpu.memory_space<hbm>>
    tpu.wait_indirect_dma semaphore(%arg15 : memref<!tpu.dma_semaphore, #tpu.memory_space<semaphore_mem>>) src(%dma_wait3A_205 : memref<10000x128xf32, #tpu.memory_space<hbm>>) dst(%arg13 : memref<80x128xf32, #tpu.memory_space<vmem>>)
    %barrier3A_206 = arith.constant 0 : index
    tpu.barrier barrier_id(%barrier3A_206)
    %mul3A_207 = arith.constant 640 : i32
    %mul3A_208 = arith.muli %arg1, %mul3A_207 : i32
    %mul3A_209 = arith.constant 640 : i32
    %mul3A_210 = arith.muli %arg1, %mul3A_209 : i32
    "tpu.region"() ({
      %run_scoped3A = tpu.sem_alloc : memref<!tpu.dma_semaphore, #tpu.memory_space<semaphore_mem>>
      %dma_start3A_211 = arith.constant 0 : i32
      %dma_start3A_212 = tpu.memref_slice %arg5[%arg0, %mul3A_210, %dma_start3A_211] : memref<2x10240x128xf32, #tpu.memory_space<hbm>> -> memref<1x640x128xf32, #tpu.memory_space<hbm>>
      %dma_start3A_213 = tpu.memref_squeeze %dma_start3A_212 : memref<1x640x128xf32, #tpu.memory_space<hbm>> -> memref<640x128xf32, #tpu.memory_space<hbm>>
      %dma_start3A_214 = arith.constant 0 : i32
      %dma_start3A_215 = tpu.memref_slice %arg6[%mul3A_208, %dma_start3A_214] : memref<10240x128xf32, #tpu.memory_space<vmem_shared>> -> memref<640x128xf32, #tpu.memory_space<vmem_shared>>
      tpu.enqueue_dma source(%dma_start3A_215 : memref<640x128xf32, #tpu.memory_space<vmem_shared>>) target(%dma_start3A_213 : memref<640x128xf32, #tpu.memory_space<hbm>>) target_semaphore(%run_scoped3A : memref<!tpu.dma_semaphore, #tpu.memory_space<semaphore_mem>>)
      %dma_wait3A_216 = arith.constant 0 : i32
      %dma_wait3A_217 = tpu.memref_slice %arg5[%arg0, %mul3A_210, %dma_wait3A_216] : memref<2x10240x128xf32, #tpu.memory_space<hbm>> -> memref<1x640x128xf32, #tpu.memory_space<hbm>>
      %dma_wait3A_218 = tpu.memref_squeeze %dma_wait3A_217 : memref<1x640x128xf32, #tpu.memory_space<hbm>> -> memref<640x128xf32, #tpu.memory_space<hbm>>
      %dma_wait3A_219 = arith.constant 0 : i32
      %dma_wait3A_220 = tpu.memref_slice %arg6[%mul3A_208, %dma_wait3A_219] : memref<10240x128xf32, #tpu.memory_space<vmem_shared>> -> memref<640x128xf32, #tpu.memory_space<vmem_shared>>
      tpu.wait_dma2 semaphore(%run_scoped3A : memref<!tpu.dma_semaphore, #tpu.memory_space<semaphore_mem>>) src(%dma_wait3A_220 : memref<640x128xf32, #tpu.memory_space<vmem_shared>>) dst(%dma_wait3A_218 : memref<640x128xf32, #tpu.memory_space<hbm>>)
      tpu.yield
    }) : () -> ()
    return
  }
}

#map = affine_map<(d0, d1) -> (0, 0)>
#map1 = affine_map<(d0, d1) -> (0, 0, 0)>
module attributes {stable_mosaic.version = 14 : i64} {
  func.func @_edge_body(%arg0: i32, %arg1: i32, %arg2: memref<10000x128xf32, #tpu.memory_space<hbm>>, %arg3: memref<32x128x80xi32, #tpu.memory_space<hbm>>, %arg4: memref<10240x128xf32, #tpu.memory_space<hbm>>, %arg5: memref<2x10240x128xf32, #tpu.memory_space<hbm>>, %arg6: memref<10240x128xf32, #tpu.memory_space<vmem_shared>>, %arg7: memref<128x80xi32, #tpu.memory_space<vmem>>, %arg8: memref<80xi32, #tpu.memory_space<vmem>>, %arg9: memref<80xi32, #tpu.memory_space<vmem>>, %arg10: memref<80xi32, #tpu.memory_space<vmem>>, %arg11: memref<80xi32, #tpu.memory_space<vmem>>, %arg12: memref<80x128xf32, #tpu.memory_space<vmem>>, %arg13: memref<80x128xf32, #tpu.memory_space<vmem>>, %arg14: memref<!tpu.dma_semaphore, #tpu.memory_space<semaphore_mem>>, %arg15: memref<!tpu.dma_semaphore, #tpu.memory_space<semaphore_mem>>) attributes {dimension_semantics = [#tpu.dimension_semantics<core_parallel>, #tpu.dimension_semantics<subcore_parallel>], iteration_bounds = array<i64: 2, 16>, scalar_prefetch = 0 : i64, scratch_operands = 10 : i64, tpu.core_type = #tpu.core_type<sc_vector_subcore>, window_params = [{transform_indices = #map}, {transform_indices = #map1}, {transform_indices = #map}, {transform_indices = #map1}]} {
    %mul3A = arith.constant 16 : i32
    %mul3A_0 = arith.muli %arg0, %mul3A : i32
    %add3A = arith.addi %mul3A_0, %arg1 : i32
    %mul3A_1 = arith.constant 640 : i32
    %mul3A_2 = arith.muli %arg1, %mul3A_1 : i32
    %mul3A_3 = arith.constant 640 : i32
    %mul3A_4 = arith.muli %arg1, %mul3A_3 : i32
    "tpu.region"() ({
      %run_scoped3A = tpu.sem_alloc : memref<!tpu.dma_semaphore, #tpu.memory_space<semaphore_mem>>
      %dma_start3A_211 = arith.constant 0 : i32
      %dma_start3A_212 = tpu.memref_slice %arg6[%mul3A_4, %dma_start3A_211] : memref<10240x128xf32, #tpu.memory_space<vmem_shared>> -> memref<640x128xf32, #tpu.memory_space<vmem_shared>>
      %dma_start3A_213 = arith.constant 0 : i32
      %dma_start3A_214 = tpu.memref_slice %arg4[%mul3A_2, %dma_start3A_213] : memref<10240x128xf32, #tpu.memory_space<hbm>> -> memref<640x128xf32, #tpu.memory_space<hbm>>
      tpu.enqueue_dma source(%dma_start3A_214 : memref<640x128xf32, #tpu.memory_space<hbm>>) target(%dma_start3A_212 : memref<640x128xf32, #tpu.memory_space<vmem_shared>>) target_semaphore(%run_scoped3A : memref<!tpu.dma_semaphore, #tpu.memory_space<semaphore_mem>>)
      %dma_wait3A_215 = arith.constant 0 : i32
      %dma_wait3A_216 = tpu.memref_slice %arg6[%mul3A_4, %dma_wait3A_215] : memref<10240x128xf32, #tpu.memory_space<vmem_shared>> -> memref<640x128xf32, #tpu.memory_space<vmem_shared>>
      %dma_wait3A_217 = arith.constant 0 : i32
      %dma_wait3A_218 = tpu.memref_slice %arg4[%mul3A_2, %dma_wait3A_217] : memref<10240x128xf32, #tpu.memory_space<hbm>> -> memref<640x128xf32, #tpu.memory_space<hbm>>
      tpu.wait_dma2 semaphore(%run_scoped3A : memref<!tpu.dma_semaphore, #tpu.memory_space<semaphore_mem>>) src(%dma_wait3A_218 : memref<640x128xf32, #tpu.memory_space<hbm>>) dst(%dma_wait3A_216 : memref<640x128xf32, #tpu.memory_space<vmem_shared>>)
      tpu.yield
    }) : () -> ()
    "tpu.region"() ({
      %run_scoped3A = tpu.sem_alloc : memref<!tpu.dma_semaphore, #tpu.memory_space<semaphore_mem>>
      %dma_start3A_211 = arith.constant 0 : i32
      %dma_start3A_212 = arith.constant 0 : i32
      %dma_start3A_213 = tpu.memref_slice %arg3[%add3A, %dma_start3A_211, %dma_start3A_212] : memref<32x128x80xi32, #tpu.memory_space<hbm>> -> memref<1x128x80xi32, #tpu.memory_space<hbm>>
      %dma_start3A_214 = tpu.memref_squeeze %dma_start3A_213 : memref<1x128x80xi32, #tpu.memory_space<hbm>> -> memref<128x80xi32, #tpu.memory_space<hbm>>
      %dma_start3A_215 = arith.constant 0 : i32
      %dma_start3A_216 = arith.constant 0 : i32
      %dma_start3A_217 = tpu.memref_slice %arg3[%add3A, %dma_start3A_215, %dma_start3A_216] : memref<32x128x80xi32, #tpu.memory_space<hbm>> -> memref<1x128x80xi32, #tpu.memory_space<hbm>>
      %dma_start3A_218 = tpu.memref_squeeze %dma_start3A_217 : memref<1x128x80xi32, #tpu.memory_space<hbm>> -> memref<128x80xi32, #tpu.memory_space<hbm>>
      tpu.enqueue_dma source(%dma_start3A_218 : memref<128x80xi32, #tpu.memory_space<hbm>>) target(%arg7 : memref<128x80xi32, #tpu.memory_space<vmem>>) target_semaphore(%run_scoped3A : memref<!tpu.dma_semaphore, #tpu.memory_space<semaphore_mem>>)
      %dma_wait3A_219 = arith.constant 0 : i32
      %dma_wait3A_220 = arith.constant 0 : i32
      %dma_wait3A_221 = tpu.memref_slice %arg3[%add3A, %dma_wait3A_219, %dma_wait3A_220] : memref<32x128x80xi32, #tpu.memory_space<hbm>> -> memref<1x128x80xi32, #tpu.memory_space<hbm>>
      %dma_wait3A_222 = tpu.memref_squeeze %dma_wait3A_221 : memref<1x128x80xi32, #tpu.memory_space<hbm>> -> memref<128x80xi32, #tpu.memory_space<hbm>>
      %dma_wait3A_223 = arith.constant 0 : i32
      %dma_wait3A_224 = arith.constant 0 : i32
      %dma_wait3A_225 = tpu.memref_slice %arg3[%add3A, %dma_wait3A_223, %dma_wait3A_224] : memref<32x128x80xi32, #tpu.memory_space<hbm>> -> memref<1x128x80xi32, #tpu.memory_space<hbm>>
      %dma_wait3A_226 = tpu.memref_squeeze %dma_wait3A_225 : memref<1x128x80xi32, #tpu.memory_space<hbm>> -> memref<128x80xi32, #tpu.memory_space<hbm>>
      tpu.wait_dma2 semaphore(%run_scoped3A : memref<!tpu.dma_semaphore, #tpu.memory_space<semaphore_mem>>) src(%dma_wait3A_226 : memref<128x80xi32, #tpu.memory_space<hbm>>) dst(%arg7 : memref<128x80xi32, #tpu.memory_space<vmem>>)
      tpu.yield
    }) : () -> ()
    %barrier3A = arith.constant 0 : index
    tpu.barrier barrier_id(%barrier3A)
    %get3A = arith.constant 0 : i32
    %get3A_5 = arith.index_cast %get3A : i32 to index
    %get3A_6 = arith.constant 0 : index
    %get3A_7 = tpu.vector_load %arg7[%get3A_5, %get3A_6] {strides = array<i32>} : memref<128x80xi32, #tpu.memory_space<vmem>>, vector<1x16xi32>,
    %get3A_8 = vector.shape_cast %get3A_7 : vector<1x16xi32> to vector<16xi32>
    %shift_right_logical3A = arith.constant 14 : i32
    %shift_right_logical3A_9 = vector.broadcast %shift_right_logical3A : i32 to vector<16xi32>
    %shift_right_logical3A_10 = arith.shrui %get3A_8, %shift_right_logical3A_9 : vector<16xi32>
    %swap3A = arith.constant 0 : index
    %swap3A_11 = tpu.vector_load %arg8[%swap3A] {strides = array<i32>} : memref<80xi32, #tpu.memory_space<vmem>>, vector<16xi32>,
    %swap3A_12 = vector.shape_cast %swap3A_11 : vector<16xi32> to vector<16xi32>
    %swap3A_13 = vector.shape_cast %shift_right_logical3A_10 : vector<16xi32> to vector<16xi32>
    tpu.vector_store %arg8[%swap3A], %swap3A_13 {strides = array<i32>} : memref<80xi32, #tpu.memory_space<vmem>>, vector<16xi32>,
    %and3A = arith.constant 16383 : i32
    %and3A_14 = vector.broadcast %and3A : i32 to vector<16xi32>
    %and3A_15 = arith.andi %get3A_8, %and3A_14 : vector<16xi32>
    %swap3A_16 = arith.constant 0 : index
    %swap3A_17 = tpu.vector_load %arg9[%swap3A_16] {strides = array<i32>} : memref<80xi32, #tpu.memory_space<vmem>>, vector<16xi32>,
    %swap3A_18 = vector.shape_cast %swap3A_17 : vector<16xi32> to vector<16xi32>
    %swap3A_19 = vector.shape_cast %and3A_15 : vector<16xi32> to vector<16xi32>
    tpu.vector_store %arg9[%swap3A_16], %swap3A_19 {strides = array<i32>} : memref<80xi32, #tpu.memory_space<vmem>>, vector<16xi32>,
    %get3A_20 = arith.constant 0 : i32
    %get3A_21 = arith.index_cast %get3A_20 : i32 to index
    %get3A_22 = arith.constant 16 : index
    %get3A_23 = tpu.vector_load %arg7[%get3A_21, %get3A_22] {strides = array<i32>} : memref<128x80xi32, #tpu.memory_space<vmem>>, vector<1x16xi32>,
    %get3A_24 = vector.shape_cast %get3A_23 : vector<1x16xi32> to vector<16xi32>
    %shift_right_logical3A_25 = arith.constant 14 : i32
    %shift_right_logical3A_26 = vector.broadcast %shift_right_logical3A_25 : i32 to vector<16xi32>
    %shift_right_logical3A_27 = arith.shrui %get3A_24, %shift_right_logical3A_26 : vector<16xi32>
    %swap3A_28 = arith.constant 16 : index
    %swap3A_29 = tpu.vector_load %arg8[%swap3A_28] {strides = array<i32>} : memref<80xi32, #tpu.memory_space<vmem>>, vector<16xi32>,
    %swap3A_30 = vector.shape_cast %swap3A_29 : vector<16xi32> to vector<16xi32>
    %swap3A_31 = vector.shape_cast %shift_right_logical3A_27 : vector<16xi32> to vector<16xi32>
    tpu.vector_store %arg8[%swap3A_28], %swap3A_31 {strides = array<i32>} : memref<80xi32, #tpu.memory_space<vmem>>, vector<16xi32>,
    %and3A_32 = arith.constant 16383 : i32
    %and3A_33 = vector.broadcast %and3A_32 : i32 to vector<16xi32>
    %and3A_34 = arith.andi %get3A_24, %and3A_33 : vector<16xi32>
    %swap3A_35 = arith.constant 16 : index
    %swap3A_36 = tpu.vector_load %arg9[%swap3A_35] {strides = array<i32>} : memref<80xi32, #tpu.memory_space<vmem>>, vector<16xi32>,
    %swap3A_37 = vector.shape_cast %swap3A_36 : vector<16xi32> to vector<16xi32>
    %swap3A_38 = vector.shape_cast %and3A_34 : vector<16xi32> to vector<16xi32>
    tpu.vector_store %arg9[%swap3A_35], %swap3A_38 {strides = array<i32>} : memref<80xi32, #tpu.memory_space<vmem>>, vector<16xi32>,
    %get3A_39 = arith.constant 0 : i32
    %get3A_40 = arith.index_cast %get3A_39 : i32 to index
    %get3A_41 = arith.constant 32 : index
    %get3A_42 = tpu.vector_load %arg7[%get3A_40, %get3A_41] {strides = array<i32>} : memref<128x80xi32, #tpu.memory_space<vmem>>, vector<1x16xi32>,
    %get3A_43 = vector.shape_cast %get3A_42 : vector<1x16xi32> to vector<16xi32>
    %shift_right_logical3A_44 = arith.constant 14 : i32
    %shift_right_logical3A_45 = vector.broadcast %shift_right_logical3A_44 : i32 to vector<16xi32>
    %shift_right_logical3A_46 = arith.shrui %get3A_43, %shift_right_logical3A_45 : vector<16xi32>
    %swap3A_47 = arith.constant 32 : index
    %swap3A_48 = tpu.vector_load %arg8[%swap3A_47] {strides = array<i32>} : memref<80xi32, #tpu.memory_space<vmem>>, vector<16xi32>,
    %swap3A_49 = vector.shape_cast %swap3A_48 : vector<16xi32> to vector<16xi32>
    %swap3A_50 = vector.shape_cast %shift_right_logical3A_46 : vector<16xi32> to vector<16xi32>
    tpu.vector_store %arg8[%swap3A_47], %swap3A_50 {strides = array<i32>} : memref<80xi32, #tpu.memory_space<vmem>>, vector<16xi32>,
    %and3A_51 = arith.constant 16383 : i32
    %and3A_52 = vector.broadcast %and3A_51 : i32 to vector<16xi32>
    %and3A_53 = arith.andi %get3A_43, %and3A_52 : vector<16xi32>
    %swap3A_54 = arith.constant 32 : index
    %swap3A_55 = tpu.vector_load %arg9[%swap3A_54] {strides = array<i32>} : memref<80xi32, #tpu.memory_space<vmem>>, vector<16xi32>,
    %swap3A_56 = vector.shape_cast %swap3A_55 : vector<16xi32> to vector<16xi32>
    %swap3A_57 = vector.shape_cast %and3A_53 : vector<16xi32> to vector<16xi32>
    tpu.vector_store %arg9[%swap3A_54], %swap3A_57 {strides = array<i32>} : memref<80xi32, #tpu.memory_space<vmem>>, vector<16xi32>,
    %get3A_58 = arith.constant 0 : i32
    %get3A_59 = arith.index_cast %get3A_58 : i32 to index
    %get3A_60 = arith.constant 48 : index
    %get3A_61 = tpu.vector_load %arg7[%get3A_59, %get3A_60] {strides = array<i32>} : memref<128x80xi32, #tpu.memory_space<vmem>>, vector<1x16xi32>,
    %get3A_62 = vector.shape_cast %get3A_61 : vector<1x16xi32> to vector<16xi32>
    %shift_right_logical3A_63 = arith.constant 14 : i32
    %shift_right_logical3A_64 = vector.broadcast %shift_right_logical3A_63 : i32 to vector<16xi32>
    %shift_right_logical3A_65 = arith.shrui %get3A_62, %shift_right_logical3A_64 : vector<16xi32>
    %swap3A_66 = arith.constant 48 : index
    %swap3A_67 = tpu.vector_load %arg8[%swap3A_66] {strides = array<i32>} : memref<80xi32, #tpu.memory_space<vmem>>, vector<16xi32>,
    %swap3A_68 = vector.shape_cast %swap3A_67 : vector<16xi32> to vector<16xi32>
    %swap3A_69 = vector.shape_cast %shift_right_logical3A_65 : vector<16xi32> to vector<16xi32>
    tpu.vector_store %arg8[%swap3A_66], %swap3A_69 {strides = array<i32>} : memref<80xi32, #tpu.memory_space<vmem>>, vector<16xi32>,
    %and3A_70 = arith.constant 16383 : i32
    %and3A_71 = vector.broadcast %and3A_70 : i32 to vector<16xi32>
    %and3A_72 = arith.andi %get3A_62, %and3A_71 : vector<16xi32>
    %swap3A_73 = arith.constant 48 : index
    %swap3A_74 = tpu.vector_load %arg9[%swap3A_73] {strides = array<i32>} : memref<80xi32, #tpu.memory_space<vmem>>, vector<16xi32>,
    %swap3A_75 = vector.shape_cast %swap3A_74 : vector<16xi32> to vector<16xi32>
    %swap3A_76 = vector.shape_cast %and3A_72 : vector<16xi32> to vector<16xi32>
    tpu.vector_store %arg9[%swap3A_73], %swap3A_76 {strides = array<i32>} : memref<80xi32, #tpu.memory_space<vmem>>, vector<16xi32>,
    %get3A_77 = arith.constant 0 : i32
    %get3A_78 = arith.index_cast %get3A_77 : i32 to index
    %get3A_79 = arith.constant 64 : index
    %get3A_80 = tpu.vector_load %arg7[%get3A_78, %get3A_79] {strides = array<i32>} : memref<128x80xi32, #tpu.memory_space<vmem>>, vector<1x16xi32>,
    %get3A_81 = vector.shape_cast %get3A_80 : vector<1x16xi32> to vector<16xi32>
    %shift_right_logical3A_82 = arith.constant 14 : i32
    %shift_right_logical3A_83 = vector.broadcast %shift_right_logical3A_82 : i32 to vector<16xi32>
    %shift_right_logical3A_84 = arith.shrui %get3A_81, %shift_right_logical3A_83 : vector<16xi32>
    %swap3A_85 = arith.constant 64 : index
    %swap3A_86 = tpu.vector_load %arg8[%swap3A_85] {strides = array<i32>} : memref<80xi32, #tpu.memory_space<vmem>>, vector<16xi32>,
    %swap3A_87 = vector.shape_cast %swap3A_86 : vector<16xi32> to vector<16xi32>
    %swap3A_88 = vector.shape_cast %shift_right_logical3A_84 : vector<16xi32> to vector<16xi32>
    tpu.vector_store %arg8[%swap3A_85], %swap3A_88 {strides = array<i32>} : memref<80xi32, #tpu.memory_space<vmem>>, vector<16xi32>,
    %and3A_89 = arith.constant 16383 : i32
    %and3A_90 = vector.broadcast %and3A_89 : i32 to vector<16xi32>
    %and3A_91 = arith.andi %get3A_81, %and3A_90 : vector<16xi32>
    %swap3A_92 = arith.constant 64 : index
    %swap3A_93 = tpu.vector_load %arg9[%swap3A_92] {strides = array<i32>} : memref<80xi32, #tpu.memory_space<vmem>>, vector<16xi32>,
    %swap3A_94 = vector.shape_cast %swap3A_93 : vector<16xi32> to vector<16xi32>
    %swap3A_95 = vector.shape_cast %and3A_91 : vector<16xi32> to vector<16xi32>
    tpu.vector_store %arg9[%swap3A_92], %swap3A_95 {strides = array<i32>} : memref<80xi32, #tpu.memory_space<vmem>>, vector<16xi32>,
    %dma_start3A = arith.constant 0 : i32
    %dma_start3A_96 = arith.constant 0 : i32
    %dma_start3A_97 = tpu.memref_slice %arg2[%dma_start3A, %dma_start3A_96] : memref<10000x128xf32, #tpu.memory_space<hbm>> -> memref<10000x128xf32, #tpu.memory_space<hbm>>
    tpu.enqueue_indirect_dma source(%dma_start3A_97 : memref<10000x128xf32, #tpu.memory_space<hbm>>) target(%arg12 : memref<80x128xf32, #tpu.memory_space<vmem>>) offsets(%arg8 : memref<80xi32, #tpu.memory_space<vmem>>) semaphore(%arg14 : memref<!tpu.dma_semaphore, #tpu.memory_space<semaphore_mem>>)
    %get3A_98 = arith.constant 1 : i32
    %get3A_99 = arith.index_cast %get3A_98 : i32 to index
    %get3A_100 = arith.constant 0 : index
    %get3A_101 = tpu.vector_load %arg7[%get3A_99, %get3A_100] {strides = array<i32>} : memref<128x80xi32, #tpu.memory_space<vmem>>, vector<1x16xi32>,
    %get3A_102 = vector.shape_cast %get3A_101 : vector<1x16xi32> to vector<16xi32>
    %shift_right_logical3A_103 = arith.constant 14 : i32
    %shift_right_logical3A_104 = vector.broadcast %shift_right_logical3A_103 : i32 to vector<16xi32>
    %shift_right_logical3A_105 = arith.shrui %get3A_102, %shift_right_logical3A_104 : vector<16xi32>
    %swap3A_106 = arith.constant 0 : index
    %swap3A_107 = tpu.vector_load %arg10[%swap3A_106] {strides = array<i32>} : memref<80xi32, #tpu.memory_space<vmem>>, vector<16xi32>,
    %swap3A_108 = vector.shape_cast %swap3A_107 : vector<16xi32> to vector<16xi32>
    %swap3A_109 = vector.shape_cast %shift_right_logical3A_105 : vector<16xi32> to vector<16xi32>
    tpu.vector_store %arg10[%swap3A_106], %swap3A_109 {strides = array<i32>} : memref<80xi32, #tpu.memory_space<vmem>>, vector<16xi32>,
    %and3A_110 = arith.constant 16383 : i32
    %and3A_111 = vector.broadcast %and3A_110 : i32 to vector<16xi32>
    %and3A_112 = arith.andi %get3A_102, %and3A_111 : vector<16xi32>
    %swap3A_113 = arith.constant 0 : index
    %swap3A_114 = tpu.vector_load %arg11[%swap3A_113] {strides = array<i32>} : memref<80xi32, #tpu.memory_space<vmem>>, vector<16xi32>,
    %swap3A_115 = vector.shape_cast %swap3A_114 : vector<16xi32> to vector<16xi32>
    %swap3A_116 = vector.shape_cast %and3A_112 : vector<16xi32> to vector<16xi32>
    tpu.vector_store %arg11[%swap3A_113], %swap3A_116 {strides = array<i32>} : memref<80xi32, #tpu.memory_space<vmem>>, vector<16xi32>,
    %get3A_117 = arith.constant 1 : i32
    %get3A_118 = arith.index_cast %get3A_117 : i32 to index
    %get3A_119 = arith.constant 16 : index
    %get3A_120 = tpu.vector_load %arg7[%get3A_118, %get3A_119] {strides = array<i32>} : memref<128x80xi32, #tpu.memory_space<vmem>>, vector<1x16xi32>,
    %get3A_121 = vector.shape_cast %get3A_120 : vector<1x16xi32> to vector<16xi32>
    %shift_right_logical3A_122 = arith.constant 14 : i32
    %shift_right_logical3A_123 = vector.broadcast %shift_right_logical3A_122 : i32 to vector<16xi32>
    %shift_right_logical3A_124 = arith.shrui %get3A_121, %shift_right_logical3A_123 : vector<16xi32>
    %swap3A_125 = arith.constant 16 : index
    %swap3A_126 = tpu.vector_load %arg10[%swap3A_125] {strides = array<i32>} : memref<80xi32, #tpu.memory_space<vmem>>, vector<16xi32>,
    %swap3A_127 = vector.shape_cast %swap3A_126 : vector<16xi32> to vector<16xi32>
    %swap3A_128 = vector.shape_cast %shift_right_logical3A_124 : vector<16xi32> to vector<16xi32>
    tpu.vector_store %arg10[%swap3A_125], %swap3A_128 {strides = array<i32>} : memref<80xi32, #tpu.memory_space<vmem>>, vector<16xi32>,
    %and3A_129 = arith.constant 16383 : i32
    %and3A_130 = vector.broadcast %and3A_129 : i32 to vector<16xi32>
    %and3A_131 = arith.andi %get3A_121, %and3A_130 : vector<16xi32>
    %swap3A_132 = arith.constant 16 : index
    %swap3A_133 = tpu.vector_load %arg11[%swap3A_132] {strides = array<i32>} : memref<80xi32, #tpu.memory_space<vmem>>, vector<16xi32>,
    %swap3A_134 = vector.shape_cast %swap3A_133 : vector<16xi32> to vector<16xi32>
    %swap3A_135 = vector.shape_cast %and3A_131 : vector<16xi32> to vector<16xi32>
    tpu.vector_store %arg11[%swap3A_132], %swap3A_135 {strides = array<i32>} : memref<80xi32, #tpu.memory_space<vmem>>, vector<16xi32>,
    %get3A_136 = arith.constant 1 : i32
    %get3A_137 = arith.index_cast %get3A_136 : i32 to index
    %get3A_138 = arith.constant 32 : index
    %get3A_139 = tpu.vector_load %arg7[%get3A_137, %get3A_138] {strides = array<i32>} : memref<128x80xi32, #tpu.memory_space<vmem>>, vector<1x16xi32>,
    %get3A_140 = vector.shape_cast %get3A_139 : vector<1x16xi32> to vector<16xi32>
    %shift_right_logical3A_141 = arith.constant 14 : i32
    %shift_right_logical3A_142 = vector.broadcast %shift_right_logical3A_141 : i32 to vector<16xi32>
    %shift_right_logical3A_143 = arith.shrui %get3A_140, %shift_right_logical3A_142 : vector<16xi32>
    %swap3A_144 = arith.constant 32 : index
    %swap3A_145 = tpu.vector_load %arg10[%swap3A_144] {strides = array<i32>} : memref<80xi32, #tpu.memory_space<vmem>>, vector<16xi32>,
    %swap3A_146 = vector.shape_cast %swap3A_145 : vector<16xi32> to vector<16xi32>
    %swap3A_147 = vector.shape_cast %shift_right_logical3A_143 : vector<16xi32> to vector<16xi32>
    tpu.vector_store %arg10[%swap3A_144], %swap3A_147 {strides = array<i32>} : memref<80xi32, #tpu.memory_space<vmem>>, vector<16xi32>,
    %and3A_148 = arith.constant 16383 : i32
    %and3A_149 = vector.broadcast %and3A_148 : i32 to vector<16xi32>
    %and3A_150 = arith.andi %get3A_140, %and3A_149 : vector<16xi32>
    %swap3A_151 = arith.constant 32 : index
    %swap3A_152 = tpu.vector_load %arg11[%swap3A_151] {strides = array<i32>} : memref<80xi32, #tpu.memory_space<vmem>>, vector<16xi32>,
    %swap3A_153 = vector.shape_cast %swap3A_152 : vector<16xi32> to vector<16xi32>
    %swap3A_154 = vector.shape_cast %and3A_150 : vector<16xi32> to vector<16xi32>
    tpu.vector_store %arg11[%swap3A_151], %swap3A_154 {strides = array<i32>} : memref<80xi32, #tpu.memory_space<vmem>>, vector<16xi32>,
    %get3A_155 = arith.constant 1 : i32
    %get3A_156 = arith.index_cast %get3A_155 : i32 to index
    %get3A_157 = arith.constant 48 : index
    %get3A_158 = tpu.vector_load %arg7[%get3A_156, %get3A_157] {strides = array<i32>} : memref<128x80xi32, #tpu.memory_space<vmem>>, vector<1x16xi32>,
    %get3A_159 = vector.shape_cast %get3A_158 : vector<1x16xi32> to vector<16xi32>
    %shift_right_logical3A_160 = arith.constant 14 : i32
    %shift_right_logical3A_161 = vector.broadcast %shift_right_logical3A_160 : i32 to vector<16xi32>
    %shift_right_logical3A_162 = arith.shrui %get3A_159, %shift_right_logical3A_161 : vector<16xi32>
    %swap3A_163 = arith.constant 48 : index
    %swap3A_164 = tpu.vector_load %arg10[%swap3A_163] {strides = array<i32>} : memref<80xi32, #tpu.memory_space<vmem>>, vector<16xi32>,
    %swap3A_165 = vector.shape_cast %swap3A_164 : vector<16xi32> to vector<16xi32>
    %swap3A_166 = vector.shape_cast %shift_right_logical3A_162 : vector<16xi32> to vector<16xi32>
    tpu.vector_store %arg10[%swap3A_163], %swap3A_166 {strides = array<i32>} : memref<80xi32, #tpu.memory_space<vmem>>, vector<16xi32>,
    %and3A_167 = arith.constant 16383 : i32
    %and3A_168 = vector.broadcast %and3A_167 : i32 to vector<16xi32>
    %and3A_169 = arith.andi %get3A_159, %and3A_168 : vector<16xi32>
    %swap3A_170 = arith.constant 48 : index
    %swap3A_171 = tpu.vector_load %arg11[%swap3A_170] {strides = array<i32>} : memref<80xi32, #tpu.memory_space<vmem>>, vector<16xi32>,
    %swap3A_172 = vector.shape_cast %swap3A_171 : vector<16xi32> to vector<16xi32>
    %swap3A_173 = vector.shape_cast %and3A_169 : vector<16xi32> to vector<16xi32>
    tpu.vector_store %arg11[%swap3A_170], %swap3A_173 {strides = array<i32>} : memref<80xi32, #tpu.memory_space<vmem>>, vector<16xi32>,
    %get3A_174 = arith.constant 1 : i32
    %get3A_175 = arith.index_cast %get3A_174 : i32 to index
    %get3A_176 = arith.constant 64 : index
    %get3A_177 = tpu.vector_load %arg7[%get3A_175, %get3A_176] {strides = array<i32>} : memref<128x80xi32, #tpu.memory_space<vmem>>, vector<1x16xi32>,
    %get3A_178 = vector.shape_cast %get3A_177 : vector<1x16xi32> to vector<16xi32>
    %shift_right_logical3A_179 = arith.constant 14 : i32
    %shift_right_logical3A_180 = vector.broadcast %shift_right_logical3A_179 : i32 to vector<16xi32>
    %shift_right_logical3A_181 = arith.shrui %get3A_178, %shift_right_logical3A_180 : vector<16xi32>
    %swap3A_182 = arith.constant 64 : index
    %swap3A_183 = tpu.vector_load %arg10[%swap3A_182] {strides = array<i32>} : memref<80xi32, #tpu.memory_space<vmem>>, vector<16xi32>,
    %swap3A_184 = vector.shape_cast %swap3A_183 : vector<16xi32> to vector<16xi32>
    %swap3A_185 = vector.shape_cast %shift_right_logical3A_181 : vector<16xi32> to vector<16xi32>
    tpu.vector_store %arg10[%swap3A_182], %swap3A_185 {strides = array<i32>} : memref<80xi32, #tpu.memory_space<vmem>>, vector<16xi32>,
    %and3A_186 = arith.constant 16383 : i32
    %and3A_187 = vector.broadcast %and3A_186 : i32 to vector<16xi32>
    %and3A_188 = arith.andi %get3A_178, %and3A_187 : vector<16xi32>
    %swap3A_189 = arith.constant 64 : index
    %swap3A_190 = tpu.vector_load %arg11[%swap3A_189] {strides = array<i32>} : memref<80xi32, #tpu.memory_space<vmem>>, vector<16xi32>,
    %swap3A_191 = vector.shape_cast %swap3A_190 : vector<16xi32> to vector<16xi32>
    %swap3A_192 = vector.shape_cast %and3A_188 : vector<16xi32> to vector<16xi32>
    tpu.vector_store %arg11[%swap3A_189], %swap3A_192 {strides = array<i32>} : memref<80xi32, #tpu.memory_space<vmem>>, vector<16xi32>,
    %dma_start3A_193 = arith.constant 0 : i32
    %dma_start3A_194 = arith.constant 0 : i32
    %dma_start3A_195 = tpu.memref_slice %arg2[%dma_start3A_193, %dma_start3A_194] : memref<10000x128xf32, #tpu.memory_space<hbm>> -> memref<10000x128xf32, #tpu.memory_space<hbm>>
    tpu.enqueue_indirect_dma source(%dma_start3A_195 : memref<10000x128xf32, #tpu.memory_space<hbm>>) target(%arg13 : memref<80x128xf32, #tpu.memory_space<vmem>>) offsets(%arg10 : memref<80xi32, #tpu.memory_space<vmem>>) semaphore(%arg15 : memref<!tpu.dma_semaphore, #tpu.memory_space<semaphore_mem>>)
    %scan3A = arith.constant 0 : i32
    %scan3A_196 = arith.constant 0 : i32
    %scan3A_197 = arith.constant 64 : i32
    %scan3A_198 = arith.addi %scan3A_196, %scan3A_197 : i32
    %scan3A_199 = arith.constant 1 : i32
    scf.for %scan3A_211 = %scan3A_196 to %scan3A_198 step %scan3A_199  : i32 {
      %mul3A_212 = arith.constant 2 : i32
      %mul3A_213 = arith.muli %mul3A_212, %scan3A_211 : i32
      %dma_wait3A_214 = arith.constant 0 : i32
      %dma_wait3A_215 = arith.constant 0 : i32
      %dma_wait3A_216 = tpu.memref_slice %arg2[%dma_wait3A_214, %dma_wait3A_215] : memref<10000x128xf32, #tpu.memory_space<hbm>> -> memref<10000x128xf32, #tpu.memory_space<hbm>>
      tpu.wait_indirect_dma semaphore(%arg14 : memref<!tpu.dma_semaphore, #tpu.memory_space<semaphore_mem>>) src(%dma_wait3A_216 : memref<10000x128xf32, #tpu.memory_space<hbm>>) dst(%arg12 : memref<80x128xf32, #tpu.memory_space<vmem>>)
      "tpu.region"() ({
        %run_scoped3A = tpu.sem_alloc : memref<!tpu.dma_semaphore, #tpu.memory_space<semaphore_mem>>
        %dma_start3A_413 = arith.constant 0 : i32
        %dma_start3A_414 = arith.constant 0 : i32
        %dma_start3A_415 = tpu.memref_slice %arg6[%dma_start3A_413, %dma_start3A_414] : memref<10240x128xf32, #tpu.memory_space<vmem_shared>> -> memref<10240x128xf32, #tpu.memory_space<vmem_shared>>
        tpu.enqueue_indirect_dma source(%arg12 : memref<80x128xf32, #tpu.memory_space<vmem>>) target(%dma_start3A_415 : memref<10240x128xf32, #tpu.memory_space<vmem_shared>>) offsets(%arg9 : memref<80xi32, #tpu.memory_space<vmem>>) semaphore(%run_scoped3A : memref<!tpu.dma_semaphore, #tpu.memory_space<semaphore_mem>>) {add = true}
        %dma_wait3A_416 = arith.constant 0 : i32
        %dma_wait3A_417 = arith.constant 0 : i32
        %dma_wait3A_418 = tpu.memref_slice %arg6[%dma_wait3A_416, %dma_wait3A_417] : memref<10240x128xf32, #tpu.memory_space<vmem_shared>> -> memref<10240x128xf32, #tpu.memory_space<vmem_shared>>
        tpu.wait_indirect_dma semaphore(%run_scoped3A : memref<!tpu.dma_semaphore, #tpu.memory_space<semaphore_mem>>) src(%arg12 : memref<80x128xf32, #tpu.memory_space<vmem>>) dst(%dma_wait3A_418 : memref<10240x128xf32, #tpu.memory_space<vmem_shared>>)
        tpu.yield
      }) : () -> ()
      %add3A_217 = arith.constant 2 : i32
      %add3A_218 = arith.addi %mul3A_213, %add3A_217 : i32
      %rem3A = arith.constant 128 : i32
      %rem3A_219 = arith.remsi %add3A_218, %rem3A : i32
      %get3A_220 = arith.index_cast %rem3A_219 : i32 to index
      %get3A_221 = arith.constant 0 : index
      %get3A_222 = tpu.vector_load %arg7[%get3A_220, %get3A_221] {strides = array<i32>} : memref<128x80xi32, #tpu.memory_space<vmem>>, vector<1x16xi32>,
      %get3A_223 = vector.shape_cast %get3A_222 : vector<1x16xi32> to vector<16xi32>
      %shift_right_logical3A_224 = arith.constant 14 : i32
      %shift_right_logical3A_225 = vector.broadcast %shift_right_logical3A_224 : i32 to vector<16xi32>
      %shift_right_logical3A_226 = arith.shrui %get3A_223, %shift_right_logical3A_225 : vector<16xi32>
      %swap3A_227 = arith.constant 0 : index
      %swap3A_228 = tpu.vector_load %arg8[%swap3A_227] {strides = array<i32>} : memref<80xi32, #tpu.memory_space<vmem>>, vector<16xi32>,
      %swap3A_229 = vector.shape_cast %swap3A_228 : vector<16xi32> to vector<16xi32>
      %swap3A_230 = vector.shape_cast %shift_right_logical3A_226 : vector<16xi32> to vector<16xi32>
      tpu.vector_store %arg8[%swap3A_227], %swap3A_230 {strides = array<i32>} : memref<80xi32, #tpu.memory_space<vmem>>, vector<16xi32>,
      %and3A_231 = arith.constant 16383 : i32
      %and3A_232 = vector.broadcast %and3A_231 : i32 to vector<16xi32>
      %and3A_233 = arith.andi %get3A_223, %and3A_232 : vector<16xi32>
      %swap3A_234 = arith.constant 0 : index
      %swap3A_235 = tpu.vector_load %arg9[%swap3A_234] {strides = array<i32>} : memref<80xi32, #tpu.memory_space<vmem>>, vector<16xi32>,
      %swap3A_236 = vector.shape_cast %swap3A_235 : vector<16xi32> to vector<16xi32>
      %swap3A_237 = vector.shape_cast %and3A_233 : vector<16xi32> to vector<16xi32>
      tpu.vector_store %arg9[%swap3A_234], %swap3A_237 {strides = array<i32>} : memref<80xi32, #tpu.memory_space<vmem>>, vector<16xi32>,
      %get3A_238 = arith.index_cast %rem3A_219 : i32 to index
      %get3A_239 = arith.constant 16 : index
      %get3A_240 = tpu.vector_load %arg7[%get3A_238, %get3A_239] {strides = array<i32>} : memref<128x80xi32, #tpu.memory_space<vmem>>, vector<1x16xi32>,
      %get3A_241 = vector.shape_cast %get3A_240 : vector<1x16xi32> to vector<16xi32>
      %shift_right_logical3A_242 = arith.constant 14 : i32
      %shift_right_logical3A_243 = vector.broadcast %shift_right_logical3A_242 : i32 to vector<16xi32>
      %shift_right_logical3A_244 = arith.shrui %get3A_241, %shift_right_logical3A_243 : vector<16xi32>
      %swap3A_245 = arith.constant 16 : index
      %swap3A_246 = tpu.vector_load %arg8[%swap3A_245] {strides = array<i32>} : memref<80xi32, #tpu.memory_space<vmem>>, vector<16xi32>,
      %swap3A_247 = vector.shape_cast %swap3A_246 : vector<16xi32> to vector<16xi32>
      %swap3A_248 = vector.shape_cast %shift_right_logical3A_244 : vector<16xi32> to vector<16xi32>
      tpu.vector_store %arg8[%swap3A_245], %swap3A_248 {strides = array<i32>} : memref<80xi32, #tpu.memory_space<vmem>>, vector<16xi32>,
      %and3A_249 = arith.constant 16383 : i32
      %and3A_250 = vector.broadcast %and3A_249 : i32 to vector<16xi32>
      %and3A_251 = arith.andi %get3A_241, %and3A_250 : vector<16xi32>
      %swap3A_252 = arith.constant 16 : index
      %swap3A_253 = tpu.vector_load %arg9[%swap3A_252] {strides = array<i32>} : memref<80xi32, #tpu.memory_space<vmem>>, vector<16xi32>,
      %swap3A_254 = vector.shape_cast %swap3A_253 : vector<16xi32> to vector<16xi32>
      %swap3A_255 = vector.shape_cast %and3A_251 : vector<16xi32> to vector<16xi32>
      tpu.vector_store %arg9[%swap3A_252], %swap3A_255 {strides = array<i32>} : memref<80xi32, #tpu.memory_space<vmem>>, vector<16xi32>,
      %get3A_256 = arith.index_cast %rem3A_219 : i32 to index
      %get3A_257 = arith.constant 32 : index
      %get3A_258 = tpu.vector_load %arg7[%get3A_256, %get3A_257] {strides = array<i32>} : memref<128x80xi32, #tpu.memory_space<vmem>>, vector<1x16xi32>,
      %get3A_259 = vector.shape_cast %get3A_258 : vector<1x16xi32> to vector<16xi32>
      %shift_right_logical3A_260 = arith.constant 14 : i32
      %shift_right_logical3A_261 = vector.broadcast %shift_right_logical3A_260 : i32 to vector<16xi32>
      %shift_right_logical3A_262 = arith.shrui %get3A_259, %shift_right_logical3A_261 : vector<16xi32>
      %swap3A_263 = arith.constant 32 : index
      %swap3A_264 = tpu.vector_load %arg8[%swap3A_263] {strides = array<i32>} : memref<80xi32, #tpu.memory_space<vmem>>, vector<16xi32>,
      %swap3A_265 = vector.shape_cast %swap3A_264 : vector<16xi32> to vector<16xi32>
      %swap3A_266 = vector.shape_cast %shift_right_logical3A_262 : vector<16xi32> to vector<16xi32>
      tpu.vector_store %arg8[%swap3A_263], %swap3A_266 {strides = array<i32>} : memref<80xi32, #tpu.memory_space<vmem>>, vector<16xi32>,
      %and3A_267 = arith.constant 16383 : i32
      %and3A_268 = vector.broadcast %and3A_267 : i32 to vector<16xi32>
      %and3A_269 = arith.andi %get3A_259, %and3A_268 : vector<16xi32>
      %swap3A_270 = arith.constant 32 : index
      %swap3A_271 = tpu.vector_load %arg9[%swap3A_270] {strides = array<i32>} : memref<80xi32, #tpu.memory_space<vmem>>, vector<16xi32>,
      %swap3A_272 = vector.shape_cast %swap3A_271 : vector<16xi32> to vector<16xi32>
      %swap3A_273 = vector.shape_cast %and3A_269 : vector<16xi32> to vector<16xi32>
      tpu.vector_store %arg9[%swap3A_270], %swap3A_273 {strides = array<i32>} : memref<80xi32, #tpu.memory_space<vmem>>, vector<16xi32>,
      %get3A_274 = arith.index_cast %rem3A_219 : i32 to index
      %get3A_275 = arith.constant 48 : index
      %get3A_276 = tpu.vector_load %arg7[%get3A_274, %get3A_275] {strides = array<i32>} : memref<128x80xi32, #tpu.memory_space<vmem>>, vector<1x16xi32>,
      %get3A_277 = vector.shape_cast %get3A_276 : vector<1x16xi32> to vector<16xi32>
      %shift_right_logical3A_278 = arith.constant 14 : i32
      %shift_right_logical3A_279 = vector.broadcast %shift_right_logical3A_278 : i32 to vector<16xi32>
      %shift_right_logical3A_280 = arith.shrui %get3A_277, %shift_right_logical3A_279 : vector<16xi32>
      %swap3A_281 = arith.constant 48 : index
      %swap3A_282 = tpu.vector_load %arg8[%swap3A_281] {strides = array<i32>} : memref<80xi32, #tpu.memory_space<vmem>>, vector<16xi32>,
      %swap3A_283 = vector.shape_cast %swap3A_282 : vector<16xi32> to vector<16xi32>
      %swap3A_284 = vector.shape_cast %shift_right_logical3A_280 : vector<16xi32> to vector<16xi32>
      tpu.vector_store %arg8[%swap3A_281], %swap3A_284 {strides = array<i32>} : memref<80xi32, #tpu.memory_space<vmem>>, vector<16xi32>,
      %and3A_285 = arith.constant 16383 : i32
      %and3A_286 = vector.broadcast %and3A_285 : i32 to vector<16xi32>
      %and3A_287 = arith.andi %get3A_277, %and3A_286 : vector<16xi32>
      %swap3A_288 = arith.constant 48 : index
      %swap3A_289 = tpu.vector_load %arg9[%swap3A_288] {strides = array<i32>} : memref<80xi32, #tpu.memory_space<vmem>>, vector<16xi32>,
      %swap3A_290 = vector.shape_cast %swap3A_289 : vector<16xi32> to vector<16xi32>
      %swap3A_291 = vector.shape_cast %and3A_287 : vector<16xi32> to vector<16xi32>
      tpu.vector_store %arg9[%swap3A_288], %swap3A_291 {strides = array<i32>} : memref<80xi32, #tpu.memory_space<vmem>>, vector<16xi32>,
      %get3A_292 = arith.index_cast %rem3A_219 : i32 to index
      %get3A_293 = arith.constant 64 : index
      %get3A_294 = tpu.vector_load %arg7[%get3A_292, %get3A_293] {strides = array<i32>} : memref<128x80xi32, #tpu.memory_space<vmem>>, vector<1x16xi32>,
      %get3A_295 = vector.shape_cast %get3A_294 : vector<1x16xi32> to vector<16xi32>
      %shift_right_logical3A_296 = arith.constant 14 : i32
      %shift_right_logical3A_297 = vector.broadcast %shift_right_logical3A_296 : i32 to vector<16xi32>
      %shift_right_logical3A_298 = arith.shrui %get3A_295, %shift_right_logical3A_297 : vector<16xi32>
      %swap3A_299 = arith.constant 64 : index
      %swap3A_300 = tpu.vector_load %arg8[%swap3A_299] {strides = array<i32>} : memref<80xi32, #tpu.memory_space<vmem>>, vector<16xi32>,
      %swap3A_301 = vector.shape_cast %swap3A_300 : vector<16xi32> to vector<16xi32>
      %swap3A_302 = vector.shape_cast %shift_right_logical3A_298 : vector<16xi32> to vector<16xi32>
      tpu.vector_store %arg8[%swap3A_299], %swap3A_302 {strides = array<i32>} : memref<80xi32, #tpu.memory_space<vmem>>, vector<16xi32>,
      %and3A_303 = arith.constant 16383 : i32
      %and3A_304 = vector.broadcast %and3A_303 : i32 to vector<16xi32>
      %and3A_305 = arith.andi %get3A_295, %and3A_304 : vector<16xi32>
      %swap3A_306 = arith.constant 64 : index
      %swap3A_307 = tpu.vector_load %arg9[%swap3A_306] {strides = array<i32>} : memref<80xi32, #tpu.memory_space<vmem>>, vector<16xi32>,
      %swap3A_308 = vector.shape_cast %swap3A_307 : vector<16xi32> to vector<16xi32>
      %swap3A_309 = vector.shape_cast %and3A_305 : vector<16xi32> to vector<16xi32>
      tpu.vector_store %arg9[%swap3A_306], %swap3A_309 {strides = array<i32>} : memref<80xi32, #tpu.memory_space<vmem>>, vector<16xi32>,
      %dma_start3A_310 = arith.constant 0 : i32
      %dma_start3A_311 = arith.constant 0 : i32
      %dma_start3A_312 = tpu.memref_slice %arg2[%dma_start3A_310, %dma_start3A_311] : memref<10000x128xf32, #tpu.memory_space<hbm>> -> memref<10000x128xf32, #tpu.memory_space<hbm>>
      tpu.enqueue_indirect_dma source(%dma_start3A_312 : memref<10000x128xf32, #tpu.memory_space<hbm>>) target(%arg12 : memref<80x128xf32, #tpu.memory_space<vmem>>) offsets(%arg8 : memref<80xi32, #tpu.memory_space<vmem>>) semaphore(%arg14 : memref<!tpu.dma_semaphore, #tpu.memory_space<semaphore_mem>>)
      %dma_wait3A_313 = arith.constant 0 : i32
      %dma_wait3A_314 = arith.constant 0 : i32
      %dma_wait3A_315 = tpu.memref_slice %arg2[%dma_wait3A_313, %dma_wait3A_314] : memref<10000x128xf32, #tpu.memory_space<hbm>> -> memref<10000x128xf32, #tpu.memory_space<hbm>>
      tpu.wait_indirect_dma semaphore(%arg15 : memref<!tpu.dma_semaphore, #tpu.memory_space<semaphore_mem>>) src(%dma_wait3A_315 : memref<10000x128xf32, #tpu.memory_space<hbm>>) dst(%arg13 : memref<80x128xf32, #tpu.memory_space<vmem>>)
      "tpu.region"() ({
        %run_scoped3A = tpu.sem_alloc : memref<!tpu.dma_semaphore, #tpu.memory_space<semaphore_mem>>
        %dma_start3A_413 = arith.constant 0 : i32
        %dma_start3A_414 = arith.constant 0 : i32
        %dma_start3A_415 = tpu.memref_slice %arg6[%dma_start3A_413, %dma_start3A_414] : memref<10240x128xf32, #tpu.memory_space<vmem_shared>> -> memref<10240x128xf32, #tpu.memory_space<vmem_shared>>
        tpu.enqueue_indirect_dma source(%arg13 : memref<80x128xf32, #tpu.memory_space<vmem>>) target(%dma_start3A_415 : memref<10240x128xf32, #tpu.memory_space<vmem_shared>>) offsets(%arg11 : memref<80xi32, #tpu.memory_space<vmem>>) semaphore(%run_scoped3A : memref<!tpu.dma_semaphore, #tpu.memory_space<semaphore_mem>>) {add = true}
        %dma_wait3A_416 = arith.constant 0 : i32
        %dma_wait3A_417 = arith.constant 0 : i32
        %dma_wait3A_418 = tpu.memref_slice %arg6[%dma_wait3A_416, %dma_wait3A_417] : memref<10240x128xf32, #tpu.memory_space<vmem_shared>> -> memref<10240x128xf32, #tpu.memory_space<vmem_shared>>
        tpu.wait_indirect_dma semaphore(%run_scoped3A : memref<!tpu.dma_semaphore, #tpu.memory_space<semaphore_mem>>) src(%arg13 : memref<80x128xf32, #tpu.memory_space<vmem>>) dst(%dma_wait3A_418 : memref<10240x128xf32, #tpu.memory_space<vmem_shared>>)
        tpu.yield
      }) : () -> ()
      %add3A_316 = arith.constant 3 : i32
      %add3A_317 = arith.addi %mul3A_213, %add3A_316 : i32
      %rem3A_318 = arith.constant 128 : i32
      %rem3A_319 = arith.remsi %add3A_317, %rem3A_318 : i32
      %get3A_320 = arith.index_cast %rem3A_319 : i32 to index
      %get3A_321 = arith.constant 0 : index
      %get3A_322 = tpu.vector_load %arg7[%get3A_320, %get3A_321] {strides = array<i32>} : memref<128x80xi32, #tpu.memory_space<vmem>>, vector<1x16xi32>,
      %get3A_323 = vector.shape_cast %get3A_322 : vector<1x16xi32> to vector<16xi32>
      %shift_right_logical3A_324 = arith.constant 14 : i32
      %shift_right_logical3A_325 = vector.broadcast %shift_right_logical3A_324 : i32 to vector<16xi32>
      %shift_right_logical3A_326 = arith.shrui %get3A_323, %shift_right_logical3A_325 : vector<16xi32>
      %swap3A_327 = arith.constant 0 : index
      %swap3A_328 = tpu.vector_load %arg10[%swap3A_327] {strides = array<i32>} : memref<80xi32, #tpu.memory_space<vmem>>, vector<16xi32>,
      %swap3A_329 = vector.shape_cast %swap3A_328 : vector<16xi32> to vector<16xi32>
      %swap3A_330 = vector.shape_cast %shift_right_logical3A_326 : vector<16xi32> to vector<16xi32>
      tpu.vector_store %arg10[%swap3A_327], %swap3A_330 {strides = array<i32>} : memref<80xi32, #tpu.memory_space<vmem>>, vector<16xi32>,
      %and3A_331 = arith.constant 16383 : i32
      %and3A_332 = vector.broadcast %and3A_331 : i32 to vector<16xi32>
      %and3A_333 = arith.andi %get3A_323, %and3A_332 : vector<16xi32>
      %swap3A_334 = arith.constant 0 : index
      %swap3A_335 = tpu.vector_load %arg11[%swap3A_334] {strides = array<i32>} : memref<80xi32, #tpu.memory_space<vmem>>, vector<16xi32>,
      %swap3A_336 = vector.shape_cast %swap3A_335 : vector<16xi32> to vector<16xi32>
      %swap3A_337 = vector.shape_cast %and3A_333 : vector<16xi32> to vector<16xi32>
      tpu.vector_store %arg11[%swap3A_334], %swap3A_337 {strides = array<i32>} : memref<80xi32, #tpu.memory_space<vmem>>, vector<16xi32>,
      %get3A_338 = arith.index_cast %rem3A_319 : i32 to index
      %get3A_339 = arith.constant 16 : index
      %get3A_340 = tpu.vector_load %arg7[%get3A_338, %get3A_339] {strides = array<i32>} : memref<128x80xi32, #tpu.memory_space<vmem>>, vector<1x16xi32>,
      %get3A_341 = vector.shape_cast %get3A_340 : vector<1x16xi32> to vector<16xi32>
      %shift_right_logical3A_342 = arith.constant 14 : i32
      %shift_right_logical3A_343 = vector.broadcast %shift_right_logical3A_342 : i32 to vector<16xi32>
      %shift_right_logical3A_344 = arith.shrui %get3A_341, %shift_right_logical3A_343 : vector<16xi32>
      %swap3A_345 = arith.constant 16 : index
      %swap3A_346 = tpu.vector_load %arg10[%swap3A_345] {strides = array<i32>} : memref<80xi32, #tpu.memory_space<vmem>>, vector<16xi32>,
      %swap3A_347 = vector.shape_cast %swap3A_346 : vector<16xi32> to vector<16xi32>
      %swap3A_348 = vector.shape_cast %shift_right_logical3A_344 : vector<16xi32> to vector<16xi32>
      tpu.vector_store %arg10[%swap3A_345], %swap3A_348 {strides = array<i32>} : memref<80xi32, #tpu.memory_space<vmem>>, vector<16xi32>,
      %and3A_349 = arith.constant 16383 : i32
      %and3A_350 = vector.broadcast %and3A_349 : i32 to vector<16xi32>
      %and3A_351 = arith.andi %get3A_341, %and3A_350 : vector<16xi32>
      %swap3A_352 = arith.constant 16 : index
      %swap3A_353 = tpu.vector_load %arg11[%swap3A_352] {strides = array<i32>} : memref<80xi32, #tpu.memory_space<vmem>>, vector<16xi32>,
      %swap3A_354 = vector.shape_cast %swap3A_353 : vector<16xi32> to vector<16xi32>
      %swap3A_355 = vector.shape_cast %and3A_351 : vector<16xi32> to vector<16xi32>
      tpu.vector_store %arg11[%swap3A_352], %swap3A_355 {strides = array<i32>} : memref<80xi32, #tpu.memory_space<vmem>>, vector<16xi32>,
      %get3A_356 = arith.index_cast %rem3A_319 : i32 to index
      %get3A_357 = arith.constant 32 : index
      %get3A_358 = tpu.vector_load %arg7[%get3A_356, %get3A_357] {strides = array<i32>} : memref<128x80xi32, #tpu.memory_space<vmem>>, vector<1x16xi32>,
      %get3A_359 = vector.shape_cast %get3A_358 : vector<1x16xi32> to vector<16xi32>
      %shift_right_logical3A_360 = arith.constant 14 : i32
      %shift_right_logical3A_361 = vector.broadcast %shift_right_logical3A_360 : i32 to vector<16xi32>
      %shift_right_logical3A_362 = arith.shrui %get3A_359, %shift_right_logical3A_361 : vector<16xi32>
      %swap3A_363 = arith.constant 32 : index
      %swap3A_364 = tpu.vector_load %arg10[%swap3A_363] {strides = array<i32>} : memref<80xi32, #tpu.memory_space<vmem>>, vector<16xi32>,
      %swap3A_365 = vector.shape_cast %swap3A_364 : vector<16xi32> to vector<16xi32>
      %swap3A_366 = vector.shape_cast %shift_right_logical3A_362 : vector<16xi32> to vector<16xi32>
      tpu.vector_store %arg10[%swap3A_363], %swap3A_366 {strides = array<i32>} : memref<80xi32, #tpu.memory_space<vmem>>, vector<16xi32>,
      %and3A_367 = arith.constant 16383 : i32
      %and3A_368 = vector.broadcast %and3A_367 : i32 to vector<16xi32>
      %and3A_369 = arith.andi %get3A_359, %and3A_368 : vector<16xi32>
      %swap3A_370 = arith.constant 32 : index
      %swap3A_371 = tpu.vector_load %arg11[%swap3A_370] {strides = array<i32>} : memref<80xi32, #tpu.memory_space<vmem>>, vector<16xi32>,
      %swap3A_372 = vector.shape_cast %swap3A_371 : vector<16xi32> to vector<16xi32>
      %swap3A_373 = vector.shape_cast %and3A_369 : vector<16xi32> to vector<16xi32>
      tpu.vector_store %arg11[%swap3A_370], %swap3A_373 {strides = array<i32>} : memref<80xi32, #tpu.memory_space<vmem>>, vector<16xi32>,
      %get3A_374 = arith.index_cast %rem3A_319 : i32 to index
      %get3A_375 = arith.constant 48 : index
      %get3A_376 = tpu.vector_load %arg7[%get3A_374, %get3A_375] {strides = array<i32>} : memref<128x80xi32, #tpu.memory_space<vmem>>, vector<1x16xi32>,
      %get3A_377 = vector.shape_cast %get3A_376 : vector<1x16xi32> to vector<16xi32>
      %shift_right_logical3A_378 = arith.constant 14 : i32
      %shift_right_logical3A_379 = vector.broadcast %shift_right_logical3A_378 : i32 to vector<16xi32>
      %shift_right_logical3A_380 = arith.shrui %get3A_377, %shift_right_logical3A_379 : vector<16xi32>
      %swap3A_381 = arith.constant 48 : index
      %swap3A_382 = tpu.vector_load %arg10[%swap3A_381] {strides = array<i32>} : memref<80xi32, #tpu.memory_space<vmem>>, vector<16xi32>,
      %swap3A_383 = vector.shape_cast %swap3A_382 : vector<16xi32> to vector<16xi32>
      %swap3A_384 = vector.shape_cast %shift_right_logical3A_380 : vector<16xi32> to vector<16xi32>
      tpu.vector_store %arg10[%swap3A_381], %swap3A_384 {strides = array<i32>} : memref<80xi32, #tpu.memory_space<vmem>>, vector<16xi32>,
      %and3A_385 = arith.constant 16383 : i32
      %and3A_386 = vector.broadcast %and3A_385 : i32 to vector<16xi32>
      %and3A_387 = arith.andi %get3A_377, %and3A_386 : vector<16xi32>
      %swap3A_388 = arith.constant 48 : index
      %swap3A_389 = tpu.vector_load %arg11[%swap3A_388] {strides = array<i32>} : memref<80xi32, #tpu.memory_space<vmem>>, vector<16xi32>,
      %swap3A_390 = vector.shape_cast %swap3A_389 : vector<16xi32> to vector<16xi32>
      %swap3A_391 = vector.shape_cast %and3A_387 : vector<16xi32> to vector<16xi32>
      tpu.vector_store %arg11[%swap3A_388], %swap3A_391 {strides = array<i32>} : memref<80xi32, #tpu.memory_space<vmem>>, vector<16xi32>,
      %get3A_392 = arith.index_cast %rem3A_319 : i32 to index
      %get3A_393 = arith.constant 64 : index
      %get3A_394 = tpu.vector_load %arg7[%get3A_392, %get3A_393] {strides = array<i32>} : memref<128x80xi32, #tpu.memory_space<vmem>>, vector<1x16xi32>,
      %get3A_395 = vector.shape_cast %get3A_394 : vector<1x16xi32> to vector<16xi32>
      %shift_right_logical3A_396 = arith.constant 14 : i32
      %shift_right_logical3A_397 = vector.broadcast %shift_right_logical3A_396 : i32 to vector<16xi32>
      %shift_right_logical3A_398 = arith.shrui %get3A_395, %shift_right_logical3A_397 : vector<16xi32>
      %swap3A_399 = arith.constant 64 : index
      %swap3A_400 = tpu.vector_load %arg10[%swap3A_399] {strides = array<i32>} : memref<80xi32, #tpu.memory_space<vmem>>, vector<16xi32>,
      %swap3A_401 = vector.shape_cast %swap3A_400 : vector<16xi32> to vector<16xi32>
      %swap3A_402 = vector.shape_cast %shift_right_logical3A_398 : vector<16xi32> to vector<16xi32>
      tpu.vector_store %arg10[%swap3A_399], %swap3A_402 {strides = array<i32>} : memref<80xi32, #tpu.memory_space<vmem>>, vector<16xi32>,
      %and3A_403 = arith.constant 16383 : i32
      %and3A_404 = vector.broadcast %and3A_403 : i32 to vector<16xi32>
      %and3A_405 = arith.andi %get3A_395, %and3A_404 : vector<16xi32>
      %swap3A_406 = arith.constant 64 : index
      %swap3A_407 = tpu.vector_load %arg11[%swap3A_406] {strides = array<i32>} : memref<80xi32, #tpu.memory_space<vmem>>, vector<16xi32>,
      %swap3A_408 = vector.shape_cast %swap3A_407 : vector<16xi32> to vector<16xi32>
      %swap3A_409 = vector.shape_cast %and3A_405 : vector<16xi32> to vector<16xi32>
      tpu.vector_store %arg11[%swap3A_406], %swap3A_409 {strides = array<i32>} : memref<80xi32, #tpu.memory_space<vmem>>, vector<16xi32>,
      %dma_start3A_410 = arith.constant 0 : i32
      %dma_start3A_411 = arith.constant 0 : i32
      %dma_start3A_412 = tpu.memref_slice %arg2[%dma_start3A_410, %dma_start3A_411] : memref<10000x128xf32, #tpu.memory_space<hbm>> -> memref<10000x128xf32, #tpu.memory_space<hbm>>
      tpu.enqueue_indirect_dma source(%dma_start3A_412 : memref<10000x128xf32, #tpu.memory_space<hbm>>) target(%arg13 : memref<80x128xf32, #tpu.memory_space<vmem>>) offsets(%arg10 : memref<80xi32, #tpu.memory_space<vmem>>) semaphore(%arg15 : memref<!tpu.dma_semaphore, #tpu.memory_space<semaphore_mem>>)
    }
    %scan3A_200 = arith.constant 64 : i32
    %dma_wait3A = arith.constant 0 : i32
    %dma_wait3A_201 = arith.constant 0 : i32
    %dma_wait3A_202 = tpu.memref_slice %arg2[%dma_wait3A, %dma_wait3A_201] : memref<10000x128xf32, #tpu.memory_space<hbm>> -> memref<10000x128xf32, #tpu.memory_space<hbm>>
    tpu.wait_indirect_dma semaphore(%arg14 : memref<!tpu.dma_semaphore, #tpu.memory_space<semaphore_mem>>) src(%dma_wait3A_202 : memref<10000x128xf32, #tpu.memory_space<hbm>>) dst(%arg12 : memref<80x128xf32, #tpu.memory_space<vmem>>)
    %dma_wait3A_203 = arith.constant 0 : i32
    %dma_wait3A_204 = arith.constant 0 : i32
    %dma_wait3A_205 = tpu.memref_slice %arg2[%dma_wait3A_203, %dma_wait3A_204] : memref<10000x128xf32, #tpu.memory_space<hbm>> -> memref<10000x128xf32, #tpu.memory_space<hbm>>
    tpu.wait_indirect_dma semaphore(%arg15 : memref<!tpu.dma_semaphore, #tpu.memory_space<semaphore_mem>>) src(%dma_wait3A_205 : memref<10000x128xf32, #tpu.memory_space<hbm>>) dst(%arg13 : memref<80x128xf32, #tpu.memory_space<vmem>>)
    %barrier3A_206 = arith.constant 0 : index
    tpu.barrier barrier_id(%barrier3A_206)
    %mul3A_207 = arith.constant 640 : i32
    %mul3A_208 = arith.muli %arg1, %mul3A_207 : i32
    %mul3A_209 = arith.constant 640 : i32
    %mul3A_210 = arith.muli %arg1, %mul3A_209 : i32
    "tpu.region"() ({
      %run_scoped3A = tpu.sem_alloc : memref<!tpu.dma_semaphore, #tpu.memory_space<semaphore_mem>>
      %dma_start3A_211 = arith.constant 0 : i32
      %dma_start3A_212 = tpu.memref_slice %arg5[%arg0, %mul3A_210, %dma_start3A_211] : memref<2x10240x128xf32, #tpu.memory_space<hbm>> -> memref<1x640x128xf32, #tpu.memory_space<hbm>>
      %dma_start3A_213 = tpu.memref_squeeze %dma_start3A_212 : memref<1x640x128xf32, #tpu.memory_space<hbm>> -> memref<640x128xf32, #tpu.memory_space<hbm>>
      %dma_start3A_214 = arith.constant 0 : i32
      %dma_start3A_215 = tpu.memref_slice %arg6[%mul3A_208, %dma_start3A_214] : memref<10240x128xf32, #tpu.memory_space<vmem_shared>> -> memref<640x128xf32, #tpu.memory_space<vmem_shared>>
      tpu.enqueue_dma source(%dma_start3A_215 : memref<640x128xf32, #tpu.memory_space<vmem_shared>>) target(%dma_start3A_213 : memref<640x128xf32, #tpu.memory_space<hbm>>) target_semaphore(%run_scoped3A : memref<!tpu.dma_semaphore, #tpu.memory_space<semaphore_mem>>)
      %dma_wait3A_216 = arith.constant 0 : i32
      %dma_wait3A_217 = tpu.memref_slice %arg5[%arg0, %mul3A_210, %dma_wait3A_216] : memref<2x10240x128xf32, #tpu.memory_space<hbm>> -> memref<1x640x128xf32, #tpu.memory_space<hbm>>
      %dma_wait3A_218 = tpu.memref_squeeze %dma_wait3A_217 : memref<1x640x128xf32, #tpu.memory_space<hbm>> -> memref<640x128xf32, #tpu.memory_space<hbm>>
      %dma_wait3A_219 = arith.constant 0 : i32
      %dma_wait3A_220 = tpu.memref_slice %arg6[%mul3A_208, %dma_wait3A_219] : memref<10240x128xf32, #tpu.memory_space<vmem_shared>> -> memref<640x128xf32, #tpu.memory_space<vmem_shared>>
      tpu.wait_dma2 semaphore(%run_scoped3A : memref<!tpu.dma_semaphore, #tpu.memory_space<semaphore_mem>>) src(%dma_wait3A_220 : memref<640x128xf32, #tpu.memory_space<vmem_shared>>) dst(%dma_wait3A_218 : memref<640x128xf32, #tpu.memory_space<hbm>>)
      tpu.yield
    }) : () -> ()
    return
  }
}

module attributes {stable_mosaic.version = 14 : i64} {
  func.func @_a0_body(%arg0: i32, %arg1: memref<1000x128xf32, #tpu.memory_space<vmem>>, %arg2: memref<128x128xf32, #tpu.memory_space<vmem>>, %arg3: memref<2x1000x1xf32, #tpu.memory_space<vmem>>, %arg4: memref<1000x128xf32, #tpu.memory_space<vmem>>) attributes {dimension_semantics = [#tpu.dimension_semantics<arbitrary>], iteration_bounds = array<i64: 10>, scalar_prefetch = 0 : i64, scratch_operands = 0 : i64, tpu.core_type = #tpu.core_type<tc>, window_params = [{transform_indices = @transform_0, window_bounds = array<i64: 1000, 128>}, {pipeline_mode = #tpu.pipeline_mode<synchronous>, transform_indices = @transform_1, window_bounds = array<i64: 128, 128>}, {transform_indices = @transform_2, window_bounds = array<i64: 2, 1000, 1>}, {transform_indices = @transform_3, window_bounds = array<i64: 1000, 128>}]} {
    %get3A = arith.constant 0 : index
    %get3A_0 = arith.constant 0 : index
    %get3A_1 = arith.constant 0 : index
    %get3A_2 = vector.load %arg3[%get3A, %get3A_0, %get3A_1] : memref<2x1000x1xf32, #tpu.memory_space<vmem>>, vector<1x1000x1xf32>
    %get3A_3 = vector.shape_cast %get3A_2 : vector<1x1000x1xf32> to vector<1000x1xf32>
    %get3A_4 = arith.constant 1 : index
    %get3A_5 = arith.constant 0 : index
    %get3A_6 = arith.constant 0 : index
    %get3A_7 = vector.load %arg3[%get3A_4, %get3A_5, %get3A_6] : memref<2x1000x1xf32, #tpu.memory_space<vmem>>, vector<1x1000x1xf32>
    %get3A_8 = vector.shape_cast %get3A_7 : vector<1x1000x1xf32> to vector<1000x1xf32>
    %add3A = arith.addf %get3A_3, %get3A_8 : vector<1000x1xf32>
    %add3A_9 = arith.constant 1.000000e+00 : f32
    %add3A_10 = vector.broadcast %add3A_9 : f32 to vector<1000x1xf32>
    %add3A_11 = arith.addf %add3A, %add3A_10 : vector<1000x1xf32>
    %rsqrt3A = math.rsqrt %add3A_11 : vector<1000x1xf32>
    %get3A_12 = arith.constant 0 : index
    %get3A_13 = arith.constant 0 : index
    %get3A_14 = vector.load %arg1[%get3A_12, %get3A_13] : memref<1000x128xf32, #tpu.memory_space<vmem>>, vector<1000x128xf32>
    %get3A_15 = arith.constant 0 : index
    %get3A_16 = arith.constant 0 : index
    %get3A_17 = vector.load %arg2[%get3A_15, %get3A_16] : memref<128x128xf32, #tpu.memory_space<vmem>>, vector<128x128xf32>
    %dot_general3A = arith.constant dense<0.000000e+00> : vector<1000x128xf32>
    %dot_general3A_18 = tpu.matmul %get3A_14, %get3A_17, %dot_general3A {dimension_numbers = #tpu.dot_dimension_numbers<[1], [0], [0], [1], [0, 0, 1, 1], [], []>, transpose_lhs_hint = false} : vector<1000x128xf32>, vector<128x128xf32>, vector<1000x128xf32> -> vector<1000x128xf32>
    %mul3A = vector.broadcast %rsqrt3A : vector<1000x1xf32> to vector<1000x128xf32>
    %mul3A_19 = arith.mulf %dot_general3A_18, %mul3A : vector<1000x128xf32>
    %swap3A = arith.constant 0 : index
    %swap3A_20 = arith.constant 0 : index
    %swap3A_21 = vector.load %arg4[%swap3A, %swap3A_20] : memref<1000x128xf32, #tpu.memory_space<vmem>>, vector<1000x128xf32>
    tpu.vector_store %arg4[%swap3A, %swap3A_20], %mul3A_19 {strides = array<i32>} : memref<1000x128xf32, #tpu.memory_space<vmem>>, vector<1000x128xf32>,
    return
  }
  func.func @transform_0(%arg0: i32) -> (i32, i32) {
    %c0_i32 = arith.constant 0 : i32
    %c0_i32_0 = arith.constant 0 : i32
    return %arg0, %c0_i32 : i32, i32
  }
  func.func @transform_1(%arg0: i32) -> (i32, i32) {
    %c0_i32 = arith.constant 0 : i32
    %c0_i32_0 = arith.constant 0 : i32
    %c0_i32_1 = arith.constant 0 : i32
    return %c0_i32, %c0_i32_0 : i32, i32
  }
  func.func @transform_2(%arg0: i32) -> (i32, i32, i32) {
    %c0_i32 = arith.constant 0 : i32
    %c0_i32_0 = arith.constant 0 : i32
    %c0_i32_1 = arith.constant 0 : i32
    return %c0_i32, %arg0, %c0_i32_0 : i32, i32, i32
  }
  func.func @transform_3(%arg0: i32) -> (i32, i32) {
    %c0_i32 = arith.constant 0 : i32
    %c0_i32_0 = arith.constant 0 : i32
    return %arg0, %c0_i32 : i32, i32
  }
}

module attributes {stable_mosaic.version = 14 : i64} {
  func.func @_b_body(%arg0: i32, %arg1: memref<2x1000x128xf32, #tpu.memory_space<vmem>>, %arg2: memref<1000x128xf32, #tpu.memory_space<vmem>>, %arg3: memref<1x128xf32, #tpu.memory_space<vmem>>, %arg4: memref<2x1000x1xf32, #tpu.memory_space<vmem>>, %arg5: memref<1000x128xf32, #tpu.memory_space<vmem>>, %arg6: memref<1x128xf32, #tpu.memory_space<vmem>>, %arg7: memref<1x128xf32, #tpu.memory_space<vmem>>) attributes {dimension_semantics = [#tpu.dimension_semantics<arbitrary>], iteration_bounds = array<i64: 10>, scalar_prefetch = 0 : i64, scratch_operands = 0 : i64, tpu.core_type = #tpu.core_type<tc>, window_params = [{transform_indices = @transform_0, window_bounds = array<i64: 2, 1000, 128>}, {transform_indices = @transform_1, window_bounds = array<i64: 1000, 128>}, {pipeline_mode = #tpu.pipeline_mode<synchronous>, transform_indices = @transform_2, window_bounds = array<i64: 1, 128>}, {transform_indices = @transform_3, window_bounds = array<i64: 2, 1000, 1>}, {transform_indices = @transform_4, window_bounds = array<i64: 1000, 128>}, {pipeline_mode = #tpu.pipeline_mode<synchronous>, transform_indices = @transform_5, window_bounds = array<i64: 1, 128>}, {pipeline_mode = #tpu.pipeline_mode<synchronous>, transform_indices = @transform_6, window_bounds = array<i64: 1, 128>}]} {
    %get3A = arith.constant 0 : index
    %get3A_0 = arith.constant 0 : index
    %get3A_1 = arith.constant 0 : index
    %get3A_2 = vector.load %arg4[%get3A, %get3A_0, %get3A_1] : memref<2x1000x1xf32, #tpu.memory_space<vmem>>, vector<1x1000x1xf32>
    %get3A_3 = vector.shape_cast %get3A_2 : vector<1x1000x1xf32> to vector<1000x1xf32>
    %get3A_4 = arith.constant 1 : index
    %get3A_5 = arith.constant 0 : index
    %get3A_6 = arith.constant 0 : index
    %get3A_7 = vector.load %arg4[%get3A_4, %get3A_5, %get3A_6] : memref<2x1000x1xf32, #tpu.memory_space<vmem>>, vector<1x1000x1xf32>
    %get3A_8 = vector.shape_cast %get3A_7 : vector<1x1000x1xf32> to vector<1000x1xf32>
    %add3A = arith.addf %get3A_3, %get3A_8 : vector<1000x1xf32>
    %add3A_9 = arith.constant 1.000000e+00 : f32
    %add3A_10 = vector.broadcast %add3A_9 : f32 to vector<1000x1xf32>
    %add3A_11 = arith.addf %add3A, %add3A_10 : vector<1000x1xf32>
    %rsqrt3A = math.rsqrt %add3A_11 : vector<1000x1xf32>
    %get3A_12 = arith.constant 0 : index
    %get3A_13 = arith.constant 0 : index
    %get3A_14 = arith.constant 0 : index
    %get3A_15 = vector.load %arg1[%get3A_12, %get3A_13, %get3A_14] : memref<2x1000x128xf32, #tpu.memory_space<vmem>>, vector<1x1000x128xf32>
    %get3A_16 = vector.shape_cast %get3A_15 : vector<1x1000x128xf32> to vector<1000x128xf32>
    %get3A_17 = arith.constant 1 : index
    %get3A_18 = arith.constant 0 : index
    %get3A_19 = arith.constant 0 : index
    %get3A_20 = vector.load %arg1[%get3A_17, %get3A_18, %get3A_19] : memref<2x1000x128xf32, #tpu.memory_space<vmem>>, vector<1x1000x128xf32>
    %get3A_21 = vector.shape_cast %get3A_20 : vector<1x1000x128xf32> to vector<1000x128xf32>
    %add3A_22 = arith.addf %get3A_16, %get3A_21 : vector<1000x128xf32>
    %get3A_23 = arith.constant 0 : index
    %get3A_24 = arith.constant 0 : index
    %get3A_25 = vector.load %arg2[%get3A_23, %get3A_24] : memref<1000x128xf32, #tpu.memory_space<vmem>>, vector<1000x128xf32>
    %add3A_26 = arith.addf %add3A_22, %get3A_25 : vector<1000x128xf32>
    %mul3A = vector.broadcast %rsqrt3A : vector<1000x1xf32> to vector<1000x128xf32>
    %mul3A_27 = arith.mulf %add3A_26, %mul3A : vector<1000x128xf32>
    %get3A_28 = arith.constant 0 : index
    %get3A_29 = arith.constant 0 : index
    %get3A_30 = vector.load %arg3[%get3A_28, %get3A_29] : memref<1x128xf32, #tpu.memory_space<vmem>>, vector<1x128xf32>
    %add3A_31 = vector.broadcast %get3A_30 : vector<1x128xf32> to vector<1000x128xf32>
    %add3A_32 = arith.addf %mul3A_27, %add3A_31 : vector<1000x128xf32>
    %swap3A = arith.constant 0 : index
    %swap3A_33 = arith.constant 0 : index
    %swap3A_34 = vector.load %arg5[%swap3A, %swap3A_33] : memref<1000x128xf32, #tpu.memory_space<vmem>>, vector<1000x128xf32>
    tpu.vector_store %arg5[%swap3A, %swap3A_33], %add3A_32 {strides = array<i32>} : memref<1000x128xf32, #tpu.memory_space<vmem>>, vector<1000x128xf32>,
    %eq3A = arith.constant 0 : i32
    %eq3A_35 = arith.cmpi eq, %arg0, %eq3A : i32
    %convert_element_type3A = arith.extui %eq3A_35 : i1 to i32
    %cond3A = arith.constant 0 : i32
    %cond3A_36 = arith.cmpi ne, %convert_element_type3A, %cond3A : i32
    scf.if %cond3A_36 {
      %broadcast_in_dim3A_56 = arith.constant 0.000000e+00 : f32
      %broadcast_in_dim3A_57 = vector.broadcast %broadcast_in_dim3A_56 : f32 to vector<1x128xf32>
      %swap3A_58 = arith.constant 0 : index
      %swap3A_59 = arith.constant 0 : index
      %swap3A_60 = vector.load %arg6[%swap3A_58, %swap3A_59] : memref<1x128xf32, #tpu.memory_space<vmem>>, vector<1x128xf32>
      tpu.vector_store %arg6[%swap3A_58, %swap3A_59], %broadcast_in_dim3A_57 {strides = array<i32>} : memref<1x128xf32, #tpu.memory_space<vmem>>, vector<1x128xf32>,
      %broadcast_in_dim3A_61 = arith.constant 0.000000e+00 : f32
      %broadcast_in_dim3A_62 = vector.broadcast %broadcast_in_dim3A_61 : f32 to vector<1x128xf32>
      %swap3A_63 = arith.constant 0 : index
      %swap3A_64 = arith.constant 0 : index
      %swap3A_65 = vector.load %arg7[%swap3A_63, %swap3A_64] : memref<1x128xf32, #tpu.memory_space<vmem>>, vector<1x128xf32>
      tpu.vector_store %arg7[%swap3A_63, %swap3A_64], %broadcast_in_dim3A_62 {strides = array<i32>} : memref<1x128xf32, #tpu.memory_space<vmem>>, vector<1x128xf32>,
    } else {
    }
    %get3A_37 = arith.constant 0 : index
    %get3A_38 = arith.constant 0 : index
    %get3A_39 = vector.load %arg6[%get3A_37, %get3A_38] : memref<1x128xf32, #tpu.memory_space<vmem>>, vector<1x128xf32>
    %reduce_sum3A = arith.constant dense<0.000000e+00> : vector<128xf32>
    %reduce_sum3A_40 = vector.multi_reduction <add>, %add3A_32, %reduce_sum3A [0] : vector<1000x128xf32> to vector<128xf32>
    %broadcast_in_dim3A = vector.shape_cast %reduce_sum3A_40 : vector<128xf32> to vector<1x128xf32>
    %add3A_41 = arith.addf %get3A_39, %broadcast_in_dim3A : vector<1x128xf32>
    %swap3A_42 = arith.constant 0 : index
    %swap3A_43 = arith.constant 0 : index
    %swap3A_44 = vector.load %arg6[%swap3A_42, %swap3A_43] : memref<1x128xf32, #tpu.memory_space<vmem>>, vector<1x128xf32>
    tpu.vector_store %arg6[%swap3A_42, %swap3A_43], %add3A_41 {strides = array<i32>} : memref<1x128xf32, #tpu.memory_space<vmem>>, vector<1x128xf32>,
    %get3A_45 = arith.constant 0 : index
    %get3A_46 = arith.constant 0 : index
    %get3A_47 = vector.load %arg7[%get3A_45, %get3A_46] : memref<1x128xf32, #tpu.memory_space<vmem>>, vector<1x128xf32>
    %mul3A_48 = arith.mulf %add3A_32, %add3A_32 : vector<1000x128xf32>
    %reduce_sum3A_49 = arith.constant dense<0.000000e+00> : vector<128xf32>
    %reduce_sum3A_50 = vector.multi_reduction <add>, %mul3A_48, %reduce_sum3A_49 [0] : vector<1000x128xf32> to vector<128xf32>
    %broadcast_in_dim3A_51 = vector.shape_cast %reduce_sum3A_50 : vector<128xf32> to vector<1x128xf32>
    %add3A_52 = arith.addf %get3A_47, %broadcast_in_dim3A_51 : vector<1x128xf32>
    %swap3A_53 = arith.constant 0 : index
    %swap3A_54 = arith.constant 0 : index
    %swap3A_55 = vector.load %arg7[%swap3A_53, %swap3A_54] : memref<1x128xf32, #tpu.memory_space<vmem>>, vector<1x128xf32>
    tpu.vector_store %arg7[%swap3A_53, %swap3A_54], %add3A_52 {strides = array<i32>} : memref<1x128xf32, #tpu.memory_space<vmem>>, vector<1x128xf32>,
    return
  }
  func.func @transform_0(%arg0: i32) -> (i32, i32, i32) {
    %c0_i32 = arith.constant 0 : i32
    %c0_i32_0 = arith.constant 0 : i32
    %c0_i32_1 = arith.constant 0 : i32
    return %c0_i32, %arg0, %c0_i32_0 : i32, i32, i32
  }
  func.func @transform_1(%arg0: i32) -> (i32, i32) {
    %c0_i32 = arith.constant 0 : i32
    %c0_i32_0 = arith.constant 0 : i32
    return %arg0, %c0_i32 : i32, i32
  }
  func.func @transform_2(%arg0: i32) -> (i32, i32) {
    %c0_i32 = arith.constant 0 : i32
    %c0_i32_0 = arith.constant 0 : i32
    %c0_i32_1 = arith.constant 0 : i32
    return %c0_i32, %c0_i32_0 : i32, i32
  }
  func.func @transform_3(%arg0: i32) -> (i32, i32, i32) {
    %c0_i32 = arith.constant 0 : i32
    %c0_i32_0 = arith.constant 0 : i32
    %c0_i32_1 = arith.constant 0 : i32
    return %c0_i32, %arg0, %c0_i32_0 : i32, i32, i32
  }
  func.func @transform_4(%arg0: i32) -> (i32, i32) {
    %c0_i32 = arith.constant 0 : i32
    %c0_i32_0 = arith.constant 0 : i32
    return %arg0, %c0_i32 : i32, i32
  }
  func.func @transform_5(%arg0: i32) -> (i32, i32) {
    %c0_i32 = arith.constant 0 : i32
    %c0_i32_0 = arith.constant 0 : i32
    %c0_i32_1 = arith.constant 0 : i32
    return %c0_i32, %c0_i32_0 : i32, i32
  }
  func.func @transform_6(%arg0: i32) -> (i32, i32) {
    %c0_i32 = arith.constant 0 : i32
    %c0_i32_0 = arith.constant 0 : i32
    %c0_i32_1 = arith.constant 0 : i32
    return %c0_i32, %c0_i32_0 : i32, i32
  }
}

module attributes {stable_mosaic.version = 14 : i64} {
  func.func @_a_body(%arg0: i32, %arg1: memref<1000x128xf32, #tpu.memory_space<vmem>>, %arg2: memref<1x128xf32, #tpu.memory_space<vmem>>, %arg3: memref<1x128xf32, #tpu.memory_space<vmem>>, %arg4: memref<1x128xf32, #tpu.memory_space<vmem>>, %arg5: memref<1x128xf32, #tpu.memory_space<vmem>>, %arg6: memref<128x128xf32, #tpu.memory_space<vmem>>, %arg7: memref<2x1000x1xf32, #tpu.memory_space<vmem>>, %arg8: memref<1000x128xf32, #tpu.memory_space<vmem>>) attributes {dimension_semantics = [#tpu.dimension_semantics<arbitrary>], iteration_bounds = array<i64: 10>, scalar_prefetch = 0 : i64, scratch_operands = 0 : i64, tpu.core_type = #tpu.core_type<tc>, window_params = [{transform_indices = @transform_0, window_bounds = array<i64: 1000, 128>}, {pipeline_mode = #tpu.pipeline_mode<synchronous>, transform_indices = @transform_1, window_bounds = array<i64: 1, 128>}, {pipeline_mode = #tpu.pipeline_mode<synchronous>, transform_indices = @transform_2, window_bounds = array<i64: 1, 128>}, {pipeline_mode = #tpu.pipeline_mode<synchronous>, transform_indices = @transform_3, window_bounds = array<i64: 1, 128>}, {pipeline_mode = #tpu.pipeline_mode<synchronous>, transform_indices = @transform_4, window_bounds = array<i64: 1, 128>}, {pipeline_mode = #tpu.pipeline_mode<synchronous>, transform_indices = @transform_5, window_bounds = array<i64: 128, 128>}, {transform_indices = @transform_6, window_bounds = array<i64: 2, 1000, 1>}, {transform_indices = @transform_7, window_bounds = array<i64: 1000, 128>}]} {
    %get3A = arith.constant 0 : index
    %get3A_0 = arith.constant 0 : index
    %get3A_1 = arith.constant 0 : index
    %get3A_2 = vector.load %arg7[%get3A, %get3A_0, %get3A_1] : memref<2x1000x1xf32, #tpu.memory_space<vmem>>, vector<1x1000x1xf32>
    %get3A_3 = vector.shape_cast %get3A_2 : vector<1x1000x1xf32> to vector<1000x1xf32>
    %get3A_4 = arith.constant 1 : index
    %get3A_5 = arith.constant 0 : index
    %get3A_6 = arith.constant 0 : index
    %get3A_7 = vector.load %arg7[%get3A_4, %get3A_5, %get3A_6] : memref<2x1000x1xf32, #tpu.memory_space<vmem>>, vector<1x1000x1xf32>
    %get3A_8 = vector.shape_cast %get3A_7 : vector<1x1000x1xf32> to vector<1000x1xf32>
    %add3A = arith.addf %get3A_3, %get3A_8 : vector<1000x1xf32>
    %add3A_9 = arith.constant 1.000000e+00 : f32
    %add3A_10 = vector.broadcast %add3A_9 : f32 to vector<1000x1xf32>
    %add3A_11 = arith.addf %add3A, %add3A_10 : vector<1000x1xf32>
    %rsqrt3A = math.rsqrt %add3A_11 : vector<1000x1xf32>
    %get3A_12 = arith.constant 0 : index
    %get3A_13 = arith.constant 0 : index
    %get3A_14 = vector.load %arg2[%get3A_12, %get3A_13] : memref<1x128xf32, #tpu.memory_space<vmem>>, vector<1x128xf32>
    %mul3A = arith.constant 9.99999974E-5 : f32
    %mul3A_15 = vector.broadcast %mul3A : f32 to vector<1x128xf32>
    %mul3A_16 = arith.mulf %get3A_14, %mul3A_15 : vector<1x128xf32>
    %get3A_17 = arith.constant 0 : index
    %get3A_18 = arith.constant 0 : index
    %get3A_19 = vector.load %arg3[%get3A_17, %get3A_18] : memref<1x128xf32, #tpu.memory_space<vmem>>, vector<1x128xf32>
    %mul3A_20 = arith.constant 9.99999974E-5 : f32
    %mul3A_21 = vector.broadcast %mul3A_20 : f32 to vector<1x128xf32>
    %mul3A_22 = arith.mulf %get3A_19, %mul3A_21 : vector<1x128xf32>
    %mul3A_23 = arith.mulf %mul3A_16, %mul3A_16 : vector<1x128xf32>
    %sub3A = arith.subf %mul3A_22, %mul3A_23 : vector<1x128xf32>
    %get3A_24 = arith.constant 0 : index
    %get3A_25 = arith.constant 0 : index
    %get3A_26 = vector.load %arg4[%get3A_24, %get3A_25] : memref<1x128xf32, #tpu.memory_space<vmem>>, vector<1x128xf32>
    %get3A_27 = arith.constant 0 : index
    %get3A_28 = arith.constant 0 : index
    %get3A_29 = vector.load %arg1[%get3A_27, %get3A_28] : memref<1000x128xf32, #tpu.memory_space<vmem>>, vector<1000x128xf32>
    %sub3A_30 = vector.broadcast %mul3A_16 : vector<1x128xf32> to vector<1000x128xf32>
    %sub3A_31 = arith.subf %get3A_29, %sub3A_30 : vector<1000x128xf32>
    %mul3A_32 = vector.broadcast %get3A_26 : vector<1x128xf32> to vector<1000x128xf32>
    %mul3A_33 = arith.mulf %mul3A_32, %sub3A_31 : vector<1000x128xf32>
    %add3A_34 = arith.constant 9.99999974E-6 : f32
    %add3A_35 = vector.broadcast %add3A_34 : f32 to vector<1x128xf32>
    %add3A_36 = arith.addf %sub3A, %add3A_35 : vector<1x128xf32>
    %rsqrt3A_37 = math.rsqrt %add3A_36 : vector<1x128xf32>
    %mul3A_38 = vector.broadcast %rsqrt3A_37 : vector<1x128xf32> to vector<1000x128xf32>
    %mul3A_39 = arith.mulf %mul3A_33, %mul3A_38 : vector<1000x128xf32>
    %get3A_40 = arith.constant 0 : index
    %get3A_41 = arith.constant 0 : index
    %get3A_42 = vector.load %arg5[%get3A_40, %get3A_41] : memref<1x128xf32, #tpu.memory_space<vmem>>, vector<1x128xf32>
    %add3A_43 = vector.broadcast %get3A_42 : vector<1x128xf32> to vector<1000x128xf32>
    %add3A_44 = arith.addf %mul3A_39, %add3A_43 : vector<1000x128xf32>
    %max3A = arith.constant 0.000000e+00 : f32
    %max3A_45 = vector.broadcast %max3A : f32 to vector<1000x128xf32>
    %max3A_46 = arith.maximumf %add3A_44, %max3A_45 : vector<1000x128xf32>
    %get3A_47 = arith.constant 0 : index
    %get3A_48 = arith.constant 0 : index
    %get3A_49 = vector.load %arg6[%get3A_47, %get3A_48] : memref<128x128xf32, #tpu.memory_space<vmem>>, vector<128x128xf32>
    %dot_general3A = arith.constant dense<0.000000e+00> : vector<1000x128xf32>
    %dot_general3A_50 = tpu.matmul %max3A_46, %get3A_49, %dot_general3A {dimension_numbers = #tpu.dot_dimension_numbers<[1], [0], [0], [1], [0, 0, 1, 1], [], []>, transpose_lhs_hint = false} : vector<1000x128xf32>, vector<128x128xf32>, vector<1000x128xf32> -> vector<1000x128xf32>
    %mul3A_51 = vector.broadcast %rsqrt3A : vector<1000x1xf32> to vector<1000x128xf32>
    %mul3A_52 = arith.mulf %dot_general3A_50, %mul3A_51 : vector<1000x128xf32>
    %swap3A = arith.constant 0 : index
    %swap3A_53 = arith.constant 0 : index
    %swap3A_54 = vector.load %arg8[%swap3A, %swap3A_53] : memref<1000x128xf32, #tpu.memory_space<vmem>>, vector<1000x128xf32>
    tpu.vector_store %arg8[%swap3A, %swap3A_53], %mul3A_52 {strides = array<i32>} : memref<1000x128xf32, #tpu.memory_space<vmem>>, vector<1000x128xf32>,
    return
  }
  func.func @transform_0(%arg0: i32) -> (i32, i32) {
    %c0_i32 = arith.constant 0 : i32
    %c0_i32_0 = arith.constant 0 : i32
    return %arg0, %c0_i32 : i32, i32
  }
  func.func @transform_1(%arg0: i32) -> (i32, i32) {
    %c0_i32 = arith.constant 0 : i32
    %c0_i32_0 = arith.constant 0 : i32
    %c0_i32_1 = arith.constant 0 : i32
    return %c0_i32, %c0_i32_0 : i32, i32
  }
  func.func @transform_2(%arg0: i32) -> (i32, i32) {
    %c0_i32 = arith.constant 0 : i32
    %c0_i32_0 = arith.constant 0 : i32
    %c0_i32_1 = arith.constant 0 : i32
    return %c0_i32, %c0_i32_0 : i32, i32
  }
  func.func @transform_3(%arg0: i32) -> (i32, i32) {
    %c0_i32 = arith.constant 0 : i32
    %c0_i32_0 = arith.constant 0 : i32
    %c0_i32_1 = arith.constant 0 : i32
    return %c0_i32, %c0_i32_0 : i32, i32
  }
  func.func @transform_4(%arg0: i32) -> (i32, i32) {
    %c0_i32 = arith.constant 0 : i32
    %c0_i32_0 = arith.constant 0 : i32
    %c0_i32_1 = arith.constant 0 : i32
    return %c0_i32, %c0_i32_0 : i32, i32
  }
  func.func @transform_5(%arg0: i32) -> (i32, i32) {
    %c0_i32 = arith.constant 0 : i32
    %c0_i32_0 = arith.constant 0 : i32
    %c0_i32_1 = arith.constant 0 : i32
    return %c0_i32, %c0_i32_0 : i32, i32
  }
  func.func @transform_6(%arg0: i32) -> (i32, i32, i32) {
    %c0_i32 = arith.constant 0 : i32
    %c0_i32_0 = arith.constant 0 : i32
    %c0_i32_1 = arith.constant 0 : i32
    return %c0_i32, %arg0, %c0_i32_0 : i32, i32, i32
  }
  func.func @transform_7(%arg0: i32) -> (i32, i32) {
    %c0_i32 = arith.constant 0 : i32
    %c0_i32_0 = arith.constant 0 : i32
    return %arg0, %c0_i32 : i32, i32
  }
}

module attributes {stable_mosaic.version = 14 : i64} {
  func.func @_b_body(%arg0: i32, %arg1: memref<2x1000x128xf32, #tpu.memory_space<vmem>>, %arg2: memref<1000x128xf32, #tpu.memory_space<vmem>>, %arg3: memref<1x128xf32, #tpu.memory_space<vmem>>, %arg4: memref<2x1000x1xf32, #tpu.memory_space<vmem>>, %arg5: memref<1000x128xf32, #tpu.memory_space<vmem>>, %arg6: memref<1x128xf32, #tpu.memory_space<vmem>>, %arg7: memref<1x128xf32, #tpu.memory_space<vmem>>) attributes {dimension_semantics = [#tpu.dimension_semantics<arbitrary>], iteration_bounds = array<i64: 10>, scalar_prefetch = 0 : i64, scratch_operands = 0 : i64, tpu.core_type = #tpu.core_type<tc>, window_params = [{transform_indices = @transform_0, window_bounds = array<i64: 2, 1000, 128>}, {transform_indices = @transform_1, window_bounds = array<i64: 1000, 128>}, {pipeline_mode = #tpu.pipeline_mode<synchronous>, transform_indices = @transform_2, window_bounds = array<i64: 1, 128>}, {transform_indices = @transform_3, window_bounds = array<i64: 2, 1000, 1>}, {transform_indices = @transform_4, window_bounds = array<i64: 1000, 128>}, {pipeline_mode = #tpu.pipeline_mode<synchronous>, transform_indices = @transform_5, window_bounds = array<i64: 1, 128>}, {pipeline_mode = #tpu.pipeline_mode<synchronous>, transform_indices = @transform_6, window_bounds = array<i64: 1, 128>}]} {
    %get3A = arith.constant 0 : index
    %get3A_0 = arith.constant 0 : index
    %get3A_1 = arith.constant 0 : index
    %get3A_2 = vector.load %arg4[%get3A, %get3A_0, %get3A_1] : memref<2x1000x1xf32, #tpu.memory_space<vmem>>, vector<1x1000x1xf32>
    %get3A_3 = vector.shape_cast %get3A_2 : vector<1x1000x1xf32> to vector<1000x1xf32>
    %get3A_4 = arith.constant 1 : index
    %get3A_5 = arith.constant 0 : index
    %get3A_6 = arith.constant 0 : index
    %get3A_7 = vector.load %arg4[%get3A_4, %get3A_5, %get3A_6] : memref<2x1000x1xf32, #tpu.memory_space<vmem>>, vector<1x1000x1xf32>
    %get3A_8 = vector.shape_cast %get3A_7 : vector<1x1000x1xf32> to vector<1000x1xf32>
    %add3A = arith.addf %get3A_3, %get3A_8 : vector<1000x1xf32>
    %add3A_9 = arith.constant 1.000000e+00 : f32
    %add3A_10 = vector.broadcast %add3A_9 : f32 to vector<1000x1xf32>
    %add3A_11 = arith.addf %add3A, %add3A_10 : vector<1000x1xf32>
    %rsqrt3A = math.rsqrt %add3A_11 : vector<1000x1xf32>
    %get3A_12 = arith.constant 0 : index
    %get3A_13 = arith.constant 0 : index
    %get3A_14 = arith.constant 0 : index
    %get3A_15 = vector.load %arg1[%get3A_12, %get3A_13, %get3A_14] : memref<2x1000x128xf32, #tpu.memory_space<vmem>>, vector<1x1000x128xf32>
    %get3A_16 = vector.shape_cast %get3A_15 : vector<1x1000x128xf32> to vector<1000x128xf32>
    %get3A_17 = arith.constant 1 : index
    %get3A_18 = arith.constant 0 : index
    %get3A_19 = arith.constant 0 : index
    %get3A_20 = vector.load %arg1[%get3A_17, %get3A_18, %get3A_19] : memref<2x1000x128xf32, #tpu.memory_space<vmem>>, vector<1x1000x128xf32>
    %get3A_21 = vector.shape_cast %get3A_20 : vector<1x1000x128xf32> to vector<1000x128xf32>
    %add3A_22 = arith.addf %get3A_16, %get3A_21 : vector<1000x128xf32>
    %get3A_23 = arith.constant 0 : index
    %get3A_24 = arith.constant 0 : index
    %get3A_25 = vector.load %arg2[%get3A_23, %get3A_24] : memref<1000x128xf32, #tpu.memory_space<vmem>>, vector<1000x128xf32>
    %add3A_26 = arith.addf %add3A_22, %get3A_25 : vector<1000x128xf32>
    %mul3A = vector.broadcast %rsqrt3A : vector<1000x1xf32> to vector<1000x128xf32>
    %mul3A_27 = arith.mulf %add3A_26, %mul3A : vector<1000x128xf32>
    %get3A_28 = arith.constant 0 : index
    %get3A_29 = arith.constant 0 : index
    %get3A_30 = vector.load %arg3[%get3A_28, %get3A_29] : memref<1x128xf32, #tpu.memory_space<vmem>>, vector<1x128xf32>
    %add3A_31 = vector.broadcast %get3A_30 : vector<1x128xf32> to vector<1000x128xf32>
    %add3A_32 = arith.addf %mul3A_27, %add3A_31 : vector<1000x128xf32>
    %swap3A = arith.constant 0 : index
    %swap3A_33 = arith.constant 0 : index
    %swap3A_34 = vector.load %arg5[%swap3A, %swap3A_33] : memref<1000x128xf32, #tpu.memory_space<vmem>>, vector<1000x128xf32>
    tpu.vector_store %arg5[%swap3A, %swap3A_33], %add3A_32 {strides = array<i32>} : memref<1000x128xf32, #tpu.memory_space<vmem>>, vector<1000x128xf32>,
    return
  }
  func.func @transform_0(%arg0: i32) -> (i32, i32, i32) {
    %c0_i32 = arith.constant 0 : i32
    %c0_i32_0 = arith.constant 0 : i32
    %c0_i32_1 = arith.constant 0 : i32
    return %c0_i32, %arg0, %c0_i32_0 : i32, i32, i32
  }
  func.func @transform_1(%arg0: i32) -> (i32, i32) {
    %c0_i32 = arith.constant 0 : i32
    %c0_i32_0 = arith.constant 0 : i32
    return %arg0, %c0_i32 : i32, i32
  }
  func.func @transform_2(%arg0: i32) -> (i32, i32) {
    %c0_i32 = arith.constant 0 : i32
    %c0_i32_0 = arith.constant 0 : i32
    %c0_i32_1 = arith.constant 0 : i32
    return %c0_i32, %c0_i32_0 : i32, i32
  }
  func.func @transform_3(%arg0: i32) -> (i32, i32, i32) {
    %c0_i32 = arith.constant 0 : i32
    %c0_i32_0 = arith.constant 0 : i32
    %c0_i32_1 = arith.constant 0 : i32
    return %c0_i32, %arg0, %c0_i32_0 : i32, i32, i32
  }
  func.func @transform_4(%arg0: i32) -> (i32, i32) {
    %c0_i32 = arith.constant 0 : i32
    %c0_i32_0 = arith.constant 0 : i32
    return %arg0, %c0_i32 : i32, i32
  }
  func.func @transform_5(%arg0: i32) -> (i32, i32) {
    %c0_i32 = arith.constant 0 : i32
    %c0_i32_0 = arith.constant 0 : i32
    %c0_i32_1 = arith.constant 0 : i32
    return %c0_i32, %c0_i32_0 : i32, i32
  }
  func.func @transform_6(%arg0: i32) -> (i32, i32) {
    %c0_i32 = arith.constant 0 : i32
    %c0_i32_0 = arith.constant 0 : i32
    %c0_i32_1 = arith.constant 0 : i32
    return %c0_i32, %c0_i32_0 : i32, i32
  }
}

</mosaic_0001>

<sc_bundles>
// kernel: kernel.12.cloned.1.call-start
scs
__scs_entry_jumppad:
0x0: {  	(pc) =	sbr.rel $0x88, $3  }
0x1: {  	(tag) =	ssettag $0x0;
	lr =	simm.s32 $0x1  }
0x2: {  	[smem:$0x3F95] =	sst lr;
	_ =	strace $0xD0000000  }
0x3: {  	_ = 	snop  }
0x4: {  	_ = 	snop  }
0x5: {  	_ = 	snop  }
0x6: {  	_ = 	snop  }
0x7: {  	_ = 	snop  }
__scs_overlays_trampoline_lowered:
0x8: {  	[smem:$0x3FA4] =	sst s0  }
0x9: {  	[smem:$0x3FA5] =	sst s1  }
0xa: {  	[smem:$0x3FA6] =	sst s2  }
0xb: {  	[smem:$0x3FA7] =	sst s3  }
0xc: {  	[smem:$0x3FA8] =	sst s4  }
0xd: {  	[smem:$0x3FA9] =	sst s5  }
0xe: {  	[smem:$0x3FAA] =	sst s6  }
0xf: {  	[smem:$0x3FAB] =	sst s7  }
0x10: {  	[smem:$0x3FAC] =	sst s8  }
0x11: {  	[smem:$0x3FAD] =	sst s9;
	s0 =	simm.s32 @!p0 $0x0  }
0x12: {  	s1 =	sld [smem:$0x3F93];
	s0 =	simm.s32 @p0 $0x1  }
0x13: {  	[smem:$0x3FAE] =	sst s0;
	s0 =	simm.s32 @!p1 $0x0  }
0x14: {  	s2 =	sld [smem:$0x3F92];
	s0 =	simm.s32 @p1 $0x1  }
0x15: {  	[smem:$0x3FAF] =	sst s0;
	s0 =	simm.s32 @!p2 $0x0  }
0x16: {  	s3 =	sld [smem:$0x3FDB];
	s0 =	simm.s32 @p2 $0x1  }
0x17: {  	s4 =	simm.s32 $0x1BF5;
	[smem:$0x3FB1] =	sst s0  }
0x18: {  	s0 =	sld [smem:$0x3F94];
	_ =	swait.ge [sflag:s4], $0x0  }
0x19: {  	s7 =	sld [smem:$0x3F95]  }
0x1a: {  	s8 =	sadd.s32 $0xFFFFE003, lr  }
0x1b: {  	s9 =	sadd.s32 $0xFFFFFEF7, lr;
	s5 =	simm.s32 $0xFFFFFFFF;
	p2 =	slt.u32 s8, $0xFFFFF086  }
0x1c: {  	p1 =	slt.u32 s9, $0xF7A;
	s5 =	simm.s32 @!p2 $0x0  }
0x1d: {  	s5 =	simm.s32 @p1 $0x1;
	p0 =	seq.s32 s7, s2  }
0x1e: {  	s7 =	smul.u32 @!p0 $0xF7A, s2;
	p2 =	seq.s32 @!p0 s5, $0x0  }
0x1f: {  	s9 =	smul.u32 $0xF7A, s1;
	s8 =	simm.s32 @!p0 $0x1BF5;
	p2 =	por !p2, p0  }
0x20: {  	[sflag:s8] =	ssyncset.s32 @!p0 $0xFFFFF086;
	s6 =	sadd.s32 @!p0 s3, s7;
	s7 =	simm.s32 @!p0 $0x108  }
0x21: {  	s3 =	sadd.s32 s3, s9;
	s6 =	sadd.s32 @!p0 $0x88, s6;
	s7 =	simm.s32 @p2 $0x1082  }
0x22: {  	[simem:s7], [sflag:s8] =	dma.local @!p0 [hbm:s6], $0xF7A  }
0x23: {  	s9 =	sor.u32 $0xD0000000, s2;
	s6 =	simm.s32 $0x108;
	_ =	swait.ge @!p0 [sflag:s8], $0x0  }
0x24: {  	s3 =	sadd.s32 $0x88, s3;
	s6 =	simm.s32 @!p1 $0x1082;
	[sflag:s4] =	ssyncset.s32 $0xFFFFF086  }
0x25: {  	[simem:s6], [sflag:s4] =	dma.local [hbm:s3], $0xF7A  }
0x26: {  	[smem:$0x3F95] =	sst s1;
	(tag) =	ssettag s2;
	_ =	strace s9  }
0x27: {  	s1 =	sld [smem:$0x3FA5]  }
0x28: {  	s2 =	sld [smem:$0x3FA6]  }
0x29: {  	s4 =	sld [smem:$0x3FA8]  }
0x2a: {  	p0 =	seq.s32 s5, $0x0;
	s5 =	sld [smem:$0x3FA9]  }
0x2b: {  	s6 =	sld [smem:$0x3FAA]  }
0x2c: {  	s7 =	sld [smem:$0x3FAB]  }
0x2d: {  	s3 =	simm.s32 $0x108;
	s8 =	sld [smem:$0x3FAC]  }
0x2e: {  	s3 =	simm.s32 @!p0 $0x1082;
	s9 =	sld [smem:$0x3FAD]  }
0x2f: {  	lr =	sadd.s32 s0, s3;
	s0 =	sld [smem:$0x3FA4]  }
0x30: {  	s3 =	sld [smem:$0x3FA7]  }
0x31: {  	[smem:$0x3FB0] =	sst s10  }
0x32: {  	s10 =	sld [smem:$0x3FAE];
	_ =	sdelay $0x3  }
0x33: {  	p0 =	seq.s32 s10, $0x1;
	s10 =	sld [smem:$0x3FB0];
	_ =	sdelay $0x3  }
0x34: {  	[smem:$0x3FB0] =	sst s10  }
0x35: {  	s10 =	sld [smem:$0x3FAF];
	_ =	sdelay $0x3  }
0x36: {  	p1 =	seq.s32 s10, $0x1;
	s10 =	sld [smem:$0x3FB0];
	_ =	sdelay $0x3  }
0x37: {  	[smem:$0x3FB0] =	sst s10  }
0x38: {  	s10 =	sld [smem:$0x3FB1]  }
0x39: {  	_ = 	snop;
	(pc) =	sbr.ind lr, $3  }
0x3a: {  	_ = 	snop  }
0x3b: {  	_ = 	snop  }
0x3c: {  	p2 =	seq.s32 s10, $0x1;
	s10 =	sld [smem:$0x3FB0]  }
0x3d: {  	_ =	shalt  }
0x3e: {  	_ =	shalt  }
0x3f: {  	_ =	shalt  }
0x40: {  	_ =	shalt  }
0x41: {  	_ =	shalt  }
0x42: {  	_ =	shalt  }
0x43: {  	_ =	shalt  }
0x44: {  	_ =	shalt  }
0x45: {  	_ =	shalt  }
0x46: {  	_ =	shalt  }
0x47: {  	_ =	shalt  }
0x48: {  	_ =	shalt  }
0x49: {  	_ =	shalt  }
0x4a: {  	_ =	shalt  }
0x4b: {  	_ =	shalt  }
0x4c: {  	_ =	shalt  }
0x4d: {  	_ =	shalt  }
0x4e: {  	_ =	shalt  }
0x4f: {  	_ =	shalt  }
0x50: {  	_ =	shalt  }
0x51: {  	_ =	shalt  }
0x52: {  	_ =	shalt  }
0x53: {  	_ =	shalt  }
0x54: {  	_ =	shalt  }
0x55: {  	_ =	shalt  }
0x56: {  	_ =	shalt  }
0x57: {  	_ =	shalt  }
0x58: {  	_ =	shalt  }
0x59: {  	_ =	shalt  }
0x5a: {  	_ =	shalt  }
0x5b: {  	_ =	shalt  }
0x5c: {  	_ =	shalt  }
0x5d: {  	_ =	shalt  }
0x5e: {  	_ =	shalt  }
0x5f: {  	_ =	shalt  }
0x60: {  	_ =	shalt  }
0x61: {  	_ =	shalt  }
0x62: {  	_ =	shalt  }
0x63: {  	_ =	shalt  }
0x64: {  	_ =	shalt  }
0x65: {  	_ =	shalt  }
0x66: {  	_ =	shalt  }
0x67: {  	_ =	shalt  }
0x68: {  	_ =	shalt  }
0x69: {  	_ =	shalt  }
0x6a: {  	_ =	shalt  }
0x6b: {  	_ =	shalt  }
0x6c: {  	_ =	shalt  }
0x6d: {  	_ =	shalt  }
0x6e: {  	_ =	shalt  }
0x6f: {  	_ =	shalt  }
0x70: {  	_ =	shalt  }
0x71: {  	_ =	shalt  }
0x72: {  	_ =	shalt  }
0x73: {  	_ =	shalt  }
0x74: {  	_ =	shalt  }
0x75: {  	_ =	shalt  }
0x76: {  	_ =	shalt  }
0x77: {  	_ =	shalt  }
0x78: {  	_ =	shalt  }
0x79: {  	_ =	shalt  }
0x7a: {  	_ =	shalt  }
0x7b: {  	_ =	shalt  }
0x7c: {  	_ =	shalt  }
0x7d: {  	_ =	shalt  }
0x7e: {  	_ =	shalt  }
0x7f: {  	_ =	shalt  }
0x80: {  	_ =	shalt  }
0x81: {  	_ =	shalt  }
0x82: {  	_ =	shalt  }
0x83: {  	_ =	shalt  }
0x84: {  	_ =	shalt  }
0x85: {  	_ =	shalt  }
0x86: {  	_ =	shalt  }
0x87: {  	_ =	shalt  }
.Lfunc_end0:
.L_simem_size_0:
called_computation_lowered:
.L_overlay_start_0:
0x88: {  	s2 =	sld [smem:$0x3FD9]  }
0x89: {  	s3 =	sld [smem:$0x3FFE];
	_ =	sdelay $0x1  }
0x8a: {  	s1 =	srdreg.scid  }
0x8b: {  	s0 =	sand.u32 $0x1, s1  }
0x8c: {  	s17 =	sshll.u32 s0, $0xA;
	s2 =	sadd.s32 s3, s2  }
0x8d: {  	s2 =	sadd.s32 s2, s17  }
0x8e: {  	[smem:$0x3FBC] =	sst s2  }
0x8f: {  	_ = 	snop  }
0x90: {  	s2 =	sld [smem:$0x3FD0];
	(tm) =	ssettm $0x1  }
0x91: {  	s18 =	sld [smem:$0x3FFB];
	_ =	sdelay $0x3  }
0x92: {  	_ =	strace s18  }
0x93: {  	s3 =	sld [smem:$0x3FFC];
	_ =	sdelay $0x3  }
0x94: {  	_ =	strace s3  }
0x95: {  	s3 =	sld [smem:$0x3FFD];
	_ =	sdelay $0x3  }
0x96: {  	_ =	strace s3  }
0x97: {  	_ =	strace $0x8FFFFFFF  }
0x98: {  	s19 =	sld [smem:$0x3FDB];
	_ =	sdelay $0x1  }
0x99: {  	s4 =	simm.s32 $_scs_section_size  }
0x9a: {  	s5 =	simm.s32 $_size__tile_overlayer_lowered;
	s6 =	simm.s32 $_tile_overlayer_lowered  }
0x9b: {  	s22 =	simm.s32 $0x1BFF;
	s21 =	sshll.u32 s6, $0x1;
	s3 =	sadd.s32 s4, s19  }
0x9c: {  	s7 =	simm.s32 $0x0;
	s20 =	sshll.u32 s5, $0x1;
	s5 =	sadd.s32 s21, s3  }
0x9d: {  	[timem:s7], [sflag:s22] =	dma.local [hbm:s5], s20  }
0x9e: {  	_ =	swait.ge [sflag:s22], s20  }
0x9f: {  	s4 =	ssub.s32 $0x0, s20;
	[sflag:s22] =	ssyncset.done $0x0  }
0xa0: {  	[sflag:s22] =	ssyncadd.s32 s4;
	_ =	sdelay $0x1  }
0xa1: {  	s23 =	simm.s32 $0x1B8B  }
0xa2: {  	_ =	swait.ge [sflag:s23], $0x1  }
0xa3: {  	[sflag:s23] =	ssyncset.done $0x0  }
0xa4: {  	s25 =	simm.s32 $0x1B8E;
	s24 =	sld [smem:$0x3FFE];
	[sflag:s23] =	ssyncadd.s32 $0xFFFFFFFF  }
0xa5: {  	s26 =	simm.s32 $execute0_lowered;
	[smem:$0x3FD2] =	sst s25  }
0xa6: {  	s5 =	sshll.u32 s26, $0x1;
	_ =	strace $0x80000046;
	[dreg:$0x1] =	wrdreg $0xFFFFFFFF  }
0xa7: {  	s28 =	simm.s32 $_size_execute0_lowered;
	s3 =	sadd.s32 s3, s5;
	[dreg:$0x0] =	wrdreg $0x0  }
0xa8: {  	s5 =	sshll.u32 s28, $0x1;
	[dreg:$0x2] =	wrdreg s3  }
0xa9: {  	[dreg:$0x3] =	wrdreg s5  }
0xaa: {  	[dreg:$0x4] =	wrdreg $0xC0  }
0xab: {  	_ =	task [dreg:s7], $0x5FFFF  }
0xac: {  	[dreg:$0x1] =	wrdreg $0xFFFFFFFF  }
0xad: {  	[dreg:$0x0] =	wrdreg $0x60  }
0xae: {  	[dreg:$0x2] =	wrdreg s2  }
0xaf: {  	[dreg:$0x3] =	wrdreg s24  }
0xb0: {  	[dreg:$0x4] =	wrdreg $0x0  }
0xb1: {  	[dreg:$0x5] =	wrdreg $0x9  }
0xb2: {  	_ =	task.clear_ibuf [dreg:s7], $0x6FFFF;
	_ =	strace $0x90000046  }
0xb3: {  	s29 =	simm.s32 $0x9;
	_ =	strace $0x80000048  }
0xb4: {  	_ =	swait.ge [sflag:s29], $0x1  }
0xb5: {  	[sflag:s29] =	ssyncadd.s32 $0xFFFFFFFF  }
0xb6: {  	_ =	strace $0x90000048  }
0xb7: {  	_ =	sfence  }
0xb8: {  	s30 =	sld [smem:$0x0];
	_ =	sdelay $0x2  }
0xb9: {  	s31 =	sshll.u32 s1, $0xD;
	s1 =	sshrl.u32 s1, $0x2  }
0xba: {  	s3 =	sand.u32 $0x4000, s31;
	s1 =	sadd.s32 s1, s30  }
0xbb: {  	s0 =	sor.u32 s3, s0;
	s1 =	sshll.u32 s1, $0x11  }
0xbc: {  	s0 =	sor.u32 s1, s0  }
0xbd: {  	s0 =	sadd.s32 $0x8F2B, s0  }
0xbe: {  	[sflag:s0] =	ssyncadd.remote.s32 $0x1  }
0xbf: {  	_ =	sfence.sel $0xFFFF  }
0xc0: {  	[dreg:$0x0] =	wrdreg $0xFFFFFFFF;
	(pc) =	sbr.abs _section_cstart, $3  }
0xc1: {  	[dreg:$0x1] =	wrdreg $0xFFFFFFFF  }
0xc2: {  	_ =	task.clear_ibuf [dreg:s7], $0x2FFFF;
	_ =	strace $0x9FFFFFFF  }
0xc3: {  	(tm) =	ssettm $0x7FFFFFFF  }
tec
execute0_lowered:
.L_overlay_start_1:
0x0: {  	(tag) =	ssettag $0x1  }
0x1: {  	s5 =	rddreg [dreg:$0x0]  }
0x2: {  	s4 =	rddreg [dreg:$0x1]  }
0x3: {  	s2 =	rddreg [dreg:$0x2]  }
0x4: {  	s0 =	rddreg [dreg:$0x3]  }
0x5: {  	s1 =	stileid.u32;
	s6 =	srdreg.scid  }
0x6: {  	s3 =	simm.s32 $0x0;
	s12 =	simm.s32 $0x50;
	s13 =	simm.s32 $0x4280  }
0x7: {  	s14 =	simm.s32 $0x20;
	s15 =	simm.s32 $0x10;
	s16 =	simm.s32 $0x0  }
0x8: {  	s6 =	sand.u32 $0x1, s6;
	s7 =	smul.u32 $0x500, s1;
	[smem:$0x7FF] =	sst s3  }
0x9: {  	s8 =	smul.u32 $0x280, s1;
	s30 =	sshll.u32 s1, $0xB;
	s31 =	sshll.u32 s1, $0x6  }
0xa: {  	s9 =	sshll.u32 s6, $0x7;
	_ =	strace $0x80000047;
	s28 =	ssub.s32 $0x2, s6  }
0xb: {  	s6 =	sshll.u32 s6, $0xF;
	s7 =	sor.u32 s9, s7;
	s10 =	sshrl.u32 s8, $0x3  }
0xc: {  	s11 =	sshrl.u32 s28, $0x1;
	s29 =	sadd.s32 s8, s2;
	s8 =	sadd.s32 s5, s30  }
0xd: {  	s5 =	sor.u32 $0x1C01, s31;
	s7 =	sshrl.u32 s7, $0x3;
	s10 =	sadd.s32 s10, s4  }
0xe: {  	s9 =	ssub.s32 s28, s11;
	s6 =	sadd.s32 s6, s8;
	s11 =	simm.s32 $0x280  }
0xf: {  	s7 =	sadd.s32 s7, s4;
	s4 =	sadd.s32 $0x6000, s10;
	s8 =	smax.u32 s9, $0x1  }
0x10: {  	v0 =	vimm.f32 $1.000000000e+00;
	s9 =	sshrl.u32 s29, $0x3;
	s10 =	simm.s32 $0x1;
	s7 =	sadd.s32 $0x6600, s7  }
.LBB2_1:
0x11: {  	[tilespmem:$0x4280] =	vst v0  }
0x12: {  	[tilespmem:$0x4290] =	vst v0  }
0x13: {  	[tilespmem:$0x42A0] =	vst v0  }
0x14: {  	[tilespmem:$0x42B0] =	vst v0  }
0x15: {  	[tilespmem:$0x42C0] =	vst v0  }
0x16: {  	[spmem:s9], [sflag:s5] =	dma.local [hbm:s4], $0x50  }
0x17: {  	_ =	swait.ge [sflag:s10], $0x50  }
0x18: {  	[sflag:s10] =	ssyncset.done $0x0  }
0x19: {  	[sflag:s10] =	ssyncadd.s32 $0xFFFFFFB0  }
0x1a: {  	[tilespmem:s11], [sflag:$0x1] =	stream.linear.gather [hbm4b:s6+s3], $0x4000, $0x38;
	[tilespmem:$0x4300] =	vst v63  }
0x1b: {  	_ =	swait.ge [sflag:s10], $0x4000  }
0x1c: {  	[sflag:s10] =	ssyncset.done $0x0  }
0x1d: {  	[sflag:s10] =	ssyncadd.s32 $0xFFFFC000  }
0x1e: {  	s17 =	simm.s32 $0x280;
	[bflag:$0x0] =	sbarrier.arrive $0xFFFF  }
0x1f: {  	[spmem:s2] =	stream.indirect.scatter.add.f32 [tilespmem:s13], [sflag:$0x1], $0x1, s17, s12, $0xb8;
	[tilespmem:$0x4300] =	vst v63  }
0x20: {  	s17 =	simm.s32 $0x200;
	_ =	swait.ge [sflag:s10], $0x50  }
.LBB2_2:
0x21: {  	s18 =	sshra.s32 s17, $0x2;
	[sflag:s10] =	ssyncset.done $0x0;
	p0 =	sne.s32 s17, $0xFE00  }
.Ltmp0:
0x22: {  	s18 =	sadd.s32 $0x280, s18;
	[sflag:s10] =	ssyncadd.s32 $0xFFFFFFB0;
	(pc) =	sbr.rel @p0 .LBB2_2-.Ltmp0, $3  }
0x23: {  	[spmem:s2] =	stream.indirect.scatter.add.f32 [tilespmem:s13], [sflag:$0x1], $0x1, s18, s12, $0xb8;
	[tilespmem:$0x4300] =	vst v63  }
0x24: {  	s17 =	sadd.s32 $0x200, s17;
	_ =	sdelay $0x1  }
0x25: {  	_ =	swait.ge [sflag:s10], $0x50  }
0x26: {  	[sflag:s10] =	ssyncset.done $0x0;
	s16 =	sadd.s32 $0x1, s16  }
0x27: {  	[sflag:s10] =	ssyncadd.s32 $0xFFFFFFB0;
	p0 =	sne.s32 s16, s8  }
.Ltmp1:
0x28: {  	[bflag:$0x0] =	sbarrier.arrive $0xFFFF;
	(pc) =	sbr.rel @p0 .LBB2_1-.Ltmp1, $4  }
0x29: {  	[hbm:s7@s14], [sflag:s5] =	dma.strided [spmem:s9@s15], $0x50, s10, $0x10   }
0x2a: {  	_ =	swait.ge [sflag:s10], $0x50  }
0x2b: {  	[sflag:s10] =	ssyncset.done $0x0  }
0x2c: {  	[sflag:s10] =	ssyncadd.s32 $0xFFFFFFB0  }
0x2d: {  	_ =	sfence.sel $0x180000  }
0x2e: {  	[bflag:$0x0] =	sbarrier.arrive $0xFFFF  }
0x2f: {  	p0 =	sne.s32 s1, $0x0;
	_ =	strace $0x90000047  }
0x30: {  	s0 =	sadd.s32 @!p0 $0x100000, s0;
	[bflag:$0x2] =	sbarrier.arrive $0xFFFF  }
0x31: {  	[sflag:s0] =	ssyncadd.tile.s32 @!p0 $0x1;
	_ =	shalt  }
.Lfunc_end2:
_tile_overlayer_lowered:
.L_overlay_start_2:
0x32: {  	(tag) =	ssettag $0x2  }
0x33: {  	s0 =	rddreg [dreg:$0x0];
	s2 =	stileid.u32  }
0x34: {  	s1 =	rddreg [dreg:$0x1];
	p0 =	sne.s32 s2, $0x0  }
0x35: {  	s3 =	rddreg [dreg:$0x2];
	[bflag:$0x3] =	sbarrier.arrive $0xFFFF;
	s2 =	simm.s32 @!p0 $0x1C01  }
0x36: {  	[timem:s3], [sflag:s2] =	dma.local @!p0 [hbm:s0], s1  }
0x37: {  	s0 =	simm.s32 @!p0 $0x1  }
0x38: {  	_ =	swait.ge @!p0 [sflag:s0], s1  }
0x39: {  	s1 =	ssub.s32 @!p0 $0x0, s1;
	[sflag:s0] =	ssyncset.done @!p0 $0x0  }
0x3a: {  	[sflag:s0] =	ssyncadd.s32 @!p0 s1  }
0x3b: {  	[bflag:$0x3] =	sbarrier.arrive $0xFFFF  }
0x3c: {  	_ =	shalt  }

// kernel: kernel.15.cloned.1.call-start
scs
__scs_entry_jumppad:
0x0: {  	(pc) =	sbr.rel $0x88, $3  }
0x1: {  	(tag) =	ssettag $0x0;
	lr =	simm.s32 $0x1  }
0x2: {  	[smem:$0x3F95] =	sst lr;
	_ =	strace $0xD0000000  }
0x3: {  	_ = 	snop  }
0x4: {  	_ = 	snop  }
0x5: {  	_ = 	snop  }
0x6: {  	_ = 	snop  }
0x7: {  	_ = 	snop  }
__scs_overlays_trampoline_lowered:
0x8: {  	[smem:$0x3FA4] =	sst s0  }
0x9: {  	[smem:$0x3FA5] =	sst s1  }
0xa: {  	[smem:$0x3FA6] =	sst s2  }
0xb: {  	[smem:$0x3FA7] =	sst s3  }
0xc: {  	[smem:$0x3FA8] =	sst s4  }
0xd: {  	[smem:$0x3FA9] =	sst s5  }
0xe: {  	[smem:$0x3FAA] =	sst s6  }
0xf: {  	[smem:$0x3FAB] =	sst s7  }
0x10: {  	[smem:$0x3FAC] =	sst s8  }
0x11: {  	[smem:$0x3FAD] =	sst s9;
	s0 =	simm.s32 @!p0 $0x0  }
0x12: {  	s1 =	sld [smem:$0x3F93];
	s0 =	simm.s32 @p0 $0x1  }
0x13: {  	[smem:$0x3FAE] =	sst s0;
	s0 =	simm.s32 @!p1 $0x0  }
0x14: {  	s2 =	sld [smem:$0x3F92];
	s0 =	simm.s32 @p1 $0x1  }
0x15: {  	[smem:$0x3FAF] =	sst s0;
	s0 =	simm.s32 @!p2 $0x0  }
0x16: {  	s3 =	sld [smem:$0x3FDB];
	s0 =	simm.s32 @p2 $0x1  }
0x17: {  	s4 =	simm.s32 $0x1BF5;
	[smem:$0x3FB1] =	sst s0  }
0x18: {  	s0 =	sld [smem:$0x3F94];
	_ =	swait.ge [sflag:s4], $0x0  }
0x19: {  	s7 =	sld [smem:$0x3F95]  }
0x1a: {  	s8 =	sadd.s32 $0xFFFFE003, lr  }
0x1b: {  	s9 =	sadd.s32 $0xFFFFFEF7, lr;
	s5 =	simm.s32 $0xFFFFFFFF;
	p2 =	slt.u32 s8, $0xFFFFF086  }
0x1c: {  	p1 =	slt.u32 s9, $0xF7A;
	s5 =	simm.s32 @!p2 $0x0  }
0x1d: {  	s5 =	simm.s32 @p1 $0x1;
	p0 =	seq.s32 s7, s2  }
0x1e: {  	s7 =	smul.u32 @!p0 $0xF7A, s2;
	p2 =	seq.s32 @!p0 s5, $0x0  }
0x1f: {  	s9 =	smul.u32 $0xF7A, s1;
	s8 =	simm.s32 @!p0 $0x1BF5;
	p2 =	por !p2, p0  }
0x20: {  	[sflag:s8] =	ssyncset.s32 @!p0 $0xFFFFF086;
	s6 =	sadd.s32 @!p0 s3, s7;
	s7 =	simm.s32 @!p0 $0x108  }
0x21: {  	s3 =	sadd.s32 s3, s9;
	s6 =	sadd.s32 @!p0 $0x88, s6;
	s7 =	simm.s32 @p2 $0x1082  }
0x22: {  	[simem:s7], [sflag:s8] =	dma.local @!p0 [hbm:s6], $0xF7A  }
0x23: {  	s9 =	sor.u32 $0xD0000000, s2;
	s6 =	simm.s32 $0x108;
	_ =	swait.ge @!p0 [sflag:s8], $0x0  }
0x24: {  	s3 =	sadd.s32 $0x88, s3;
	s6 =	simm.s32 @!p1 $0x1082;
	[sflag:s4] =	ssyncset.s32 $0xFFFFF086  }
0x25: {  	[simem:s6], [sflag:s4] =	dma.local [hbm:s3], $0xF7A  }
0x26: {  	[smem:$0x3F95] =	sst s1;
	(tag) =	ssettag s2;
	_ =	strace s9  }
0x27: {  	s1 =	sld [smem:$0x3FA5]  }
0x28: {  	s2 =	sld [smem:$0x3FA6]  }
0x29: {  	s4 =	sld [smem:$0x3FA8]  }
0x2a: {  	p0 =	seq.s32 s5, $0x0;
	s5 =	sld [smem:$0x3FA9]  }
0x2b: {  	s6 =	sld [smem:$0x3FAA]  }
0x2c: {  	s7 =	sld [smem:$0x3FAB]  }
0x2d: {  	s3 =	simm.s32 $0x108;
	s8 =	sld [smem:$0x3FAC]  }
0x2e: {  	s3 =	simm.s32 @!p0 $0x1082;
	s9 =	sld [smem:$0x3FAD]  }
0x2f: {  	lr =	sadd.s32 s0, s3;
	s0 =	sld [smem:$0x3FA4]  }
0x30: {  	s3 =	sld [smem:$0x3FA7]  }
0x31: {  	[smem:$0x3FB0] =	sst s10  }
0x32: {  	s10 =	sld [smem:$0x3FAE];
	_ =	sdelay $0x3  }
0x33: {  	p0 =	seq.s32 s10, $0x1;
	s10 =	sld [smem:$0x3FB0];
	_ =	sdelay $0x3  }
0x34: {  	[smem:$0x3FB0] =	sst s10  }
0x35: {  	s10 =	sld [smem:$0x3FAF];
	_ =	sdelay $0x3  }
0x36: {  	p1 =	seq.s32 s10, $0x1;
	s10 =	sld [smem:$0x3FB0];
	_ =	sdelay $0x3  }
0x37: {  	[smem:$0x3FB0] =	sst s10  }
0x38: {  	s10 =	sld [smem:$0x3FB1]  }
0x39: {  	_ = 	snop;
	(pc) =	sbr.ind lr, $3  }
0x3a: {  	_ = 	snop  }
0x3b: {  	_ = 	snop  }
0x3c: {  	p2 =	seq.s32 s10, $0x1;
	s10 =	sld [smem:$0x3FB0]  }
0x3d: {  	_ =	shalt  }
0x3e: {  	_ =	shalt  }
0x3f: {  	_ =	shalt  }
0x40: {  	_ =	shalt  }
0x41: {  	_ =	shalt  }
0x42: {  	_ =	shalt  }
0x43: {  	_ =	shalt  }
0x44: {  	_ =	shalt  }
0x45: {  	_ =	shalt  }
0x46: {  	_ =	shalt  }
0x47: {  	_ =	shalt  }
0x48: {  	_ =	shalt  }
0x49: {  	_ =	shalt  }
0x4a: {  	_ =	shalt  }
0x4b: {  	_ =	shalt  }
0x4c: {  	_ =	shalt  }
0x4d: {  	_ =	shalt  }
0x4e: {  	_ =	shalt  }
0x4f: {  	_ =	shalt  }
0x50: {  	_ =	shalt  }
0x51: {  	_ =	shalt  }
0x52: {  	_ =	shalt  }
0x53: {  	_ =	shalt  }
0x54: {  	_ =	shalt  }
0x55: {  	_ =	shalt  }
0x56: {  	_ =	shalt  }
0x57: {  	_ =	shalt  }
0x58: {  	_ =	shalt  }
0x59: {  	_ =	shalt  }
0x5a: {  	_ =	shalt  }
0x5b: {  	_ =	shalt  }
0x5c: {  	_ =	shalt  }
0x5d: {  	_ =	shalt  }
0x5e: {  	_ =	shalt  }
0x5f: {  	_ =	shalt  }
0x60: {  	_ =	shalt  }
0x61: {  	_ =	shalt  }
0x62: {  	_ =	shalt  }
0x63: {  	_ =	shalt  }
0x64: {  	_ =	shalt  }
0x65: {  	_ =	shalt  }
0x66: {  	_ =	shalt  }
0x67: {  	_ =	shalt  }
0x68: {  	_ =	shalt  }
0x69: {  	_ =	shalt  }
0x6a: {  	_ =	shalt  }
0x6b: {  	_ =	shalt  }
0x6c: {  	_ =	shalt  }
0x6d: {  	_ =	shalt  }
0x6e: {  	_ =	shalt  }
0x6f: {  	_ =	shalt  }
0x70: {  	_ =	shalt  }
0x71: {  	_ =	shalt  }
0x72: {  	_ =	shalt  }
0x73: {  	_ =	shalt  }
0x74: {  	_ =	shalt  }
0x75: {  	_ =	shalt  }
0x76: {  	_ =	shalt  }
0x77: {  	_ =	shalt  }
0x78: {  	_ =	shalt  }
0x79: {  	_ =	shalt  }
0x7a: {  	_ =	shalt  }
0x7b: {  	_ =	shalt  }
0x7c: {  	_ =	shalt  }
0x7d: {  	_ =	shalt  }
0x7e: {  	_ =	shalt  }
0x7f: {  	_ =	shalt  }
0x80: {  	_ =	shalt  }
0x81: {  	_ =	shalt  }
0x82: {  	_ =	shalt  }
0x83: {  	_ =	shalt  }
0x84: {  	_ =	shalt  }
0x85: {  	_ =	shalt  }
0x86: {  	_ =	shalt  }
0x87: {  	_ =	shalt  }
.Lfunc_end0:
.L_simem_size_0:
called_computation.1_lowered:
.L_overlay_start_0:
0x88: {  	s2 =	sld [smem:$0x3FD9]  }
0x89: {  	s3 =	sld [smem:$0x3FFE];
	_ =	sdelay $0x1  }
0x8a: {  	s1 =	srdreg.scid  }
0x8b: {  	s0 =	sand.u32 $0x1, s1  }
0x8c: {  	s17 =	sshll.u32 s0, $0xA;
	s2 =	sadd.s32 s3, s2  }
0x8d: {  	s2 =	sadd.s32 s2, s17  }
0x8e: {  	[smem:$0x3FBC] =	sst s2  }
0x8f: {  	_ = 	snop  }
0x90: {  	s2 =	sld [smem:$0x3FD0];
	(tm) =	ssettm $0x1  }
0x91: {  	s18 =	sld [smem:$0x3FFB];
	_ =	sdelay $0x3  }
0x92: {  	_ =	strace s18  }
0x93: {  	s3 =	sld [smem:$0x3FFC];
	_ =	sdelay $0x3  }
0x94: {  	_ =	strace s3  }
0x95: {  	s3 =	sld [smem:$0x3FFD];
	_ =	sdelay $0x3  }
0x96: {  	_ =	strace s3  }
0x97: {  	_ =	strace $0x8FFFFFFF  }
0x98: {  	s19 =	sld [smem:$0x3FDB];
	_ =	sdelay $0x1  }
0x99: {  	s4 =	simm.s32 $_scs_section_size  }
0x9a: {  	s5 =	simm.s32 $_size__tile_overlayer_lowered;
	s6 =	simm.s32 $_tile_overlayer_lowered  }
0x9b: {  	s22 =	simm.s32 $0x1BFF;
	s21 =	sshll.u32 s6, $0x1;
	s3 =	sadd.s32 s4, s19  }
0x9c: {  	s7 =	simm.s32 $0x0;
	s20 =	sshll.u32 s5, $0x1;
	s5 =	sadd.s32 s21, s3  }
0x9d: {  	[timem:s7], [sflag:s22] =	dma.local [hbm:s5], s20  }
0x9e: {  	_ =	swait.ge [sflag:s22], s20  }
0x9f: {  	s4 =	ssub.s32 $0x0, s20;
	[sflag:s22] =	ssyncset.done $0x0  }
0xa0: {  	[sflag:s22] =	ssyncadd.s32 s4;
	_ =	sdelay $0x1  }
0xa1: {  	s23 =	simm.s32 $0x1B8B  }
0xa2: {  	_ =	swait.ge [sflag:s23], $0x1  }
0xa3: {  	[sflag:s23] =	ssyncset.done $0x0  }
0xa4: {  	s25 =	simm.s32 $0x1B8E;
	s24 =	sld [smem:$0x3FFE];
	[sflag:s23] =	ssyncadd.s32 $0xFFFFFFFF  }
0xa5: {  	s26 =	simm.s32 $execute0_lowered;
	[smem:$0x3FD2] =	sst s25  }
0xa6: {  	s5 =	sshll.u32 s26, $0x1;
	_ =	strace $0x80000049;
	[dreg:$0x1] =	wrdreg $0xFFFFFFFF  }
0xa7: {  	s28 =	simm.s32 $_size_execute0_lowered;
	s3 =	sadd.s32 s3, s5;
	[dreg:$0x0] =	wrdreg $0x0  }
0xa8: {  	s5 =	sshll.u32 s28, $0x1;
	[dreg:$0x2] =	wrdreg s3  }
0xa9: {  	[dreg:$0x3] =	wrdreg s5  }
0xaa: {  	[dreg:$0x4] =	wrdreg $0xC0  }
0xab: {  	_ =	task [dreg:s7], $0x5FFFF  }
0xac: {  	[dreg:$0x1] =	wrdreg $0xFFFFFFFF  }
0xad: {  	[dreg:$0x0] =	wrdreg $0x60  }
0xae: {  	[dreg:$0x2] =	wrdreg s2  }
0xaf: {  	[dreg:$0x3] =	wrdreg s24  }
0xb0: {  	[dreg:$0x4] =	wrdreg $0x0  }
0xb1: {  	[dreg:$0x5] =	wrdreg $0x9  }
0xb2: {  	_ =	task.clear_ibuf [dreg:s7], $0x6FFFF;
	_ =	strace $0x90000049  }
0xb3: {  	s29 =	simm.s32 $0x9;
	_ =	strace $0x8000004B  }
0xb4: {  	_ =	swait.ge [sflag:s29], $0x1  }
0xb5: {  	[sflag:s29] =	ssyncadd.s32 $0xFFFFFFFF  }
0xb6: {  	_ =	strace $0x9000004B  }
0xb7: {  	_ =	sfence  }
0xb8: {  	s30 =	sld [smem:$0x0];
	_ =	sdelay $0x2  }
0xb9: {  	s31 =	sshll.u32 s1, $0xD;
	s1 =	sshrl.u32 s1, $0x2  }
0xba: {  	s3 =	sand.u32 $0x4000, s31;
	s1 =	sadd.s32 s1, s30  }
0xbb: {  	s0 =	sor.u32 s3, s0;
	s1 =	sshll.u32 s1, $0x11  }
0xbc: {  	s0 =	sor.u32 s1, s0  }
0xbd: {  	s0 =	sadd.s32 $0x8F2B, s0  }
0xbe: {  	[sflag:s0] =	ssyncadd.remote.s32 $0x1  }
0xbf: {  	_ =	sfence.sel $0xFFFF  }
0xc0: {  	[dreg:$0x0] =	wrdreg $0xFFFFFFFF;
	(pc) =	sbr.abs _section_cstart, $3  }
0xc1: {  	[dreg:$0x1] =	wrdreg $0xFFFFFFFF  }
0xc2: {  	_ =	task.clear_ibuf [dreg:s7], $0x2FFFF;
	_ =	strace $0x9FFFFFFF  }
0xc3: {  	(tm) =	ssettm $0x7FFFFFFF  }
tec
execute0_lowered:
.L_overlay_start_1:
0x0: {  	(tag) =	ssettag $0x1  }
0x1: {  	s2 =	rddreg [dreg:$0x0]  }
0x2: {  	s5 =	rddreg [dreg:$0x1]  }
0x3: {  	s3 =	rddreg [dreg:$0x2]  }
0x4: {  	s0 =	rddreg [dreg:$0x3]  }
0x5: {  	s1 =	stileid.u32;
	s6 =	srdreg.scid;
	s4 =	simm.s32 $0x0  }
0x6: {  	s14 =	simm.s32 $0x18000;
	s15 =	simm.s32 $0x18200;
	s16 =	simm.s32 $0x18100  }
0x7: {  	s17 =	simm.s32 $0x1AA00;
	s18 =	simm.s32 $0x1;
	s19 =	simm.s32 $0x18080  }
0x8: {  	s20 =	simm.s32 $0x2;
	s21 =	simm.s32 $0x18180;
	s22 =	simm.s32 $0x0  }
0x9: {  	s7 =	smul.u32 $0x14000, s1;
	s6 =	sand.u32 $0x1, s6;
	[smem:$0x7FF] =	sst s4  }
0xa: {  	s9 =	sshll.u32 s1, $0xB;
	s11 =	smul.u32 $0x50000, s1;
	s30 =	sshll.u32 s1, $0x6  }
0xb: {  	s8 =	smul.u32 $0x140000, s6;
	_ =	strace $0x8000004A;
	s9 =	sadd.s32 s9, s5  }
0xc: {  	s26 =	ssub.s32 $0x2, s6;
	s6 =	sshll.u32 s6, $0xF;
	s10 =	sshrl.u32 s7, $0x3  }
0xd: {  	s28 =	sshrl.u32 s26, $0x1;
	s29 =	sshrl.u32 s11, $0x2;
	s31 =	sadd.s32 s6, s9  }
0xe: {  	s6 =	sor.u32 $0x1C03, s30;
	s7 =	sadd.s32 s7, s8;
	s10 =	sadd.s32 s10, s5  }
0xf: {  	s13 =	ssub.s32 s26, s28;
	s11 =	sadd.s32 s29, s3;
	s7 =	sshrl.u32 s7, $0x3  }
0x10: {  	s9 =	smax.u32 s13, $0x1;
	s13 =	simm.s32 $0x50;
	s12 =	sadd.s32 s7, s5  }
0x11: {  	s5 =	sadd.s32 $0x67000, s10;
	s7 =	sadd.s32 $0x7000, s31;
	s10 =	sshrl.u32 s11, $0x3  }
0x12: {  	s11 =	simm.s32 $0x3;
	s8 =	sadd.s32 $0x8F000, s12;
	s12 =	simm.s32 $0x14000  }
.LBB2_1:
0x13: {  	[spmem:s10], [sflag:s6] =	dma.local [hbm:s5], $0x2800  }
0x14: {  	_ =	swait.ge [sflag:s11], $0x2800  }
0x15: {  	[sflag:s11] =	ssyncset.done $0x0  }
0x16: {  	[sflag:s11] =	ssyncadd.s32 $0xFFFFD800  }
0x17: {  	[tilespmem:s12], [sflag:$0x3] =	stream.linear.gather [hbm4b:s7+s4], $0x4000, $0x38;
	[tilespmem:$0x1D200] =	vst v63  }
0x18: {  	_ =	swait.ge [sflag:s11], $0x4000  }
0x19: {  	[sflag:s11] =	ssyncset.done $0x0  }
0x1a: {  	[sflag:s11] =	ssyncadd.s32 $0xFFFFC000  }
0x1b: {  	[bflag:$0x0] =	sbarrier.arrive $0xFFFF  }
0x1c: {  	v0 =	vld [tilespmem:$0x14000];
	_ =	sdelay $0x1  }
0x1d: {  	v1 =	vld [tilespmem:$0x14010];
	_ =	sdelay $0x1  }
0x1e: {  	v2 =	vld [tilespmem:$0x14020]  }
0x1f: {  	v3 =	vshrl.u32 v0, $0xE  }
0x20: {  	v0 =	vand.u32 $0x3FFF, v0;
	[tilespmem:$0x18000] =	vst v3;
	v3 =	vld [tilespmem:$0x14030]  }
0x21: {  	[tilespmem:$0x18080] =	vst v0;
	v0 =	vshrl.u32 v1, $0xE  }
0x22: {  	[tilespmem:$0x18010] =	vst v0;
	v0 =	vand.u32 $0x3FFF, v1;
	v1 =	vld [tilespmem:$0x14040]  }
0x23: {  	[tilespmem:$0x18090] =	vst v0;
	v0 =	vshrl.u32 v2, $0xE  }
0x24: {  	[tilespmem:$0x18020] =	vst v0;
	v0 =	vand.u32 $0x3FFF, v2  }
0x25: {  	[tilespmem:$0x180A0] =	vst v0;
	v0 =	vshrl.u32 v3, $0xE  }
0x26: {  	[tilespmem:$0x18030] =	vst v0;
	v0 =	vand.u32 $0x3FFF, v3  }
0x27: {  	[tilespmem:$0x180B0] =	vst v0;
	v0 =	vshrl.u32 v1, $0xE  }
0x28: {  	[tilespmem:$0x18040] =	vst v0;
	v0 =	vand.u32 $0x3FFF, v1  }
0x29: {  	[tilespmem:$0x180C0] =	vst v0  }
0x2a: {  	[tilespmem:s15], [sflag:$0x1] =	stream.indirect.gather [hbm4b:s2+s13], $0x80, s14, s13, $0xb8;
	[tilespmem:$0x1D200] =	vst v63  }
0x2b: {  	v0 =	vld [tilespmem:$0x14080];
	_ =	sdelay $0x1  }
0x2c: {  	v1 =	vld [tilespmem:$0x14090];
	_ =	sdelay $0x1  }
0x2d: {  	v2 =	vld [tilespmem:$0x140A0]  }
0x2e: {  	v3 =	vshrl.u32 v0, $0xE  }
0x2f: {  	v0 =	vand.u32 $0x3FFF, v0;
	[tilespmem:$0x18100] =	vst v3;
	v3 =	vld [tilespmem:$0x140B0]  }
0x30: {  	[tilespmem:$0x18180] =	vst v0;
	v0 =	vshrl.u32 v1, $0xE  }
0x31: {  	[tilespmem:$0x18110] =	vst v0;
	v0 =	vand.u32 $0x3FFF, v1;
	v1 =	vld [tilespmem:$0x140C0]  }
0x32: {  	[tilespmem:$0x18190] =	vst v0;
	v0 =	vshrl.u32 v2, $0xE  }
0x33: {  	[tilespmem:$0x18120] =	vst v0;
	v0 =	vand.u32 $0x3FFF, v2  }
0x34: {  	[tilespmem:$0x181A0] =	vst v0;
	v0 =	vshrl.u32 v3, $0xE  }
0x35: {  	[tilespmem:$0x18130] =	vst v0;
	v0 =	vand.u32 $0x3FFF, v3  }
0x36: {  	[tilespmem:$0x181B0] =	vst v0;
	v0 =	vshrl.u32 v1, $0xE  }
0x37: {  	[tilespmem:$0x18140] =	vst v0;
	v0 =	vand.u32 $0x3FFF, v1  }
0x38: {  	[tilespmem:$0x181C0] =	vst v0  }
0x39: {  	[tilespmem:s17], [sflag:$0x2] =	stream.indirect.gather [hbm4b:s2+s13], $0x80, s16, s13, $0xb8;
	[tilespmem:$0x1D200] =	vst v63  }
0x3a: {  	_ =	swait.ge [sflag:s18], $0x2800  }
0x3b: {  	[sflag:s18] =	ssyncset.done $0x0  }
0x3c: {  	[sflag:s18] =	ssyncadd.s32 $0xFFFFD800  }
0x3d: {  	[spmem:s3] =	stream.indirect.scatter.add.f32 [tilespmem:s15], [sflag:$0x3], $0x80, s19, s13, $0xb8;
	[tilespmem:$0x1D200] =	vst v63  }
0x3e: {  	_ =	swait.ge [sflag:s11], $0x2800  }
0x3f: {  	s23 =	simm.s32 $0x100;
	[sflag:s11] =	ssyncset.done $0x0  }
0x40: {  	s23 =	sand.u32 $0x3F00, s23;
	[sflag:s11] =	ssyncadd.s32 $0xFFFFD800  }
0x41: {  	v0 =	vld [tilespmem:s23+$0x14000];
	_ =	sdelay $0x4  }
0x42: {  	v1 =	vshrl.u32 v0, $0xE  }
0x43: {  	v0 =	vand.u32 $0x3FFF, v0;
	[tilespmem:$0x18000] =	vst v1  }
0x44: {  	[tilespmem:$0x18080] =	vst v0  }
0x45: {  	v0 =	vld [tilespmem:s23+$0x14010];
	_ =	sdelay $0x4  }
0x46: {  	v1 =	vshrl.u32 v0, $0xE  }
0x47: {  	v0 =	vand.u32 $0x3FFF, v0;
	[tilespmem:$0x18010] =	vst v1  }
0x48: {  	[tilespmem:$0x18090] =	vst v0  }
0x49: {  	v0 =	vld [tilespmem:s23+$0x14020];
	_ =	sdelay $0x4  }
0x4a: {  	v1 =	vshrl.u32 v0, $0xE  }
0x4b: {  	v0 =	vand.u32 $0x3FFF, v0;
	[tilespmem:$0x18020] =	vst v1  }
0x4c: {  	[tilespmem:$0x180A0] =	vst v0  }
0x4d: {  	v0 =	vld [tilespmem:s23+$0x14030];
	_ =	sdelay $0x4  }
0x4e: {  	v1 =	vshrl.u32 v0, $0xE  }
0x4f: {  	v0 =	vand.u32 $0x3FFF, v0;
	[tilespmem:$0x18030] =	vst v1  }
0x50: {  	[tilespmem:$0x180B0] =	vst v0  }
0x51: {  	v0 =	vld [tilespmem:s23+$0x14040];
	_ =	sdelay $0x4  }
0x52: {  	v1 =	vshrl.u32 v0, $0xE  }
0x53: {  	v0 =	vand.u32 $0x3FFF, v0;
	[tilespmem:$0x18040] =	vst v1  }
0x54: {  	[tilespmem:$0x180C0] =	vst v0  }
0x55: {  	[tilespmem:s15], [sflag:$0x1] =	stream.indirect.gather [hbm4b:s2+s13], $0x80, s14, s13, $0xb8;
	[tilespmem:$0x1D200] =	vst v63  }
0x56: {  	_ =	swait.ge [sflag:s20], $0x2800  }
0x57: {  	[sflag:s20] =	ssyncset.done $0x0  }
0x58: {  	[sflag:s20] =	ssyncadd.s32 $0xFFFFD800  }
0x59: {  	[spmem:s3] =	stream.indirect.scatter.add.f32 [tilespmem:s17], [sflag:$0x3], $0x80, s21, s13, $0xb8;
	[tilespmem:$0x1D200] =	vst v63  }
0x5a: {  	_ =	swait.ge [sflag:s11], $0x2800  }
0x5b: {  	s31 =	simm.s32 $0x180;
	[sflag:s11] =	ssyncset.done $0x0  }
0x5c: {  	s25 =	sand.u32 $0x3F80, s31;
	[sflag:s11] =	ssyncadd.s32 $0xFFFFD800  }
0x5d: {  	v0 =	vld [tilespmem:s25+$0x14000];
	_ =	sdelay $0x4  }
0x5e: {  	v1 =	vshrl.u32 v0, $0xE  }
0x5f: {  	v0 =	vand.u32 $0x3FFF, v0;
	[tilespmem:$0x18100] =	vst v1  }
0x60: {  	[tilespmem:$0x18180] =	vst v0  }
0x61: {  	v0 =	vld [tilespmem:s25+$0x14010];
	_ =	sdelay $0x4  }
0x62: {  	v1 =	vshrl.u32 v0, $0xE  }
0x63: {  	v0 =	vand.u32 $0x3FFF, v0;
	[tilespmem:$0x18110] =	vst v1  }
0x64: {  	[tilespmem:$0x18190] =	vst v0  }
0x65: {  	v0 =	vld [tilespmem:s25+$0x14020];
	_ =	sdelay $0x4  }
0x66: {  	v1 =	vshrl.u32 v0, $0xE  }
0x67: {  	v0 =	vand.u32 $0x3FFF, v0;
	[tilespmem:$0x18120] =	vst v1  }
0x68: {  	[tilespmem:$0x181A0] =	vst v0  }
0x69: {  	v0 =	vld [tilespmem:s25+$0x14030];
	_ =	sdelay $0x4  }
0x6a: {  	s23 =	simm.s32 $0x280;
	v1 =	vshrl.u32 v0, $0xE;
	v0 =	vand.u32 $0x3FFF, v0  }
.LBB2_2:
0x6b: {  	p0 =	sne.s32 s23, $0x4080;
	[tilespmem:$0x18130] =	vst v1;
	s24 =	smov.u32 s23;
	s23 =	sadd.s32 $0x100, s23  }
0x6c: {  	[tilespmem:$0x181B0] =	vst v0  }
0x6d: {  	v0 =	vld [tilespmem:s25+$0x14040];
	_ =	sdelay $0x4  }
0x6e: {  	v1 =	vshrl.u32 v0, $0xE;
	v0 =	vand.u32 $0x3FFF, v0  }
0x6f: {  	[tilespmem:$0x18140] =	vst v1  }
0x70: {  	[tilespmem:$0x181C0] =	vst v0  }
0x71: {  	[tilespmem:s17], [sflag:$0x2] =	stream.indirect.gather [hbm4b:s2+s13], $0x80, s16, s13, $0xb8;
	[tilespmem:$0x1D200] =	vst v63  }
0x72: {  	_ =	swait.ge [sflag:s18], $0x2800  }
0x73: {  	[sflag:s18] =	ssyncset.done $0x0  }
0x74: {  	[sflag:s18] =	ssyncadd.s32 $0xFFFFD800  }
0x75: {  	[spmem:s3] =	stream.indirect.scatter.add.f32 [tilespmem:s15], [sflag:$0x3], $0x80, s19, s13, $0xb8;
	[tilespmem:$0x1D200] =	vst v63  }
0x76: {  	_ =	swait.ge [sflag:s11], $0x2800  }
0x77: {  	s25 =	sadd.s32 $0xFFFFFF80, s24;
	[sflag:s11] =	ssyncset.done $0x0  }
0x78: {  	s25 =	sand.u32 $0x3F00, s25;
	[sflag:s11] =	ssyncadd.s32 $0xFFFFD800  }
0x79: {  	v0 =	vld [tilespmem:s25+$0x14000];
	_ =	sdelay $0x4  }
0x7a: {  	v1 =	vshrl.u32 v0, $0xE;
	v0 =	vand.u32 $0x3FFF, v0  }
0x7b: {  	[tilespmem:$0x18000] =	vst v1  }
0x7c: {  	[tilespmem:$0x18080] =	vst v0  }
0x7d: {  	v0 =	vld [tilespmem:s25+$0x14010];
	_ =	sdelay $0x4  }
0x7e: {  	v1 =	vshrl.u32 v0, $0xE;
	v0 =	vand.u32 $0x3FFF, v0  }
0x7f: {  	[tilespmem:$0x18010] =	vst v1  }
0x80: {  	[tilespmem:$0x18090] =	vst v0  }
0x81: {  	v0 =	vld [tilespmem:s25+$0x14020];
	_ =	sdelay $0x4  }
0x82: {  	v1 =	vshrl.u32 v0, $0xE;
	v0 =	vand.u32 $0x3FFF, v0  }
0x83: {  	[tilespmem:$0x18020] =	vst v1  }
0x84: {  	[tilespmem:$0x180A0] =	vst v0  }
0x85: {  	v0 =	vld [tilespmem:s25+$0x14030];
	_ =	sdelay $0x4  }
0x86: {  	v1 =	vshrl.u32 v0, $0xE;
	v0 =	vand.u32 $0x3FFF, v0  }
0x87: {  	[tilespmem:$0x18030] =	vst v1  }
0x88: {  	[tilespmem:$0x180B0] =	vst v0  }
0x89: {  	v0 =	vld [tilespmem:s25+$0x14040];
	_ =	sdelay $0x4  }
0x8a: {  	v1 =	vshrl.u32 v0, $0xE;
	v0 =	vand.u32 $0x3FFF, v0  }
0x8b: {  	[tilespmem:$0x18040] =	vst v1  }
0x8c: {  	[tilespmem:$0x180C0] =	vst v0  }
0x8d: {  	[tilespmem:s15], [sflag:$0x1] =	stream.indirect.gather [hbm4b:s2+s13], $0x80, s14, s13, $0xb8;
	[tilespmem:$0x1D200] =	vst v63  }
0x8e: {  	_ =	swait.ge [sflag:s20], $0x2800  }
0x8f: {  	s25 =	sand.u32 $0x3F80, s24;
	[sflag:s20] =	ssyncset.done $0x0  }
0x90: {  	[sflag:s20] =	ssyncadd.s32 $0xFFFFD800  }
0x91: {  	[spmem:s3] =	stream.indirect.scatter.add.f32 [tilespmem:s17], [sflag:$0x3], $0x80, s21, s13, $0xb8;
	[tilespmem:$0x1D200] =	vst v63  }
0x92: {  	_ =	swait.ge [sflag:s11], $0x2800  }
0x93: {  	[sflag:s11] =	ssyncset.done $0x0  }
0x94: {  	[sflag:s11] =	ssyncadd.s32 $0xFFFFD800  }
0x95: {  	v0 =	vld [tilespmem:s25+$0x14000];
	_ =	sdelay $0x4  }
0x96: {  	v1 =	vshrl.u32 v0, $0xE;
	v0 =	vand.u32 $0x3FFF, v0  }
0x97: {  	[tilespmem:$0x18100] =	vst v1  }
0x98: {  	[tilespmem:$0x18180] =	vst v0  }
0x99: {  	v0 =	vld [tilespmem:s25+$0x14010];
	_ =	sdelay $0x4  }
0x9a: {  	v1 =	vshrl.u32 v0, $0xE;
	v0 =	vand.u32 $0x3FFF, v0  }
0x9b: {  	[tilespmem:$0x18110] =	vst v1  }
0x9c: {  	[tilespmem:$0x18190] =	vst v0  }
0x9d: {  	v0 =	vld [tilespmem:s25+$0x14020];
	_ =	sdelay $0x4  }
0x9e: {  	v1 =	vshrl.u32 v0, $0xE;
	v0 =	vand.u32 $0x3FFF, v0  }
0x9f: {  	[tilespmem:$0x18120] =	vst v1  }
0xa0: {  	[tilespmem:$0x181A0] =	vst v0  }
0xa1: {  	v0 =	vld [tilespmem:s25+$0x14030]  }
.Ltmp0:
0xa2: {  	(pc) =	sbr.rel @p0 .LBB2_2-.Ltmp0, $2  }
0xa3: {  	_ =	sdelay $0x2  }
0xa4: {  	v1 =	vshrl.u32 v0, $0xE;
	v0 =	vand.u32 $0x3FFF, v0  }
0xa5: {  	[tilespmem:$0x18130] =	vst v1  }
0xa6: {  	[tilespmem:$0x181B0] =	vst v0  }
0xa7: {  	v0 =	vld [tilespmem:s25+$0x14040];
	_ =	sdelay $0x4  }
0xa8: {  	v63 =	vshrl.u32 v0, $0xE  }
0xa9: {  	v0 =	vand.u32 $0x3FFF, v0;
	[tilespmem:$0x18140] =	vst v63  }
0xaa: {  	[tilespmem:$0x181C0] =	vst v0  }
0xab: {  	[tilespmem:s17], [sflag:$0x2] =	stream.indirect.gather [hbm4b:s2+s13], $0x80, s16, s13, $0xb8;
	[tilespmem:$0x1D200] =	vst v63  }
0xac: {  	_ =	swait.ge [sflag:s18], $0x2800  }
0xad: {  	[sflag:s18] =	ssyncset.done $0x0  }
0xae: {  	[sflag:s18] =	ssyncadd.s32 $0xFFFFD800  }
0xaf: {  	_ =	swait.ge [sflag:s20], $0x2800  }
0xb0: {  	s22 =	sadd.s32 $0x1, s22;
	[sflag:s20] =	ssyncset.done $0x0  }
0xb1: {  	p0 =	sne.s32 s22, s9;
	[sflag:s20] =	ssyncadd.s32 $0xFFFFD800  }
.Ltmp1:
0xb2: {  	[bflag:$0x0] =	sbarrier.arrive $0xFFFF;
	(pc) =	sbr.rel @p0 .LBB2_1-.Ltmp1, $4  }
0xb3: {  	[hbm:s8], [sflag:s6] =	dma.local [spmem:s10], $0x2800  }
0xb4: {  	_ =	swait.ge [sflag:s11], $0x2800  }
0xb5: {  	[sflag:s11] =	ssyncset.done $0x0  }
0xb6: {  	[sflag:s11] =	ssyncadd.s32 $0xFFFFD800  }
0xb7: {  	_ =	sfence.sel $0x180000  }
0xb8: {  	[bflag:$0x0] =	sbarrier.arrive $0xFFFF  }
0xb9: {  	p0 =	sne.s32 s1, $0x0;
	_ =	strace $0x9000004A  }
0xba: {  	s0 =	sadd.s32 @!p0 $0x100000, s0;
	[bflag:$0x2] =	sbarrier.arrive $0xFFFF  }
0xbb: {  	[sflag:s0] =	ssyncadd.tile.s32 @!p0 $0x1;
	_ =	shalt  }
.Lfunc_end2:
_tile_overlayer_lowered:
.L_overlay_start_2:
0xbc: {  	(tag) =	ssettag $0x2  }
0xbd: {  	s0 =	rddreg [dreg:$0x0];
	s2 =	stileid.u32  }
0xbe: {  	s1 =	rddreg [dreg:$0x1];
	p0 =	sne.s32 s2, $0x0  }
0xbf: {  	s3 =	rddreg [dreg:$0x2];
	[bflag:$0x3] =	sbarrier.arrive $0xFFFF;
	s2 =	simm.s32 @!p0 $0x1C03  }
0xc0: {  	[timem:s3], [sflag:s2] =	dma.local @!p0 [hbm:s0], s1  }
0xc1: {  	s0 =	simm.s32 @!p0 $0x3  }
0xc2: {  	_ =	swait.ge @!p0 [sflag:s0], s1  }
0xc3: {  	s1 =	ssub.s32 @!p0 $0x0, s1;
	[sflag:s0] =	ssyncset.done @!p0 $0x0  }
0xc4: {  	[sflag:s0] =	ssyncadd.s32 @!p0 s1  }
0xc5: {  	[bflag:$0x3] =	sbarrier.arrive $0xFFFF  }
0xc6: {  	_ =	shalt  }

// kernel: kernel.18.cloned.1.call-start
scs
__scs_entry_jumppad:
0x0: {  	(pc) =	sbr.rel $0x88, $3  }
0x1: {  	(tag) =	ssettag $0x0;
	lr =	simm.s32 $0x1  }
0x2: {  	[smem:$0x3F95] =	sst lr;
	_ =	strace $0xD0000000  }
0x3: {  	_ = 	snop  }
0x4: {  	_ = 	snop  }
0x5: {  	_ = 	snop  }
0x6: {  	_ = 	snop  }
0x7: {  	_ = 	snop  }
__scs_overlays_trampoline_lowered:
0x8: {  	[smem:$0x3FA4] =	sst s0  }
0x9: {  	[smem:$0x3FA5] =	sst s1  }
0xa: {  	[smem:$0x3FA6] =	sst s2  }
0xb: {  	[smem:$0x3FA7] =	sst s3  }
0xc: {  	[smem:$0x3FA8] =	sst s4  }
0xd: {  	[smem:$0x3FA9] =	sst s5  }
0xe: {  	[smem:$0x3FAA] =	sst s6  }
0xf: {  	[smem:$0x3FAB] =	sst s7  }
0x10: {  	[smem:$0x3FAC] =	sst s8  }
0x11: {  	[smem:$0x3FAD] =	sst s9;
	s0 =	simm.s32 @!p0 $0x0  }
0x12: {  	s1 =	sld [smem:$0x3F93];
	s0 =	simm.s32 @p0 $0x1  }
0x13: {  	[smem:$0x3FAE] =	sst s0;
	s0 =	simm.s32 @!p1 $0x0  }
0x14: {  	s2 =	sld [smem:$0x3F92];
	s0 =	simm.s32 @p1 $0x1  }
0x15: {  	[smem:$0x3FAF] =	sst s0;
	s0 =	simm.s32 @!p2 $0x0  }
0x16: {  	s3 =	sld [smem:$0x3FDB];
	s0 =	simm.s32 @p2 $0x1  }
0x17: {  	s4 =	simm.s32 $0x1BF5;
	[smem:$0x3FB1] =	sst s0  }
0x18: {  	s0 =	sld [smem:$0x3F94];
	_ =	swait.ge [sflag:s4], $0x0  }
0x19: {  	s7 =	sld [smem:$0x3F95]  }
0x1a: {  	s8 =	sadd.s32 $0xFFFFE003, lr  }
0x1b: {  	s9 =	sadd.s32 $0xFFFFFEF7, lr;
	s5 =	simm.s32 $0xFFFFFFFF;
	p2 =	slt.u32 s8, $0xFFFFF086  }
0x1c: {  	p1 =	slt.u32 s9, $0xF7A;
	s5 =	simm.s32 @!p2 $0x0  }
0x1d: {  	s5 =	simm.s32 @p1 $0x1;
	p0 =	seq.s32 s7, s2  }
0x1e: {  	s7 =	smul.u32 @!p0 $0xF7A, s2;
	p2 =	seq.s32 @!p0 s5, $0x0  }
0x1f: {  	s9 =	smul.u32 $0xF7A, s1;
	s8 =	simm.s32 @!p0 $0x1BF5;
	p2 =	por !p2, p0  }
0x20: {  	[sflag:s8] =	ssyncset.s32 @!p0 $0xFFFFF086;
	s6 =	sadd.s32 @!p0 s3, s7;
	s7 =	simm.s32 @!p0 $0x108  }
0x21: {  	s3 =	sadd.s32 s3, s9;
	s6 =	sadd.s32 @!p0 $0x88, s6;
	s7 =	simm.s32 @p2 $0x1082  }
0x22: {  	[simem:s7], [sflag:s8] =	dma.local @!p0 [hbm:s6], $0xF7A  }
0x23: {  	s9 =	sor.u32 $0xD0000000, s2;
	s6 =	simm.s32 $0x108;
	_ =	swait.ge @!p0 [sflag:s8], $0x0  }
0x24: {  	s3 =	sadd.s32 $0x88, s3;
	s6 =	simm.s32 @!p1 $0x1082;
	[sflag:s4] =	ssyncset.s32 $0xFFFFF086  }
0x25: {  	[simem:s6], [sflag:s4] =	dma.local [hbm:s3], $0xF7A  }
0x26: {  	[smem:$0x3F95] =	sst s1;
	(tag) =	ssettag s2;
	_ =	strace s9  }
0x27: {  	s1 =	sld [smem:$0x3FA5]  }
0x28: {  	s2 =	sld [smem:$0x3FA6]  }
0x29: {  	s4 =	sld [smem:$0x3FA8]  }
0x2a: {  	p0 =	seq.s32 s5, $0x0;
	s5 =	sld [smem:$0x3FA9]  }
0x2b: {  	s6 =	sld [smem:$0x3FAA]  }
0x2c: {  	s7 =	sld [smem:$0x3FAB]  }
0x2d: {  	s3 =	simm.s32 $0x108;
	s8 =	sld [smem:$0x3FAC]  }
0x2e: {  	s3 =	simm.s32 @!p0 $0x1082;
	s9 =	sld [smem:$0x3FAD]  }
0x2f: {  	lr =	sadd.s32 s0, s3;
	s0 =	sld [smem:$0x3FA4]  }
0x30: {  	s3 =	sld [smem:$0x3FA7]  }
0x31: {  	[smem:$0x3FB0] =	sst s10  }
0x32: {  	s10 =	sld [smem:$0x3FAE];
	_ =	sdelay $0x3  }
0x33: {  	p0 =	seq.s32 s10, $0x1;
	s10 =	sld [smem:$0x3FB0];
	_ =	sdelay $0x3  }
0x34: {  	[smem:$0x3FB0] =	sst s10  }
0x35: {  	s10 =	sld [smem:$0x3FAF];
	_ =	sdelay $0x3  }
0x36: {  	p1 =	seq.s32 s10, $0x1;
	s10 =	sld [smem:$0x3FB0];
	_ =	sdelay $0x3  }
0x37: {  	[smem:$0x3FB0] =	sst s10  }
0x38: {  	s10 =	sld [smem:$0x3FB1]  }
0x39: {  	_ = 	snop;
	(pc) =	sbr.ind lr, $3  }
0x3a: {  	_ = 	snop  }
0x3b: {  	_ = 	snop  }
0x3c: {  	p2 =	seq.s32 s10, $0x1;
	s10 =	sld [smem:$0x3FB0]  }
0x3d: {  	_ =	shalt  }
0x3e: {  	_ =	shalt  }
0x3f: {  	_ =	shalt  }
0x40: {  	_ =	shalt  }
0x41: {  	_ =	shalt  }
0x42: {  	_ =	shalt  }
0x43: {  	_ =	shalt  }
0x44: {  	_ =	shalt  }
0x45: {  	_ =	shalt  }
0x46: {  	_ =	shalt  }
0x47: {  	_ =	shalt  }
0x48: {  	_ =	shalt  }
0x49: {  	_ =	shalt  }
0x4a: {  	_ =	shalt  }
0x4b: {  	_ =	shalt  }
0x4c: {  	_ =	shalt  }
0x4d: {  	_ =	shalt  }
0x4e: {  	_ =	shalt  }
0x4f: {  	_ =	shalt  }
0x50: {  	_ =	shalt  }
0x51: {  	_ =	shalt  }
0x52: {  	_ =	shalt  }
0x53: {  	_ =	shalt  }
0x54: {  	_ =	shalt  }
0x55: {  	_ =	shalt  }
0x56: {  	_ =	shalt  }
0x57: {  	_ =	shalt  }
0x58: {  	_ =	shalt  }
0x59: {  	_ =	shalt  }
0x5a: {  	_ =	shalt  }
0x5b: {  	_ =	shalt  }
0x5c: {  	_ =	shalt  }
0x5d: {  	_ =	shalt  }
0x5e: {  	_ =	shalt  }
0x5f: {  	_ =	shalt  }
0x60: {  	_ =	shalt  }
0x61: {  	_ =	shalt  }
0x62: {  	_ =	shalt  }
0x63: {  	_ =	shalt  }
0x64: {  	_ =	shalt  }
0x65: {  	_ =	shalt  }
0x66: {  	_ =	shalt  }
0x67: {  	_ =	shalt  }
0x68: {  	_ =	shalt  }
0x69: {  	_ =	shalt  }
0x6a: {  	_ =	shalt  }
0x6b: {  	_ =	shalt  }
0x6c: {  	_ =	shalt  }
0x6d: {  	_ =	shalt  }
0x6e: {  	_ =	shalt  }
0x6f: {  	_ =	shalt  }
0x70: {  	_ =	shalt  }
0x71: {  	_ =	shalt  }
0x72: {  	_ =	shalt  }
0x73: {  	_ =	shalt  }
0x74: {  	_ =	shalt  }
0x75: {  	_ =	shalt  }
0x76: {  	_ =	shalt  }
0x77: {  	_ =	shalt  }
0x78: {  	_ =	shalt  }
0x79: {  	_ =	shalt  }
0x7a: {  	_ =	shalt  }
0x7b: {  	_ =	shalt  }
0x7c: {  	_ =	shalt  }
0x7d: {  	_ =	shalt  }
0x7e: {  	_ =	shalt  }
0x7f: {  	_ =	shalt  }
0x80: {  	_ =	shalt  }
0x81: {  	_ =	shalt  }
0x82: {  	_ =	shalt  }
0x83: {  	_ =	shalt  }
0x84: {  	_ =	shalt  }
0x85: {  	_ =	shalt  }
0x86: {  	_ =	shalt  }
0x87: {  	_ =	shalt  }
.Lfunc_end0:
.L_simem_size_0:
called_computation.2_lowered:
.L_overlay_start_0:
0x88: {  	s2 =	sld [smem:$0x3FD9]  }
0x89: {  	s3 =	sld [smem:$0x3FFE];
	_ =	sdelay $0x1  }
0x8a: {  	s1 =	srdreg.scid  }
0x8b: {  	s0 =	sand.u32 $0x1, s1  }
0x8c: {  	s17 =	sshll.u32 s0, $0xA;
	s2 =	sadd.s32 s3, s2  }
0x8d: {  	s2 =	sadd.s32 s2, s17  }
0x8e: {  	[smem:$0x3FBC] =	sst s2  }
0x8f: {  	_ = 	snop  }
0x90: {  	s2 =	sld [smem:$0x3FD0];
	(tm) =	ssettm $0x1  }
0x91: {  	s18 =	sld [smem:$0x3FFB];
	_ =	sdelay $0x3  }
0x92: {  	_ =	strace s18  }
0x93: {  	s3 =	sld [smem:$0x3FFC];
	_ =	sdelay $0x3  }
0x94: {  	_ =	strace s3  }
0x95: {  	s3 =	sld [smem:$0x3FFD];
	_ =	sdelay $0x3  }
0x96: {  	_ =	strace s3  }
0x97: {  	_ =	strace $0x8FFFFFFF  }
0x98: {  	s19 =	sld [smem:$0x3FDB];
	_ =	sdelay $0x1  }
0x99: {  	s4 =	simm.s32 $_scs_section_size  }
0x9a: {  	s5 =	simm.s32 $_size__tile_overlayer_lowered;
	s6 =	simm.s32 $_tile_overlayer_lowered  }
0x9b: {  	s22 =	simm.s32 $0x1BFF;
	s21 =	sshll.u32 s6, $0x1;
	s3 =	sadd.s32 s4, s19  }
0x9c: {  	s7 =	simm.s32 $0x0;
	s20 =	sshll.u32 s5, $0x1;
	s5 =	sadd.s32 s21, s3  }
0x9d: {  	[timem:s7], [sflag:s22] =	dma.local [hbm:s5], s20  }
0x9e: {  	_ =	swait.ge [sflag:s22], s20  }
0x9f: {  	s4 =	ssub.s32 $0x0, s20;
	[sflag:s22] =	ssyncset.done $0x0  }
0xa0: {  	[sflag:s22] =	ssyncadd.s32 s4;
	_ =	sdelay $0x1  }
0xa1: {  	s23 =	simm.s32 $0x1B8B  }
0xa2: {  	_ =	swait.ge [sflag:s23], $0x1  }
0xa3: {  	[sflag:s23] =	ssyncset.done $0x0  }
0xa4: {  	s25 =	simm.s32 $0x1B8E;
	s24 =	sld [smem:$0x3FFE];
	[sflag:s23] =	ssyncadd.s32 $0xFFFFFFFF  }
0xa5: {  	s26 =	simm.s32 $execute0_lowered;
	[smem:$0x3FD2] =	sst s25  }
0xa6: {  	s5 =	sshll.u32 s26, $0x1;
	_ =	strace $0x8000004C;
	[dreg:$0x1] =	wrdreg $0xFFFFFFFF  }
0xa7: {  	s28 =	simm.s32 $_size_execute0_lowered;
	s3 =	sadd.s32 s3, s5;
	[dreg:$0x0] =	wrdreg $0x0  }
0xa8: {  	s5 =	sshll.u32 s28, $0x1;
	[dreg:$0x2] =	wrdreg s3  }
0xa9: {  	[dreg:$0x3] =	wrdreg s5  }
0xaa: {  	[dreg:$0x4] =	wrdreg $0xC0  }
0xab: {  	_ =	task [dreg:s7], $0x5FFFF  }
0xac: {  	[dreg:$0x1] =	wrdreg $0xFFFFFFFF  }
0xad: {  	[dreg:$0x0] =	wrdreg $0x60  }
0xae: {  	[dreg:$0x2] =	wrdreg s2  }
0xaf: {  	[dreg:$0x3] =	wrdreg s24  }
0xb0: {  	[dreg:$0x4] =	wrdreg $0x0  }
0xb1: {  	[dreg:$0x5] =	wrdreg $0x9  }
0xb2: {  	_ =	task.clear_ibuf [dreg:s7], $0x6FFFF;
	_ =	strace $0x9000004C  }
0xb3: {  	s29 =	simm.s32 $0x9;
	_ =	strace $0x8000004E  }
0xb4: {  	_ =	swait.ge [sflag:s29], $0x1  }
0xb5: {  	[sflag:s29] =	ssyncadd.s32 $0xFFFFFFFF  }
0xb6: {  	_ =	strace $0x9000004E  }
0xb7: {  	_ =	sfence  }
0xb8: {  	s30 =	sld [smem:$0x0];
	_ =	sdelay $0x2  }
0xb9: {  	s31 =	sshll.u32 s1, $0xD;
	s1 =	sshrl.u32 s1, $0x2  }
0xba: {  	s3 =	sand.u32 $0x4000, s31;
	s1 =	sadd.s32 s1, s30  }
0xbb: {  	s0 =	sor.u32 s3, s0;
	s1 =	sshll.u32 s1, $0x11  }
0xbc: {  	s0 =	sor.u32 s1, s0  }
0xbd: {  	s0 =	sadd.s32 $0x8F2B, s0  }
0xbe: {  	[sflag:s0] =	ssyncadd.remote.s32 $0x1  }
0xbf: {  	_ =	sfence.sel $0xFFFF  }
0xc0: {  	[dreg:$0x0] =	wrdreg $0xFFFFFFFF;
	(pc) =	sbr.abs _section_cstart, $3  }
0xc1: {  	[dreg:$0x1] =	wrdreg $0xFFFFFFFF  }
0xc2: {  	_ =	task.clear_ibuf [dreg:s7], $0x2FFFF;
	_ =	strace $0x9FFFFFFF  }
0xc3: {  	(tm) =	ssettm $0x7FFFFFFF  }
tec
execute0_lowered:
.L_overlay_start_1:
0x0: {  	(tag) =	ssettag $0x1  }
0x1: {  	s2 =	rddreg [dreg:$0x0]  }
0x2: {  	s5 =	rddreg [dreg:$0x1]  }
0x3: {  	s3 =	rddreg [dreg:$0x2]  }
0x4: {  	s0 =	rddreg [dreg:$0x3]  }
0x5: {  	s1 =	stileid.u32;
	s6 =	srdreg.scid;
	s4 =	simm.s32 $0x0  }
0x6: {  	s14 =	simm.s32 $0x18000;
	s15 =	simm.s32 $0x18200;
	s16 =	simm.s32 $0x18100  }
0x7: {  	s17 =	simm.s32 $0x1AA00;
	s18 =	simm.s32 $0x1;
	s19 =	simm.s32 $0x18080  }
0x8: {  	s20 =	simm.s32 $0x2;
	s21 =	simm.s32 $0x18180;
	s22 =	simm.s32 $0x0  }
0x9: {  	s7 =	smul.u32 $0x14000, s1;
	s6 =	sand.u32 $0x1, s6;
	[smem:$0x7FF] =	sst s4  }
0xa: {  	s9 =	sshll.u32 s1, $0xB;
	s11 =	smul.u32 $0x50000, s1;
	s30 =	sshll.u32 s1, $0x6  }
0xb: {  	s8 =	smul.u32 $0x140000, s6;
	_ =	strace $0x8000004D;
	s9 =	sadd.s32 s9, s5  }
0xc: {  	s26 =	ssub.s32 $0x2, s6;
	s6 =	sshll.u32 s6, $0xF;
	s10 =	sshrl.u32 s7, $0x3  }
0xd: {  	s28 =	sshrl.u32 s26, $0x1;
	s29 =	sshrl.u32 s11, $0x2;
	s31 =	sadd.s32 s6, s9  }
0xe: {  	s6 =	sor.u32 $0x1C03, s30;
	s7 =	sadd.s32 s7, s8;
	s10 =	sadd.s32 s10, s5  }
0xf: {  	s13 =	ssub.s32 s26, s28;
	s11 =	sadd.s32 s29, s3;
	s7 =	sshrl.u32 s7, $0x3  }
0x10: {  	s9 =	smax.u32 s13, $0x1;
	s13 =	simm.s32 $0x50;
	s12 =	sadd.s32 s7, s5  }
0x11: {  	s5 =	sadd.s32 $0x67000, s10;
	s7 =	sadd.s32 $0x7000, s31;
	s10 =	sshrl.u32 s11, $0x3  }
0x12: {  	s11 =	simm.s32 $0x3;
	s8 =	sadd.s32 $0x8F000, s12;
	s12 =	simm.s32 $0x14000  }
.LBB2_1:
0x13: {  	[spmem:s10], [sflag:s6] =	dma.local [hbm:s5], $0x2800  }
0x14: {  	_ =	swait.ge [sflag:s11], $0x2800  }
0x15: {  	[sflag:s11] =	ssyncset.done $0x0  }
0x16: {  	[sflag:s11] =	ssyncadd.s32 $0xFFFFD800  }
0x17: {  	[tilespmem:s12], [sflag:$0x3] =	stream.linear.gather [hbm4b:s7+s4], $0x4000, $0x38;
	[tilespmem:$0x1D200] =	vst v63  }
0x18: {  	_ =	swait.ge [sflag:s11], $0x4000  }
0x19: {  	[sflag:s11] =	ssyncset.done $0x0  }
0x1a: {  	[sflag:s11] =	ssyncadd.s32 $0xFFFFC000  }
0x1b: {  	[bflag:$0x0] =	sbarrier.arrive $0xFFFF  }
0x1c: {  	v0 =	vld [tilespmem:$0x14000];
	_ =	sdelay $0x1  }
0x1d: {  	v1 =	vld [tilespmem:$0x14010];
	_ =	sdelay $0x1  }
0x1e: {  	v2 =	vld [tilespmem:$0x14020]  }
0x1f: {  	v3 =	vshrl.u32 v0, $0xE  }
0x20: {  	v0 =	vand.u32 $0x3FFF, v0;
	[tilespmem:$0x18000] =	vst v3;
	v3 =	vld [tilespmem:$0x14030]  }
0x21: {  	[tilespmem:$0x18080] =	vst v0;
	v0 =	vshrl.u32 v1, $0xE  }
0x22: {  	[tilespmem:$0x18010] =	vst v0;
	v0 =	vand.u32 $0x3FFF, v1;
	v1 =	vld [tilespmem:$0x14040]  }
0x23: {  	[tilespmem:$0x18090] =	vst v0;
	v0 =	vshrl.u32 v2, $0xE  }
0x24: {  	[tilespmem:$0x18020] =	vst v0;
	v0 =	vand.u32 $0x3FFF, v2  }
0x25: {  	[tilespmem:$0x180A0] =	vst v0;
	v0 =	vshrl.u32 v3, $0xE  }
0x26: {  	[tilespmem:$0x18030] =	vst v0;
	v0 =	vand.u32 $0x3FFF, v3  }
0x27: {  	[tilespmem:$0x180B0] =	vst v0;
	v0 =	vshrl.u32 v1, $0xE  }
0x28: {  	[tilespmem:$0x18040] =	vst v0;
	v0 =	vand.u32 $0x3FFF, v1  }
0x29: {  	[tilespmem:$0x180C0] =	vst v0  }
0x2a: {  	[tilespmem:s15], [sflag:$0x1] =	stream.indirect.gather [hbm4b:s2+s13], $0x80, s14, s13, $0xb8;
	[tilespmem:$0x1D200] =	vst v63  }
0x2b: {  	v0 =	vld [tilespmem:$0x14080];
	_ =	sdelay $0x1  }
0x2c: {  	v1 =	vld [tilespmem:$0x14090];
	_ =	sdelay $0x1  }
0x2d: {  	v2 =	vld [tilespmem:$0x140A0]  }
0x2e: {  	v3 =	vshrl.u32 v0, $0xE  }
0x2f: {  	v0 =	vand.u32 $0x3FFF, v0;
	[tilespmem:$0x18100] =	vst v3;
	v3 =	vld [tilespmem:$0x140B0]  }
0x30: {  	[tilespmem:$0x18180] =	vst v0;
	v0 =	vshrl.u32 v1, $0xE  }
0x31: {  	[tilespmem:$0x18110] =	vst v0;
	v0 =	vand.u32 $0x3FFF, v1;
	v1 =	vld [tilespmem:$0x140C0]  }
0x32: {  	[tilespmem:$0x18190] =	vst v0;
	v0 =	vshrl.u32 v2, $0xE  }
0x33: {  	[tilespmem:$0x18120] =	vst v0;
	v0 =	vand.u32 $0x3FFF, v2  }
0x34: {  	[tilespmem:$0x181A0] =	vst v0;
	v0 =	vshrl.u32 v3, $0xE  }
0x35: {  	[tilespmem:$0x18130] =	vst v0;
	v0 =	vand.u32 $0x3FFF, v3  }
0x36: {  	[tilespmem:$0x181B0] =	vst v0;
	v0 =	vshrl.u32 v1, $0xE  }
0x37: {  	[tilespmem:$0x18140] =	vst v0;
	v0 =	vand.u32 $0x3FFF, v1  }
0x38: {  	[tilespmem:$0x181C0] =	vst v0  }
0x39: {  	[tilespmem:s17], [sflag:$0x2] =	stream.indirect.gather [hbm4b:s2+s13], $0x80, s16, s13, $0xb8;
	[tilespmem:$0x1D200] =	vst v63  }
0x3a: {  	_ =	swait.ge [sflag:s18], $0x2800  }
0x3b: {  	[sflag:s18] =	ssyncset.done $0x0  }
0x3c: {  	[sflag:s18] =	ssyncadd.s32 $0xFFFFD800  }
0x3d: {  	[spmem:s3] =	stream.indirect.scatter.add.f32 [tilespmem:s15], [sflag:$0x3], $0x80, s19, s13, $0xb8;
	[tilespmem:$0x1D200] =	vst v63  }
0x3e: {  	_ =	swait.ge [sflag:s11], $0x2800  }
0x3f: {  	s23 =	simm.s32 $0x100;
	[sflag:s11] =	ssyncset.done $0x0  }
0x40: {  	s23 =	sand.u32 $0x3F00, s23;
	[sflag:s11] =	ssyncadd.s32 $0xFFFFD800  }
0x41: {  	v0 =	vld [tilespmem:s23+$0x14000];
	_ =	sdelay $0x4  }
0x42: {  	v1 =	vshrl.u32 v0, $0xE  }
0x43: {  	v0 =	vand.u32 $0x3FFF, v0;
	[tilespmem:$0x18000] =	vst v1  }
0x44: {  	[tilespmem:$0x18080] =	vst v0  }
0x45: {  	v0 =	vld [tilespmem:s23+$0x14010];
	_ =	sdelay $0x4  }
0x46: {  	v1 =	vshrl.u32 v0, $0xE  }
0x47: {  	v0 =	vand.u32 $0x3FFF, v0;
	[tilespmem:$0x18010] =	vst v1  }
0x48: {  	[tilespmem:$0x18090] =	vst v0  }
0x49: {  	v0 =	vld [tilespmem:s23+$0x14020];
	_ =	sdelay $0x4  }
0x4a: {  	v1 =	vshrl.u32 v0, $0xE  }
0x4b: {  	v0 =	vand.u32 $0x3FFF, v0;
	[tilespmem:$0x18020] =	vst v1  }
0x4c: {  	[tilespmem:$0x180A0] =	vst v0  }
0x4d: {  	v0 =	vld [tilespmem:s23+$0x14030];
	_ =	sdelay $0x4  }
0x4e: {  	v1 =	vshrl.u32 v0, $0xE  }
0x4f: {  	v0 =	vand.u32 $0x3FFF, v0;
	[tilespmem:$0x18030] =	vst v1  }
0x50: {  	[tilespmem:$0x180B0] =	vst v0  }
0x51: {  	v0 =	vld [tilespmem:s23+$0x14040];
	_ =	sdelay $0x4  }
0x52: {  	v1 =	vshrl.u32 v0, $0xE  }
0x53: {  	v0 =	vand.u32 $0x3FFF, v0;
	[tilespmem:$0x18040] =	vst v1  }
0x54: {  	[tilespmem:$0x180C0] =	vst v0  }
0x55: {  	[tilespmem:s15], [sflag:$0x1] =	stream.indirect.gather [hbm4b:s2+s13], $0x80, s14, s13, $0xb8;
	[tilespmem:$0x1D200] =	vst v63  }
0x56: {  	_ =	swait.ge [sflag:s20], $0x2800  }
0x57: {  	[sflag:s20] =	ssyncset.done $0x0  }
0x58: {  	[sflag:s20] =	ssyncadd.s32 $0xFFFFD800  }
0x59: {  	[spmem:s3] =	stream.indirect.scatter.add.f32 [tilespmem:s17], [sflag:$0x3], $0x80, s21, s13, $0xb8;
	[tilespmem:$0x1D200] =	vst v63  }
0x5a: {  	_ =	swait.ge [sflag:s11], $0x2800  }
0x5b: {  	s31 =	simm.s32 $0x180;
	[sflag:s11] =	ssyncset.done $0x0  }
0x5c: {  	s25 =	sand.u32 $0x3F80, s31;
	[sflag:s11] =	ssyncadd.s32 $0xFFFFD800  }
0x5d: {  	v0 =	vld [tilespmem:s25+$0x14000];
	_ =	sdelay $0x4  }
0x5e: {  	v1 =	vshrl.u32 v0, $0xE  }
0x5f: {  	v0 =	vand.u32 $0x3FFF, v0;
	[tilespmem:$0x18100] =	vst v1  }
0x60: {  	[tilespmem:$0x18180] =	vst v0  }
0x61: {  	v0 =	vld [tilespmem:s25+$0x14010];
	_ =	sdelay $0x4  }
0x62: {  	v1 =	vshrl.u32 v0, $0xE  }
0x63: {  	v0 =	vand.u32 $0x3FFF, v0;
	[tilespmem:$0x18110] =	vst v1  }
0x64: {  	[tilespmem:$0x18190] =	vst v0  }
0x65: {  	v0 =	vld [tilespmem:s25+$0x14020];
	_ =	sdelay $0x4  }
0x66: {  	v1 =	vshrl.u32 v0, $0xE  }
0x67: {  	v0 =	vand.u32 $0x3FFF, v0;
	[tilespmem:$0x18120] =	vst v1  }
0x68: {  	[tilespmem:$0x181A0] =	vst v0  }
0x69: {  	v0 =	vld [tilespmem:s25+$0x14030];
	_ =	sdelay $0x4  }
0x6a: {  	s23 =	simm.s32 $0x280;
	v1 =	vshrl.u32 v0, $0xE;
	v0 =	vand.u32 $0x3FFF, v0  }
.LBB2_2:
0x6b: {  	p0 =	sne.s32 s23, $0x4080;
	[tilespmem:$0x18130] =	vst v1;
	s24 =	smov.u32 s23;
	s23 =	sadd.s32 $0x100, s23  }
0x6c: {  	[tilespmem:$0x181B0] =	vst v0  }
0x6d: {  	v0 =	vld [tilespmem:s25+$0x14040];
	_ =	sdelay $0x4  }
0x6e: {  	v1 =	vshrl.u32 v0, $0xE;
	v0 =	vand.u32 $0x3FFF, v0  }
0x6f: {  	[tilespmem:$0x18140] =	vst v1  }
0x70: {  	[tilespmem:$0x181C0] =	vst v0  }
0x71: {  	[tilespmem:s17], [sflag:$0x2] =	stream.indirect.gather [hbm4b:s2+s13], $0x80, s16, s13, $0xb8;
	[tilespmem:$0x1D200] =	vst v63  }
0x72: {  	_ =	swait.ge [sflag:s18], $0x2800  }
0x73: {  	[sflag:s18] =	ssyncset.done $0x0  }
0x74: {  	[sflag:s18] =	ssyncadd.s32 $0xFFFFD800  }
0x75: {  	[spmem:s3] =	stream.indirect.scatter.add.f32 [tilespmem:s15], [sflag:$0x3], $0x80, s19, s13, $0xb8;
	[tilespmem:$0x1D200] =	vst v63  }
0x76: {  	_ =	swait.ge [sflag:s11], $0x2800  }
0x77: {  	s25 =	sadd.s32 $0xFFFFFF80, s24;
	[sflag:s11] =	ssyncset.done $0x0  }
0x78: {  	s25 =	sand.u32 $0x3F00, s25;
	[sflag:s11] =	ssyncadd.s32 $0xFFFFD800  }
0x79: {  	v0 =	vld [tilespmem:s25+$0x14000];
	_ =	sdelay $0x4  }
0x7a: {  	v1 =	vshrl.u32 v0, $0xE;
	v0 =	vand.u32 $0x3FFF, v0  }
0x7b: {  	[tilespmem:$0x18000] =	vst v1  }
0x7c: {  	[tilespmem:$0x18080] =	vst v0  }
0x7d: {  	v0 =	vld [tilespmem:s25+$0x14010];
	_ =	sdelay $0x4  }
0x7e: {  	v1 =	vshrl.u32 v0, $0xE;
	v0 =	vand.u32 $0x3FFF, v0  }
0x7f: {  	[tilespmem:$0x18010] =	vst v1  }
0x80: {  	[tilespmem:$0x18090] =	vst v0  }
0x81: {  	v0 =	vld [tilespmem:s25+$0x14020];
	_ =	sdelay $0x4  }
0x82: {  	v1 =	vshrl.u32 v0, $0xE;
	v0 =	vand.u32 $0x3FFF, v0  }
0x83: {  	[tilespmem:$0x18020] =	vst v1  }
0x84: {  	[tilespmem:$0x180A0] =	vst v0  }
0x85: {  	v0 =	vld [tilespmem:s25+$0x14030];
	_ =	sdelay $0x4  }
0x86: {  	v1 =	vshrl.u32 v0, $0xE;
	v0 =	vand.u32 $0x3FFF, v0  }
0x87: {  	[tilespmem:$0x18030] =	vst v1  }
0x88: {  	[tilespmem:$0x180B0] =	vst v0  }
0x89: {  	v0 =	vld [tilespmem:s25+$0x14040];
	_ =	sdelay $0x4  }
0x8a: {  	v1 =	vshrl.u32 v0, $0xE;
	v0 =	vand.u32 $0x3FFF, v0  }
0x8b: {  	[tilespmem:$0x18040] =	vst v1  }
0x8c: {  	[tilespmem:$0x180C0] =	vst v0  }
0x8d: {  	[tilespmem:s15], [sflag:$0x1] =	stream.indirect.gather [hbm4b:s2+s13], $0x80, s14, s13, $0xb8;
	[tilespmem:$0x1D200] =	vst v63  }
0x8e: {  	_ =	swait.ge [sflag:s20], $0x2800  }
0x8f: {  	s25 =	sand.u32 $0x3F80, s24;
	[sflag:s20] =	ssyncset.done $0x0  }
0x90: {  	[sflag:s20] =	ssyncadd.s32 $0xFFFFD800  }
0x91: {  	[spmem:s3] =	stream.indirect.scatter.add.f32 [tilespmem:s17], [sflag:$0x3], $0x80, s21, s13, $0xb8;
	[tilespmem:$0x1D200] =	vst v63  }
0x92: {  	_ =	swait.ge [sflag:s11], $0x2800  }
0x93: {  	[sflag:s11] =	ssyncset.done $0x0  }
0x94: {  	[sflag:s11] =	ssyncadd.s32 $0xFFFFD800  }
0x95: {  	v0 =	vld [tilespmem:s25+$0x14000];
	_ =	sdelay $0x4  }
0x96: {  	v1 =	vshrl.u32 v0, $0xE;
	v0 =	vand.u32 $0x3FFF, v0  }
0x97: {  	[tilespmem:$0x18100] =	vst v1  }
0x98: {  	[tilespmem:$0x18180] =	vst v0  }
0x99: {  	v0 =	vld [tilespmem:s25+$0x14010];
	_ =	sdelay $0x4  }
0x9a: {  	v1 =	vshrl.u32 v0, $0xE;
	v0 =	vand.u32 $0x3FFF, v0  }
0x9b: {  	[tilespmem:$0x18110] =	vst v1  }
0x9c: {  	[tilespmem:$0x18190] =	vst v0  }
0x9d: {  	v0 =	vld [tilespmem:s25+$0x14020];
	_ =	sdelay $0x4  }
0x9e: {  	v1 =	vshrl.u32 v0, $0xE;
	v0 =	vand.u32 $0x3FFF, v0  }
0x9f: {  	[tilespmem:$0x18120] =	vst v1  }
0xa0: {  	[tilespmem:$0x181A0] =	vst v0  }
0xa1: {  	v0 =	vld [tilespmem:s25+$0x14030]  }
.Ltmp0:
0xa2: {  	(pc) =	sbr.rel @p0 .LBB2_2-.Ltmp0, $2  }
0xa3: {  	_ =	sdelay $0x2  }
0xa4: {  	v1 =	vshrl.u32 v0, $0xE;
	v0 =	vand.u32 $0x3FFF, v0  }
0xa5: {  	[tilespmem:$0x18130] =	vst v1  }
0xa6: {  	[tilespmem:$0x181B0] =	vst v0  }
0xa7: {  	v0 =	vld [tilespmem:s25+$0x14040];
	_ =	sdelay $0x4  }
0xa8: {  	v63 =	vshrl.u32 v0, $0xE  }
0xa9: {  	v0 =	vand.u32 $0x3FFF, v0;
	[tilespmem:$0x18140] =	vst v63  }
0xaa: {  	[tilespmem:$0x181C0] =	vst v0  }
0xab: {  	[tilespmem:s17], [sflag:$0x2] =	stream.indirect.gather [hbm4b:s2+s13], $0x80, s16, s13, $0xb8;
	[tilespmem:$0x1D200] =	vst v63  }
0xac: {  	_ =	swait.ge [sflag:s18], $0x2800  }
0xad: {  	[sflag:s18] =	ssyncset.done $0x0  }
0xae: {  	[sflag:s18] =	ssyncadd.s32 $0xFFFFD800  }
0xaf: {  	_ =	swait.ge [sflag:s20], $0x2800  }
0xb0: {  	s22 =	sadd.s32 $0x1, s22;
	[sflag:s20] =	ssyncset.done $0x0  }
0xb1: {  	p0 =	sne.s32 s22, s9;
	[sflag:s20] =	ssyncadd.s32 $0xFFFFD800  }
.Ltmp1:
0xb2: {  	[bflag:$0x0] =	sbarrier.arrive $0xFFFF;
	(pc) =	sbr.rel @p0 .LBB2_1-.Ltmp1, $4  }
0xb3: {  	[hbm:s8], [sflag:s6] =	dma.local [spmem:s10], $0x2800  }
0xb4: {  	_ =	swait.ge [sflag:s11], $0x2800  }
0xb5: {  	[sflag:s11] =	ssyncset.done $0x0  }
0xb6: {  	[sflag:s11] =	ssyncadd.s32 $0xFFFFD800  }
0xb7: {  	_ =	sfence.sel $0x180000  }
0xb8: {  	[bflag:$0x0] =	sbarrier.arrive $0xFFFF  }
0xb9: {  	p0 =	sne.s32 s1, $0x0;
	_ =	strace $0x9000004D  }
0xba: {  	s0 =	sadd.s32 @!p0 $0x100000, s0;
	[bflag:$0x2] =	sbarrier.arrive $0xFFFF  }
0xbb: {  	[sflag:s0] =	ssyncadd.tile.s32 @!p0 $0x1;
	_ =	shalt  }
.Lfunc_end2:
_tile_overlayer_lowered:
.L_overlay_start_2:
0xbc: {  	(tag) =	ssettag $0x2  }
0xbd: {  	s0 =	rddreg [dreg:$0x0];
	s2 =	stileid.u32  }
0xbe: {  	s1 =	rddreg [dreg:$0x1];
	p0 =	sne.s32 s2, $0x0  }
0xbf: {  	s3 =	rddreg [dreg:$0x2];
	[bflag:$0x3] =	sbarrier.arrive $0xFFFF;
	s2 =	simm.s32 @!p0 $0x1C03  }
0xc0: {  	[timem:s3], [sflag:s2] =	dma.local @!p0 [hbm:s0], s1  }
0xc1: {  	s0 =	simm.s32 @!p0 $0x3  }
0xc2: {  	_ =	swait.ge @!p0 [sflag:s0], s1  }
0xc3: {  	s1 =	ssub.s32 @!p0 $0x0, s1;
	[sflag:s0] =	ssyncset.done @!p0 $0x0  }
0xc4: {  	[sflag:s0] =	ssyncadd.s32 @!p0 s1  }
0xc5: {  	[bflag:$0x3] =	sbarrier.arrive $0xFFFF  }
0xc6: {  	_ =	shalt  }

// kernel: kernel.21.cloned.1.call-start
scs
__scs_entry_jumppad:
0x0: {  	(pc) =	sbr.rel $0x88, $3  }
0x1: {  	(tag) =	ssettag $0x0;
	lr =	simm.s32 $0x1  }
0x2: {  	[smem:$0x3F95] =	sst lr;
	_ =	strace $0xD0000000  }
0x3: {  	_ = 	snop  }
0x4: {  	_ = 	snop  }
0x5: {  	_ = 	snop  }
0x6: {  	_ = 	snop  }
0x7: {  	_ = 	snop  }
__scs_overlays_trampoline_lowered:
0x8: {  	[smem:$0x3FA4] =	sst s0  }
0x9: {  	[smem:$0x3FA5] =	sst s1  }
0xa: {  	[smem:$0x3FA6] =	sst s2  }
0xb: {  	[smem:$0x3FA7] =	sst s3  }
0xc: {  	[smem:$0x3FA8] =	sst s4  }
0xd: {  	[smem:$0x3FA9] =	sst s5  }
0xe: {  	[smem:$0x3FAA] =	sst s6  }
0xf: {  	[smem:$0x3FAB] =	sst s7  }
0x10: {  	[smem:$0x3FAC] =	sst s8  }
0x11: {  	[smem:$0x3FAD] =	sst s9;
	s0 =	simm.s32 @!p0 $0x0  }
0x12: {  	s1 =	sld [smem:$0x3F93];
	s0 =	simm.s32 @p0 $0x1  }
0x13: {  	[smem:$0x3FAE] =	sst s0;
	s0 =	simm.s32 @!p1 $0x0  }
0x14: {  	s2 =	sld [smem:$0x3F92];
	s0 =	simm.s32 @p1 $0x1  }
0x15: {  	[smem:$0x3FAF] =	sst s0;
	s0 =	simm.s32 @!p2 $0x0  }
0x16: {  	s3 =	sld [smem:$0x3FDB];
	s0 =	simm.s32 @p2 $0x1  }
0x17: {  	s4 =	simm.s32 $0x1BF5;
	[smem:$0x3FB1] =	sst s0  }
0x18: {  	s0 =	sld [smem:$0x3F94];
	_ =	swait.ge [sflag:s4], $0x0  }
0x19: {  	s7 =	sld [smem:$0x3F95]  }
0x1a: {  	s8 =	sadd.s32 $0xFFFFE003, lr  }
0x1b: {  	s9 =	sadd.s32 $0xFFFFFEF7, lr;
	s5 =	simm.s32 $0xFFFFFFFF;
	p2 =	slt.u32 s8, $0xFFFFF086  }
0x1c: {  	p1 =	slt.u32 s9, $0xF7A;
	s5 =	simm.s32 @!p2 $0x0  }
0x1d: {  	s5 =	simm.s32 @p1 $0x1;
	p0 =	seq.s32 s7, s2  }
0x1e: {  	s7 =	smul.u32 @!p0 $0xF7A, s2;
	p2 =	seq.s32 @!p0 s5, $0x0  }
0x1f: {  	s9 =	smul.u32 $0xF7A, s1;
	s8 =	simm.s32 @!p0 $0x1BF5;
	p2 =	por !p2, p0  }
0x20: {  	[sflag:s8] =	ssyncset.s32 @!p0 $0xFFFFF086;
	s6 =	sadd.s32 @!p0 s3, s7;
	s7 =	simm.s32 @!p0 $0x108  }
0x21: {  	s3 =	sadd.s32 s3, s9;
	s6 =	sadd.s32 @!p0 $0x88, s6;
	s7 =	simm.s32 @p2 $0x1082  }
0x22: {  	[simem:s7], [sflag:s8] =	dma.local @!p0 [hbm:s6], $0xF7A  }
0x23: {  	s9 =	sor.u32 $0xD0000000, s2;
	s6 =	simm.s32 $0x108;
	_ =	swait.ge @!p0 [sflag:s8], $0x0  }
0x24: {  	s3 =	sadd.s32 $0x88, s3;
	s6 =	simm.s32 @!p1 $0x1082;
	[sflag:s4] =	ssyncset.s32 $0xFFFFF086  }
0x25: {  	[simem:s6], [sflag:s4] =	dma.local [hbm:s3], $0xF7A  }
0x26: {  	[smem:$0x3F95] =	sst s1;
	(tag) =	ssettag s2;
	_ =	strace s9  }
0x27: {  	s1 =	sld [smem:$0x3FA5]  }
0x28: {  	s2 =	sld [smem:$0x3FA6]  }
0x29: {  	s4 =	sld [smem:$0x3FA8]  }
0x2a: {  	p0 =	seq.s32 s5, $0x0;
	s5 =	sld [smem:$0x3FA9]  }
0x2b: {  	s6 =	sld [smem:$0x3FAA]  }
0x2c: {  	s7 =	sld [smem:$0x3FAB]  }
0x2d: {  	s3 =	simm.s32 $0x108;
	s8 =	sld [smem:$0x3FAC]  }
0x2e: {  	s3 =	simm.s32 @!p0 $0x1082;
	s9 =	sld [smem:$0x3FAD]  }
0x2f: {  	lr =	sadd.s32 s0, s3;
	s0 =	sld [smem:$0x3FA4]  }
0x30: {  	s3 =	sld [smem:$0x3FA7]  }
0x31: {  	[smem:$0x3FB0] =	sst s10  }
0x32: {  	s10 =	sld [smem:$0x3FAE];
	_ =	sdelay $0x3  }
0x33: {  	p0 =	seq.s32 s10, $0x1;
	s10 =	sld [smem:$0x3FB0];
	_ =	sdelay $0x3  }
0x34: {  	[smem:$0x3FB0] =	sst s10  }
0x35: {  	s10 =	sld [smem:$0x3FAF];
	_ =	sdelay $0x3  }
0x36: {  	p1 =	seq.s32 s10, $0x1;
	s10 =	sld [smem:$0x3FB0];
	_ =	sdelay $0x3  }
0x37: {  	[smem:$0x3FB0] =	sst s10  }
0x38: {  	s10 =	sld [smem:$0x3FB1]  }
0x39: {  	_ = 	snop;
	(pc) =	sbr.ind lr, $3  }
0x3a: {  	_ = 	snop  }
0x3b: {  	_ = 	snop  }
0x3c: {  	p2 =	seq.s32 s10, $0x1;
	s10 =	sld [smem:$0x3FB0]  }
0x3d: {  	_ =	shalt  }
0x3e: {  	_ =	shalt  }
0x3f: {  	_ =	shalt  }
0x40: {  	_ =	shalt  }
0x41: {  	_ =	shalt  }
0x42: {  	_ =	shalt  }
0x43: {  	_ =	shalt  }
0x44: {  	_ =	shalt  }
0x45: {  	_ =	shalt  }
0x46: {  	_ =	shalt  }
0x47: {  	_ =	shalt  }
0x48: {  	_ =	shalt  }
0x49: {  	_ =	shalt  }
0x4a: {  	_ =	shalt  }
0x4b: {  	_ =	shalt  }
0x4c: {  	_ =	shalt  }
0x4d: {  	_ =	shalt  }
0x4e: {  	_ =	shalt  }
0x4f: {  	_ =	shalt  }
0x50: {  	_ =	shalt  }
0x51: {  	_ =	shalt  }
0x52: {  	_ =	shalt  }
0x53: {  	_ =	shalt  }
0x54: {  	_ =	shalt  }
0x55: {  	_ =	shalt  }
0x56: {  	_ =	shalt  }
0x57: {  	_ =	shalt  }
0x58: {  	_ =	shalt  }
0x59: {  	_ =	shalt  }
0x5a: {  	_ =	shalt  }
0x5b: {  	_ =	shalt  }
0x5c: {  	_ =	shalt  }
0x5d: {  	_ =	shalt  }
0x5e: {  	_ =	shalt  }
0x5f: {  	_ =	shalt  }
0x60: {  	_ =	shalt  }
0x61: {  	_ =	shalt  }
0x62: {  	_ =	shalt  }
0x63: {  	_ =	shalt  }
0x64: {  	_ =	shalt  }
0x65: {  	_ =	shalt  }
0x66: {  	_ =	shalt  }
0x67: {  	_ =	shalt  }
0x68: {  	_ =	shalt  }
0x69: {  	_ =	shalt  }
0x6a: {  	_ =	shalt  }
0x6b: {  	_ =	shalt  }
0x6c: {  	_ =	shalt  }
0x6d: {  	_ =	shalt  }
0x6e: {  	_ =	shalt  }
0x6f: {  	_ =	shalt  }
0x70: {  	_ =	shalt  }
0x71: {  	_ =	shalt  }
0x72: {  	_ =	shalt  }
0x73: {  	_ =	shalt  }
0x74: {  	_ =	shalt  }
0x75: {  	_ =	shalt  }
0x76: {  	_ =	shalt  }
0x77: {  	_ =	shalt  }
0x78: {  	_ =	shalt  }
0x79: {  	_ =	shalt  }
0x7a: {  	_ =	shalt  }
0x7b: {  	_ =	shalt  }
0x7c: {  	_ =	shalt  }
0x7d: {  	_ =	shalt  }
0x7e: {  	_ =	shalt  }
0x7f: {  	_ =	shalt  }
0x80: {  	_ =	shalt  }
0x81: {  	_ =	shalt  }
0x82: {  	_ =	shalt  }
0x83: {  	_ =	shalt  }
0x84: {  	_ =	shalt  }
0x85: {  	_ =	shalt  }
0x86: {  	_ =	shalt  }
0x87: {  	_ =	shalt  }
.Lfunc_end0:
.L_simem_size_0:
called_computation.3_lowered:
.L_overlay_start_0:
0x88: {  	s2 =	sld [smem:$0x3FD9]  }
0x89: {  	s3 =	sld [smem:$0x3FFE];
	_ =	sdelay $0x1  }
0x8a: {  	s1 =	srdreg.scid  }
0x8b: {  	s0 =	sand.u32 $0x1, s1  }
0x8c: {  	s17 =	sshll.u32 s0, $0xA;
	s2 =	sadd.s32 s3, s2  }
0x8d: {  	s2 =	sadd.s32 s2, s17  }
0x8e: {  	[smem:$0x3FBC] =	sst s2  }
0x8f: {  	_ = 	snop  }
0x90: {  	s2 =	sld [smem:$0x3FD0];
	(tm) =	ssettm $0x1  }
0x91: {  	s18 =	sld [smem:$0x3FFB];
	_ =	sdelay $0x3  }
0x92: {  	_ =	strace s18  }
0x93: {  	s3 =	sld [smem:$0x3FFC];
	_ =	sdelay $0x3  }
0x94: {  	_ =	strace s3  }
0x95: {  	s3 =	sld [smem:$0x3FFD];
	_ =	sdelay $0x3  }
0x96: {  	_ =	strace s3  }
0x97: {  	_ =	strace $0x8FFFFFFF  }
0x98: {  	s19 =	sld [smem:$0x3FDB];
	_ =	sdelay $0x1  }
0x99: {  	s4 =	simm.s32 $_scs_section_size  }
0x9a: {  	s5 =	simm.s32 $_size__tile_overlayer_lowered;
	s6 =	simm.s32 $_tile_overlayer_lowered  }
0x9b: {  	s22 =	simm.s32 $0x1BFF;
	s21 =	sshll.u32 s6, $0x1;
	s3 =	sadd.s32 s4, s19  }
0x9c: {  	s7 =	simm.s32 $0x0;
	s20 =	sshll.u32 s5, $0x1;
	s5 =	sadd.s32 s21, s3  }
0x9d: {  	[timem:s7], [sflag:s22] =	dma.local [hbm:s5], s20  }
0x9e: {  	_ =	swait.ge [sflag:s22], s20  }
0x9f: {  	s4 =	ssub.s32 $0x0, s20;
	[sflag:s22] =	ssyncset.done $0x0  }
0xa0: {  	[sflag:s22] =	ssyncadd.s32 s4;
	_ =	sdelay $0x1  }
0xa1: {  	s23 =	simm.s32 $0x1B8B  }
0xa2: {  	_ =	swait.ge [sflag:s23], $0x1  }
0xa3: {  	[sflag:s23] =	ssyncset.done $0x0  }
0xa4: {  	s25 =	simm.s32 $0x1B8E;
	s24 =	sld [smem:$0x3FFE];
	[sflag:s23] =	ssyncadd.s32 $0xFFFFFFFF  }
0xa5: {  	s26 =	simm.s32 $execute0_lowered;
	[smem:$0x3FD2] =	sst s25  }
0xa6: {  	s5 =	sshll.u32 s26, $0x1;
	_ =	strace $0x8000004F;
	[dreg:$0x1] =	wrdreg $0xFFFFFFFF  }
0xa7: {  	s28 =	simm.s32 $_size_execute0_lowered;
	s3 =	sadd.s32 s3, s5;
	[dreg:$0x0] =	wrdreg $0x0  }
0xa8: {  	s5 =	sshll.u32 s28, $0x1;
	[dreg:$0x2] =	wrdreg s3  }
0xa9: {  	[dreg:$0x3] =	wrdreg s5  }
0xaa: {  	[dreg:$0x4] =	wrdreg $0xC0  }
0xab: {  	_ =	task [dreg:s7], $0x5FFFF  }
0xac: {  	[dreg:$0x1] =	wrdreg $0xFFFFFFFF  }
0xad: {  	[dreg:$0x0] =	wrdreg $0x60  }
0xae: {  	[dreg:$0x2] =	wrdreg s2  }
0xaf: {  	[dreg:$0x3] =	wrdreg s24  }
0xb0: {  	[dreg:$0x4] =	wrdreg $0x0  }
0xb1: {  	[dreg:$0x5] =	wrdreg $0x9  }
0xb2: {  	_ =	task.clear_ibuf [dreg:s7], $0x6FFFF;
	_ =	strace $0x9000004F  }
0xb3: {  	s29 =	simm.s32 $0x9;
	_ =	strace $0x80000051  }
0xb4: {  	_ =	swait.ge [sflag:s29], $0x1  }
0xb5: {  	[sflag:s29] =	ssyncadd.s32 $0xFFFFFFFF  }
0xb6: {  	_ =	strace $0x90000051  }
0xb7: {  	_ =	sfence  }
0xb8: {  	s30 =	sld [smem:$0x0];
	_ =	sdelay $0x2  }
0xb9: {  	s31 =	sshll.u32 s1, $0xD;
	s1 =	sshrl.u32 s1, $0x2  }
0xba: {  	s3 =	sand.u32 $0x4000, s31;
	s1 =	sadd.s32 s1, s30  }
0xbb: {  	s0 =	sor.u32 s3, s0;
	s1 =	sshll.u32 s1, $0x11  }
0xbc: {  	s0 =	sor.u32 s1, s0  }
0xbd: {  	s0 =	sadd.s32 $0x8F2B, s0  }
0xbe: {  	[sflag:s0] =	ssyncadd.remote.s32 $0x1  }
0xbf: {  	_ =	sfence.sel $0xFFFF  }
0xc0: {  	[dreg:$0x0] =	wrdreg $0xFFFFFFFF;
	(pc) =	sbr.abs _section_cstart, $3  }
0xc1: {  	[dreg:$0x1] =	wrdreg $0xFFFFFFFF  }
0xc2: {  	_ =	task.clear_ibuf [dreg:s7], $0x2FFFF;
	_ =	strace $0x9FFFFFFF  }
0xc3: {  	(tm) =	ssettm $0x7FFFFFFF  }
tec
execute0_lowered:
.L_overlay_start_1:
0x0: {  	(tag) =	ssettag $0x1  }
0x1: {  	s2 =	rddreg [dreg:$0x0]  }
0x2: {  	s5 =	rddreg [dreg:$0x1]  }
0x3: {  	s3 =	rddreg [dreg:$0x2]  }
0x4: {  	s0 =	rddreg [dreg:$0x3]  }
0x5: {  	s1 =	stileid.u32;
	s6 =	srdreg.scid;
	s4 =	simm.s32 $0x0  }
0x6: {  	s14 =	simm.s32 $0x18000;
	s15 =	simm.s32 $0x18200;
	s16 =	simm.s32 $0x18100  }
0x7: {  	s17 =	simm.s32 $0x1AA00;
	s18 =	simm.s32 $0x1;
	s19 =	simm.s32 $0x18080  }
0x8: {  	s20 =	simm.s32 $0x2;
	s21 =	simm.s32 $0x18180;
	s22 =	simm.s32 $0x0  }
0x9: {  	s7 =	smul.u32 $0x14000, s1;
	s6 =	sand.u32 $0x1, s6;
	[smem:$0x7FF] =	sst s4  }
0xa: {  	s9 =	sshll.u32 s1, $0xB;
	s11 =	smul.u32 $0x50000, s1;
	s30 =	sshll.u32 s1, $0x6  }
0xb: {  	s8 =	smul.u32 $0x140000, s6;
	_ =	strace $0x80000050;
	s9 =	sadd.s32 s9, s5  }
0xc: {  	s26 =	ssub.s32 $0x2, s6;
	s6 =	sshll.u32 s6, $0xF;
	s10 =	sshrl.u32 s7, $0x3  }
0xd: {  	s28 =	sshrl.u32 s26, $0x1;
	s29 =	sshrl.u32 s11, $0x2;
	s31 =	sadd.s32 s6, s9  }
0xe: {  	s6 =	sor.u32 $0x1C03, s30;
	s7 =	sadd.s32 s7, s8;
	s10 =	sadd.s32 s10, s5  }
0xf: {  	s13 =	ssub.s32 s26, s28;
	s11 =	sadd.s32 s29, s3;
	s7 =	sshrl.u32 s7, $0x3  }
0x10: {  	s9 =	smax.u32 s13, $0x1;
	s13 =	simm.s32 $0x50;
	s12 =	sadd.s32 s7, s5  }
0x11: {  	s5 =	sadd.s32 $0x67000, s10;
	s7 =	sadd.s32 $0x7000, s31;
	s10 =	sshrl.u32 s11, $0x3  }
0x12: {  	s11 =	simm.s32 $0x3;
	s8 =	sadd.s32 $0x8F000, s12;
	s12 =	simm.s32 $0x14000  }
.LBB2_1:
0x13: {  	[spmem:s10], [sflag:s6] =	dma.local [hbm:s5], $0x2800  }
0x14: {  	_ =	swait.ge [sflag:s11], $0x2800  }
0x15: {  	[sflag:s11] =	ssyncset.done $0x0  }
0x16: {  	[sflag:s11] =	ssyncadd.s32 $0xFFFFD800  }
0x17: {  	[tilespmem:s12], [sflag:$0x3] =	stream.linear.gather [hbm4b:s7+s4], $0x4000, $0x38;
	[tilespmem:$0x1D200] =	vst v63  }
0x18: {  	_ =	swait.ge [sflag:s11], $0x4000  }
0x19: {  	[sflag:s11] =	ssyncset.done $0x0  }
0x1a: {  	[sflag:s11] =	ssyncadd.s32 $0xFFFFC000  }
0x1b: {  	[bflag:$0x0] =	sbarrier.arrive $0xFFFF  }
0x1c: {  	v0 =	vld [tilespmem:$0x14000];
	_ =	sdelay $0x1  }
0x1d: {  	v1 =	vld [tilespmem:$0x14010];
	_ =	sdelay $0x1  }
0x1e: {  	v2 =	vld [tilespmem:$0x14020]  }
0x1f: {  	v3 =	vshrl.u32 v0, $0xE  }
0x20: {  	v0 =	vand.u32 $0x3FFF, v0;
	[tilespmem:$0x18000] =	vst v3;
	v3 =	vld [tilespmem:$0x14030]  }
0x21: {  	[tilespmem:$0x18080] =	vst v0;
	v0 =	vshrl.u32 v1, $0xE  }
0x22: {  	[tilespmem:$0x18010] =	vst v0;
	v0 =	vand.u32 $0x3FFF, v1;
	v1 =	vld [tilespmem:$0x14040]  }
0x23: {  	[tilespmem:$0x18090] =	vst v0;
	v0 =	vshrl.u32 v2, $0xE  }
0x24: {  	[tilespmem:$0x18020] =	vst v0;
	v0 =	vand.u32 $0x3FFF, v2  }
0x25: {  	[tilespmem:$0x180A0] =	vst v0;
	v0 =	vshrl.u32 v3, $0xE  }
0x26: {  	[tilespmem:$0x18030] =	vst v0;
	v0 =	vand.u32 $0x3FFF, v3  }
0x27: {  	[tilespmem:$0x180B0] =	vst v0;
	v0 =	vshrl.u32 v1, $0xE  }
0x28: {  	[tilespmem:$0x18040] =	vst v0;
	v0 =	vand.u32 $0x3FFF, v1  }
0x29: {  	[tilespmem:$0x180C0] =	vst v0  }
0x2a: {  	[tilespmem:s15], [sflag:$0x1] =	stream.indirect.gather [hbm4b:s2+s13], $0x80, s14, s13, $0xb8;
	[tilespmem:$0x1D200] =	vst v63  }
0x2b: {  	v0 =	vld [tilespmem:$0x14080];
	_ =	sdelay $0x1  }
0x2c: {  	v1 =	vld [tilespmem:$0x14090];
	_ =	sdelay $0x1  }
0x2d: {  	v2 =	vld [tilespmem:$0x140A0]  }
0x2e: {  	v3 =	vshrl.u32 v0, $0xE  }
0x2f: {  	v0 =	vand.u32 $0x3FFF, v0;
	[tilespmem:$0x18100] =	vst v3;
	v3 =	vld [tilespmem:$0x140B0]  }
0x30: {  	[tilespmem:$0x18180] =	vst v0;
	v0 =	vshrl.u32 v1, $0xE  }
0x31: {  	[tilespmem:$0x18110] =	vst v0;
	v0 =	vand.u32 $0x3FFF, v1;
	v1 =	vld [tilespmem:$0x140C0]  }
0x32: {  	[tilespmem:$0x18190] =	vst v0;
	v0 =	vshrl.u32 v2, $0xE  }
0x33: {  	[tilespmem:$0x18120] =	vst v0;
	v0 =	vand.u32 $0x3FFF, v2  }
0x34: {  	[tilespmem:$0x181A0] =	vst v0;
	v0 =	vshrl.u32 v3, $0xE  }
0x35: {  	[tilespmem:$0x18130] =	vst v0;
	v0 =	vand.u32 $0x3FFF, v3  }
0x36: {  	[tilespmem:$0x181B0] =	vst v0;
	v0 =	vshrl.u32 v1, $0xE  }
0x37: {  	[tilespmem:$0x18140] =	vst v0;
	v0 =	vand.u32 $0x3FFF, v1  }
0x38: {  	[tilespmem:$0x181C0] =	vst v0  }
0x39: {  	[tilespmem:s17], [sflag:$0x2] =	stream.indirect.gather [hbm4b:s2+s13], $0x80, s16, s13, $0xb8;
	[tilespmem:$0x1D200] =	vst v63  }
0x3a: {  	_ =	swait.ge [sflag:s18], $0x2800  }
0x3b: {  	[sflag:s18] =	ssyncset.done $0x0  }
0x3c: {  	[sflag:s18] =	ssyncadd.s32 $0xFFFFD800  }
0x3d: {  	[spmem:s3] =	stream.indirect.scatter.add.f32 [tilespmem:s15], [sflag:$0x3], $0x80, s19, s13, $0xb8;
	[tilespmem:$0x1D200] =	vst v63  }
0x3e: {  	_ =	swait.ge [sflag:s11], $0x2800  }
0x3f: {  	s23 =	simm.s32 $0x100;
	[sflag:s11] =	ssyncset.done $0x0  }
0x40: {  	s23 =	sand.u32 $0x3F00, s23;
	[sflag:s11] =	ssyncadd.s32 $0xFFFFD800  }
0x41: {  	v0 =	vld [tilespmem:s23+$0x14000];
	_ =	sdelay $0x4  }
0x42: {  	v1 =	vshrl.u32 v0, $0xE  }
0x43: {  	v0 =	vand.u32 $0x3FFF, v0;
	[tilespmem:$0x18000] =	vst v1  }
0x44: {  	[tilespmem:$0x18080] =	vst v0  }
0x45: {  	v0 =	vld [tilespmem:s23+$0x14010];
	_ =	sdelay $0x4  }
0x46: {  	v1 =	vshrl.u32 v0, $0xE  }
0x47: {  	v0 =	vand.u32 $0x3FFF, v0;
	[tilespmem:$0x18010] =	vst v1  }
0x48: {  	[tilespmem:$0x18090] =	vst v0  }
0x49: {  	v0 =	vld [tilespmem:s23+$0x14020];
	_ =	sdelay $0x4  }
0x4a: {  	v1 =	vshrl.u32 v0, $0xE  }
0x4b: {  	v0 =	vand.u32 $0x3FFF, v0;
	[tilespmem:$0x18020] =	vst v1  }
0x4c: {  	[tilespmem:$0x180A0] =	vst v0  }
0x4d: {  	v0 =	vld [tilespmem:s23+$0x14030];
	_ =	sdelay $0x4  }
0x4e: {  	v1 =	vshrl.u32 v0, $0xE  }
0x4f: {  	v0 =	vand.u32 $0x3FFF, v0;
	[tilespmem:$0x18030] =	vst v1  }
0x50: {  	[tilespmem:$0x180B0] =	vst v0  }
0x51: {  	v0 =	vld [tilespmem:s23+$0x14040];
	_ =	sdelay $0x4  }
0x52: {  	v1 =	vshrl.u32 v0, $0xE  }
0x53: {  	v0 =	vand.u32 $0x3FFF, v0;
	[tilespmem:$0x18040] =	vst v1  }
0x54: {  	[tilespmem:$0x180C0] =	vst v0  }
0x55: {  	[tilespmem:s15], [sflag:$0x1] =	stream.indirect.gather [hbm4b:s2+s13], $0x80, s14, s13, $0xb8;
	[tilespmem:$0x1D200] =	vst v63  }
0x56: {  	_ =	swait.ge [sflag:s20], $0x2800  }
0x57: {  	[sflag:s20] =	ssyncset.done $0x0  }
0x58: {  	[sflag:s20] =	ssyncadd.s32 $0xFFFFD800  }
0x59: {  	[spmem:s3] =	stream.indirect.scatter.add.f32 [tilespmem:s17], [sflag:$0x3], $0x80, s21, s13, $0xb8;
	[tilespmem:$0x1D200] =	vst v63  }
0x5a: {  	_ =	swait.ge [sflag:s11], $0x2800  }
0x5b: {  	s31 =	simm.s32 $0x180;
	[sflag:s11] =	ssyncset.done $0x0  }
0x5c: {  	s25 =	sand.u32 $0x3F80, s31;
	[sflag:s11] =	ssyncadd.s32 $0xFFFFD800  }
0x5d: {  	v0 =	vld [tilespmem:s25+$0x14000];
	_ =	sdelay $0x4  }
0x5e: {  	v1 =	vshrl.u32 v0, $0xE  }
0x5f: {  	v0 =	vand.u32 $0x3FFF, v0;
	[tilespmem:$0x18100] =	vst v1  }
0x60: {  	[tilespmem:$0x18180] =	vst v0  }
0x61: {  	v0 =	vld [tilespmem:s25+$0x14010];
	_ =	sdelay $0x4  }
0x62: {  	v1 =	vshrl.u32 v0, $0xE  }
0x63: {  	v0 =	vand.u32 $0x3FFF, v0;
	[tilespmem:$0x18110] =	vst v1  }
0x64: {  	[tilespmem:$0x18190] =	vst v0  }
0x65: {  	v0 =	vld [tilespmem:s25+$0x14020];
	_ =	sdelay $0x4  }
0x66: {  	v1 =	vshrl.u32 v0, $0xE  }
0x67: {  	v0 =	vand.u32 $0x3FFF, v0;
	[tilespmem:$0x18120] =	vst v1  }
0x68: {  	[tilespmem:$0x181A0] =	vst v0  }
0x69: {  	v0 =	vld [tilespmem:s25+$0x14030];
	_ =	sdelay $0x4  }
0x6a: {  	s23 =	simm.s32 $0x280;
	v1 =	vshrl.u32 v0, $0xE;
	v0 =	vand.u32 $0x3FFF, v0  }
.LBB2_2:
0x6b: {  	p0 =	sne.s32 s23, $0x4080;
	[tilespmem:$0x18130] =	vst v1;
	s24 =	smov.u32 s23;
	s23 =	sadd.s32 $0x100, s23  }
0x6c: {  	[tilespmem:$0x181B0] =	vst v0  }
0x6d: {  	v0 =	vld [tilespmem:s25+$0x14040];
	_ =	sdelay $0x4  }
0x6e: {  	v1 =	vshrl.u32 v0, $0xE;
	v0 =	vand.u32 $0x3FFF, v0  }
0x6f: {  	[tilespmem:$0x18140] =	vst v1  }
0x70: {  	[tilespmem:$0x181C0] =	vst v0  }
0x71: {  	[tilespmem:s17], [sflag:$0x2] =	stream.indirect.gather [hbm4b:s2+s13], $0x80, s16, s13, $0xb8;
	[tilespmem:$0x1D200] =	vst v63  }
0x72: {  	_ =	swait.ge [sflag:s18], $0x2800  }
0x73: {  	[sflag:s18] =	ssyncset.done $0x0  }
0x74: {  	[sflag:s18] =	ssyncadd.s32 $0xFFFFD800  }
0x75: {  	[spmem:s3] =	stream.indirect.scatter.add.f32 [tilespmem:s15], [sflag:$0x3], $0x80, s19, s13, $0xb8;
	[tilespmem:$0x1D200] =	vst v63  }
0x76: {  	_ =	swait.ge [sflag:s11], $0x2800  }
0x77: {  	s25 =	sadd.s32 $0xFFFFFF80, s24;
	[sflag:s11] =	ssyncset.done $0x0  }
0x78: {  	s25 =	sand.u32 $0x3F00, s25;
	[sflag:s11] =	ssyncadd.s32 $0xFFFFD800  }
0x79: {  	v0 =	vld [tilespmem:s25+$0x14000];
	_ =	sdelay $0x4  }
0x7a: {  	v1 =	vshrl.u32 v0, $0xE;
	v0 =	vand.u32 $0x3FFF, v0  }
0x7b: {  	[tilespmem:$0x18000] =	vst v1  }
0x7c: {  	[tilespmem:$0x18080] =	vst v0  }
0x7d: {  	v0 =	vld [tilespmem:s25+$0x14010];
	_ =	sdelay $0x4  }
0x7e: {  	v1 =	vshrl.u32 v0, $0xE;
	v0 =	vand.u32 $0x3FFF, v0  }
0x7f: {  	[tilespmem:$0x18010] =	vst v1  }
0x80: {  	[tilespmem:$0x18090] =	vst v0  }
0x81: {  	v0 =	vld [tilespmem:s25+$0x14020];
	_ =	sdelay $0x4  }
0x82: {  	v1 =	vshrl.u32 v0, $0xE;
	v0 =	vand.u32 $0x3FFF, v0  }
0x83: {  	[tilespmem:$0x18020] =	vst v1  }
0x84: {  	[tilespmem:$0x180A0] =	vst v0  }
0x85: {  	v0 =	vld [tilespmem:s25+$0x14030];
	_ =	sdelay $0x4  }
0x86: {  	v1 =	vshrl.u32 v0, $0xE;
	v0 =	vand.u32 $0x3FFF, v0  }
0x87: {  	[tilespmem:$0x18030] =	vst v1  }
0x88: {  	[tilespmem:$0x180B0] =	vst v0  }
0x89: {  	v0 =	vld [tilespmem:s25+$0x14040];
	_ =	sdelay $0x4  }
0x8a: {  	v1 =	vshrl.u32 v0, $0xE;
	v0 =	vand.u32 $0x3FFF, v0  }
0x8b: {  	[tilespmem:$0x18040] =	vst v1  }
0x8c: {  	[tilespmem:$0x180C0] =	vst v0  }
0x8d: {  	[tilespmem:s15], [sflag:$0x1] =	stream.indirect.gather [hbm4b:s2+s13], $0x80, s14, s13, $0xb8;
	[tilespmem:$0x1D200] =	vst v63  }
0x8e: {  	_ =	swait.ge [sflag:s20], $0x2800  }
0x8f: {  	s25 =	sand.u32 $0x3F80, s24;
	[sflag:s20] =	ssyncset.done $0x0  }
0x90: {  	[sflag:s20] =	ssyncadd.s32 $0xFFFFD800  }
0x91: {  	[spmem:s3] =	stream.indirect.scatter.add.f32 [tilespmem:s17], [sflag:$0x3], $0x80, s21, s13, $0xb8;
	[tilespmem:$0x1D200] =	vst v63  }
0x92: {  	_ =	swait.ge [sflag:s11], $0x2800  }
0x93: {  	[sflag:s11] =	ssyncset.done $0x0  }
0x94: {  	[sflag:s11] =	ssyncadd.s32 $0xFFFFD800  }
0x95: {  	v0 =	vld [tilespmem:s25+$0x14000];
	_ =	sdelay $0x4  }
0x96: {  	v1 =	vshrl.u32 v0, $0xE;
	v0 =	vand.u32 $0x3FFF, v0  }
0x97: {  	[tilespmem:$0x18100] =	vst v1  }
0x98: {  	[tilespmem:$0x18180] =	vst v0  }
0x99: {  	v0 =	vld [tilespmem:s25+$0x14010];
	_ =	sdelay $0x4  }
0x9a: {  	v1 =	vshrl.u32 v0, $0xE;
	v0 =	vand.u32 $0x3FFF, v0  }
0x9b: {  	[tilespmem:$0x18110] =	vst v1  }
0x9c: {  	[tilespmem:$0x18190] =	vst v0  }
0x9d: {  	v0 =	vld [tilespmem:s25+$0x14020];
	_ =	sdelay $0x4  }
0x9e: {  	v1 =	vshrl.u32 v0, $0xE;
	v0 =	vand.u32 $0x3FFF, v0  }
0x9f: {  	[tilespmem:$0x18120] =	vst v1  }
0xa0: {  	[tilespmem:$0x181A0] =	vst v0  }
0xa1: {  	v0 =	vld [tilespmem:s25+$0x14030]  }
.Ltmp0:
0xa2: {  	(pc) =	sbr.rel @p0 .LBB2_2-.Ltmp0, $2  }
0xa3: {  	_ =	sdelay $0x2  }
0xa4: {  	v1 =	vshrl.u32 v0, $0xE;
	v0 =	vand.u32 $0x3FFF, v0  }
0xa5: {  	[tilespmem:$0x18130] =	vst v1  }
0xa6: {  	[tilespmem:$0x181B0] =	vst v0  }
0xa7: {  	v0 =	vld [tilespmem:s25+$0x14040];
	_ =	sdelay $0x4  }
0xa8: {  	v63 =	vshrl.u32 v0, $0xE  }
0xa9: {  	v0 =	vand.u32 $0x3FFF, v0;
	[tilespmem:$0x18140] =	vst v63  }
0xaa: {  	[tilespmem:$0x181C0] =	vst v0  }
0xab: {  	[tilespmem:s17], [sflag:$0x2] =	stream.indirect.gather [hbm4b:s2+s13], $0x80, s16, s13, $0xb8;
	[tilespmem:$0x1D200] =	vst v63  }
0xac: {  	_ =	swait.ge [sflag:s18], $0x2800  }
0xad: {  	[sflag:s18] =	ssyncset.done $0x0  }
0xae: {  	[sflag:s18] =	ssyncadd.s32 $0xFFFFD800  }
0xaf: {  	_ =	swait.ge [sflag:s20], $0x2800  }
0xb0: {  	s22 =	sadd.s32 $0x1, s22;
	[sflag:s20] =	ssyncset.done $0x0  }
0xb1: {  	p0 =	sne.s32 s22, s9;
	[sflag:s20] =	ssyncadd.s32 $0xFFFFD800  }
.Ltmp1:
0xb2: {  	[bflag:$0x0] =	sbarrier.arrive $0xFFFF;
	(pc) =	sbr.rel @p0 .LBB2_1-.Ltmp1, $4  }
0xb3: {  	[hbm:s8], [sflag:s6] =	dma.local [spmem:s10], $0x2800  }
0xb4: {  	_ =	swait.ge [sflag:s11], $0x2800  }
0xb5: {  	[sflag:s11] =	ssyncset.done $0x0  }
0xb6: {  	[sflag:s11] =	ssyncadd.s32 $0xFFFFD800  }
0xb7: {  	_ =	sfence.sel $0x180000  }
0xb8: {  	[bflag:$0x0] =	sbarrier.arrive $0xFFFF  }
0xb9: {  	p0 =	sne.s32 s1, $0x0;
	_ =	strace $0x90000050  }
0xba: {  	s0 =	sadd.s32 @!p0 $0x100000, s0;
	[bflag:$0x2] =	sbarrier.arrive $0xFFFF  }
0xbb: {  	[sflag:s0] =	ssyncadd.tile.s32 @!p0 $0x1;
	_ =	shalt  }
.Lfunc_end2:
_tile_overlayer_lowered:
.L_overlay_start_2:
0xbc: {  	(tag) =	ssettag $0x2  }
0xbd: {  	s0 =	rddreg [dreg:$0x0];
	s2 =	stileid.u32  }
0xbe: {  	s1 =	rddreg [dreg:$0x1];
	p0 =	sne.s32 s2, $0x0  }
0xbf: {  	s3 =	rddreg [dreg:$0x2];
	[bflag:$0x3] =	sbarrier.arrive $0xFFFF;
	s2 =	simm.s32 @!p0 $0x1C03  }
0xc0: {  	[timem:s3], [sflag:s2] =	dma.local @!p0 [hbm:s0], s1  }
0xc1: {  	s0 =	simm.s32 @!p0 $0x3  }
0xc2: {  	_ =	swait.ge @!p0 [sflag:s0], s1  }
0xc3: {  	s1 =	ssub.s32 @!p0 $0x0, s1;
	[sflag:s0] =	ssyncset.done @!p0 $0x0  }
0xc4: {  	[sflag:s0] =	ssyncadd.s32 @!p0 s1  }
0xc5: {  	[bflag:$0x3] =	sbarrier.arrive $0xFFFF  }
0xc6: {  	_ =	shalt  }

</sc_bundles>
